<compile_context>
chip_gen: v7x
topology: tpu7x:2x2x1
jax: 0.10.2.dev20260603
libtpu: 0.0.44.dev20260713+nightly
codegen_flags: <defaults>
</compile_context>

<pallas_src>
import functools

import jax
import jax.numpy as jnp
from jax import lax
from jax.experimental import pallas as pl
from jax.experimental.pallas import tpu as pltpu
from jax.experimental.pallas import tpu_sc as plsc

_F32 = jnp.float32
_BF16 = jnp.bfloat16

_NC = 2
_NS = 16
_NW = _NC * _NS


def _silu(g):
    return g * (1.0 / (1.0 + jnp.exp(-g)))


def _base_body(x_ref, wg_ref, wu_ref, wd_ref, o_ref):
    f = pl.program_id(0)
    xb = x_ref[...].astype(_BF16)
    wgb = wg_ref[...].astype(_BF16)
    wub = wu_ref[...].astype(_BF16)
    wdb = wd_ref[...].astype(_BF16)
    g = jnp.dot(xb, wgb, preferred_element_type=_F32)
    u = jnp.dot(xb, wub, preferred_element_type=_F32)
    h = (_silu(g) * u).astype(_BF16)
    contrib = jnp.dot(h, wdb, preferred_element_type=_F32)

    @pl.when(f == 0)
    def _():
        o_ref[...] = contrib

    @pl.when(f > 0)
    def _():
        o_ref[...] += contrib


def _pos_body(ids_ref, pos_ref, ends_ref, *, A):
    NB, L = ids_ref.shape
    R = A * NB
    ids = ids_ref[...]
    ids_t = jnp.concatenate([ids] * A, axis=0)
    a_row = lax.broadcasted_iota(jnp.int32, (R, L), 0) // NB
    onehot = (ids_t == a_row).astype(_BF16)
    c_lo = lax.broadcasted_iota(jnp.int32, (L, L), 0)
    c_hi = lax.broadcasted_iota(jnp.int32, (L, L), 1)
    lt_incl = (c_lo <= c_hi).astype(_BF16)
    csum = jnp.dot(onehot, lt_incl, preferred_element_type=_F32)
    tot = csum[:, L - 1:L]
    r_io = lax.broadcasted_iota(jnp.int32, (R, R), 0)
    c_io = lax.broadcasted_iota(jnp.int32, (R, R), 1)
    same_a = (r_io // NB) == (c_io // NB)
    m_chunk = (same_a & (c_io < r_io)).astype(_F32)
    m_adapt = ((c_io // NB) < (r_io // NB)).astype(_F32)
    cum_c = jnp.dot(m_chunk, tot, preferred_element_type=_F32)
    offs_c = jnp.dot(m_adapt, tot, preferred_element_type=_F32)
    z = onehot.astype(_F32) * (csum + cum_c + offs_c - 1.0)
    acc = z[0:NB]
    for a in range(1, A):
        acc = acc + z[a * NB:(a + 1) * NB]
    pos_ref[...] = acc.astype(jnp.int32)
    ends_ref[...] = (cum_c + tot).astype(jnp.int32)


def _dot_t(a, b):
    return lax.dot_general(a, b, (((1,), (1,)), ((), ())),
                           preferred_element_type=_F32)


def _adapter_body(meta_ref, xs_ref, rg_ref, fg_ref, ru_ref, fu_ref,
                  rd_ref, fd_ref, sv_ref, ys_ref):
    i = pl.program_id(0)
    TT, H = xs_ref.shape
    NR = rg_ref.shape[1]
    xb = xs_ref[...].astype(_BF16)
    row = lax.broadcasted_iota(jnp.int32, (TT, 1), 0) + meta_ref[0, i] * TT
    m = (row >= meta_ref[3, i]) & (row < meta_ref[4, i])
    sv = sv_ref[0]

    g_r = _dot_t(xb, rg_ref[0].astype(_BF16))
    u_r = _dot_t(xb, ru_ref[0].astype(_BF16))
    inter_r = _silu(g_r) * u_r * sv[:, :NR]
    inter_r = jnp.where(m, inter_r, 0.0).astype(_BF16)

    g_f = _dot_t(xb, fg_ref[0].astype(_BF16))
    u_f = _dot_t(xb, fu_ref[0].astype(_BF16))
    inter_f = _silu(g_f) * u_f * sv[:, NR:]
    inter_f = jnp.where(m, inter_f, 0.0).astype(_BF16)

    contrib = (_dot_t(inter_r, rd_ref[0].astype(_BF16))
               + _dot_t(inter_f, fd_ref[0].astype(_BF16)))

    @pl.when(meta_ref[2, i] == 1)
    def _():
        ys_ref[...] = contrib

    @pl.when(meta_ref[2, i] == 0)
    def _():
        ys_ref[...] += contrib


def _sc_permute(x_hbm, pos_hbm, xs_hbm, idx_v, rows_v, sem):
    wid = lax.axis_index("s") * _NC + lax.axis_index("c")
    cb = x_hbm.shape[0] // _NW
    base = wid * cb
    pltpu.sync_copy(pos_hbm.at[pl.ds(base, cb)], idx_v)
    pltpu.sync_copy(x_hbm.at[pl.ds(base, cb)], rows_v)
    pltpu.async_copy(rows_v, xs_hbm.at[idx_v], sem).wait()


def _sc_finalize(base_hbm, ys_hbm, pos_hbm, out_hbm, idx_v, yrows_v,
                 brows_v, sem):
    wid = lax.axis_index("s") * _NC + lax.axis_index("c")
    T, H = base_hbm.shape
    cb = T // (_NW * 2)

    for j in range(2):
        sb = wid * cb * 2 + j * cb
        pltpu.sync_copy(pos_hbm.at[pl.ds(sb, cb)], idx_v)
        pltpu.async_copy(ys_hbm.at[idx_v], yrows_v, sem).wait()
        pltpu.sync_copy(base_hbm.at[pl.ds(sb, cb)], brows_v)

        def add_body(r, carry):
            for c in range(0, H, 16):
                brows_v[r, pl.ds(c, 16)] = (brows_v[r, pl.ds(c, 16)]
                                            + yrows_v[r, pl.ds(c, 16)])
            return carry

        lax.fori_loop(0, cb, add_body, 0)
        pltpu.sync_copy(brows_v, out_hbm.at[pl.ds(sb, cb)])


def kernel(x, w_gate_up, w_down, retain_gate, retain_up, retain_down,
           forget_gate, forget_up, forget_down, scales, token_experiment_ids):
    T, H = x.shape
    FF = w_down.shape[0]
    A, NR, _ = retain_gate.shape
    NFG = forget_gate.shape[1]
    N2 = NR + NFG
    TT = 256
    NT = T // TT

    NB = T // 128
    ids_2d = token_experiment_ids.astype(jnp.int32).reshape(NB, 128)

    pos_2d, ends_col = pl.pallas_call(
        functools.partial(_pos_body, A=A),
        grid=(1,),
        in_specs=[pl.BlockSpec((NB, 128), lambda i: (0, 0))],
        out_specs=[pl.BlockSpec((NB, 128), lambda i: (0, 0)),
                   pl.BlockSpec((A * NB, 1), lambda i: (0, 0))],
        out_shape=[jax.ShapeDtypeStruct((NB, 128), jnp.int32),
                   jax.ShapeDtypeStruct((A * NB, 1), jnp.int32)],
    )(ids_2d)
    pos = pos_2d.reshape(T)
    counts = ends_col.reshape(A, NB)[:, NB - 1]
    offs = jnp.concatenate([jnp.zeros((1,), jnp.int32),
                            jnp.cumsum(counts).astype(jnp.int32)])
    tile_starts = jnp.arange(NT, dtype=jnp.int32) * TT
    starts = jnp.sort(jnp.concatenate([tile_starts, offs[1:A]]))
    ends = jnp.concatenate([starts[1:], jnp.array([T], jnp.int32)])
    ti = jnp.clip(starts // TT, 0, NT - 1)
    ei = jnp.clip(jnp.searchsorted(offs, starts, side='right') - 1, 0, A - 1)
    first = jnp.concatenate([jnp.ones((1,), jnp.int32),
                             (ti[1:] != ti[:-1]).astype(jnp.int32)])
    meta = jnp.stack([ti, ei.astype(jnp.int32), first, starts, ends])

    sc_permute = functools.partial(
        pl.kernel,
        out_type=jax.ShapeDtypeStruct((T, H), _F32),
        mesh=plsc.VectorSubcoreMesh(core_axis_name="c", subcore_axis_name="s"),
        scratch_types=[
            pltpu.VMEM((T // _NW,), jnp.int32),
            pltpu.VMEM((T // _NW, H), _F32),
            pltpu.SemaphoreType.DMA,
        ],
    )(_sc_permute)
    xs = sc_permute(x, pos)

    NFB = 8
    BF = FF // NFB
    base = pl.pallas_call(
        _base_body,
        grid=(NFB,),
        in_specs=[
            pl.BlockSpec((T, H), lambda f: (0, 0)),
            pl.BlockSpec((H, BF), lambda f: (0, f)),
            pl.BlockSpec((H, BF), lambda f: (0, f + NFB)),
            pl.BlockSpec((BF, H), lambda f: (f, 0)),
        ],
        out_specs=pl.BlockSpec((T, H), lambda f: (0, 0)),
        out_shape=jax.ShapeDtypeStruct((T, H), _F32),
        compiler_params=pltpu.CompilerParams(
            dimension_semantics=("arbitrary",)),
    )(x, w_gate_up, w_gate_up, w_down)

    scale_vec = jnp.concatenate([jnp.repeat(scales[:, 0:1], NR, axis=1),
                                 jnp.repeat(scales[:, 1:2], NFG, axis=1)], axis=1)
    scale_vec = scale_vec.reshape(A, 1, N2)

    NSTEP = NT + A - 1
    ys = pl.pallas_call(
        _adapter_body,
        grid_spec=pltpu.PrefetchScalarGridSpec(
            num_scalar_prefetch=1,
            grid=(NSTEP,),
            in_specs=[
                pl.BlockSpec((TT, H), lambda i, m: (m[0, i], 0)),
                pl.BlockSpec((1, NR, H), lambda i, m: (m[1, i], 0, 0)),
                pl.BlockSpec((1, NFG, H), lambda i, m: (m[1, i], 0, 0)),
                pl.BlockSpec((1, NR, H), lambda i, m: (m[1, i], 0, 0)),
                pl.BlockSpec((1, NFG, H), lambda i, m: (m[1, i], 0, 0)),
                pl.BlockSpec((1, H, NR), lambda i, m: (m[1, i], 0, 0)),
                pl.BlockSpec((1, H, NFG), lambda i, m: (m[1, i], 0, 0)),
                pl.BlockSpec((1, 1, N2), lambda i, m: (m[1, i], 0, 0)),
            ],
            out_specs=pl.BlockSpec((TT, H), lambda i, m: (m[0, i], 0)),
        ),
        out_shape=jax.ShapeDtypeStruct((T, H), _F32),
        compiler_params=pltpu.CompilerParams(
            dimension_semantics=("arbitrary",)),
    )(meta, xs, retain_gate, forget_gate, retain_up, forget_up,
      retain_down, forget_down, scale_vec)

    sc_finalize = functools.partial(
        pl.kernel,
        out_type=jax.ShapeDtypeStruct((T, H), _F32),
        mesh=plsc.VectorSubcoreMesh(core_axis_name="c", subcore_axis_name="s"),
        scratch_types=[
            pltpu.VMEM((T // (_NW * 2),), jnp.int32),
            pltpu.VMEM((T // (_NW * 2), H), _F32),
            pltpu.VMEM((T // (_NW * 2), H), _F32),
            pltpu.SemaphoreType.DMA,
        ],
    )(_sc_finalize)
    return sc_finalize(base, ys, pos)

# --- scband reference (transcript-rebuilt; emitter-appended) ---
"""Pipeline reference for scband-vllmdual-mlpadapter-16441134809915 (READ-ONLY COPY).

The authoritative reference and input builder live on the scoring server;
editing this copy changes nothing except your own understanding.
"""

import jax, jax.numpy as jnp
import numpy as np

T = 2048   # tokens (batch 1 x seq 2048)
H = 1024   # hidden_dim
FF = 4096  # base MLP intermediate size
A = 8      # max_adapters
NR = 128   # retain_neurons
NF = 128   # forget_neurons


def setup_inputs(seed: int = 0) -> dict:
    key = jax.random.key(seed)
    ks = jax.random.split(key, 12)
    x = jax.random.normal(ks[0], (T, H), dtype=jnp.float32)
    token_experiment_ids = jax.random.randint(ks[1], (T,), 0, A, dtype=jnp.int64 if jax.config.jax_enable_x64 else jnp.int32)
    w_gate_up = (jax.random.normal(ks[2], (H, 2 * FF), dtype=jnp.float32) * 0.02)
    w_down = (jax.random.normal(ks[3], (FF, H), dtype=jnp.float32) * 0.02)
    retain_gate = jax.random.normal(ks[4], (A, NR, H), dtype=jnp.float32) * 0.02
    retain_up = jax.random.normal(ks[5], (A, NR, H), dtype=jnp.float32) * 0.02
    retain_down = jax.random.normal(ks[6], (A, H, NR), dtype=jnp.float32) * 0.02
    forget_gate = jax.random.normal(ks[7], (A, NF, H), dtype=jnp.float32) * 0.02
    forget_up = jax.random.normal(ks[8], (A, NF, H), dtype=jnp.float32) * 0.02
    forget_down = jax.random.normal(ks[9], (A, H, NF), dtype=jnp.float32) * 0.02
    scales = jnp.ones((A, 2), dtype=jnp.float32)
    return {
        'x': x,
        'w_gate_up': w_gate_up,
        'w_down': w_down,
        'retain_gate': retain_gate,
        'retain_up': retain_up,
        'retain_down': retain_down,
        'forget_gate': forget_gate,
        'forget_up': forget_up,
        'forget_down': forget_down,
        'scales': scales,
        'token_experiment_ids': token_experiment_ids,
    }


def reference(x, w_gate_up, w_down, retain_gate, retain_up, retain_down,
              forget_gate, forget_up, forget_down, scales, token_experiment_ids):
    num_tokens = x.shape[0]
    # base LlamaMLP: merged gate_up proj -> SwiGLU -> down proj
    gu = x @ w_gate_up                      # [T, 2*FF]
    gate, up = jnp.split(gu, 2, axis=-1)
    base_out = (jax.nn.silu(gate) * up) @ w_down   # [T, H]

    safe_idx = jnp.clip(token_experiment_ids, 0, None)
    rows = jnp.arange(num_tokens)
    adapter_out = jnp.zeros((num_tokens, x.shape[1]), dtype=x.dtype)

    # retain branch: compute all adapter slots for all tokens, then gather per-token slot
    all_gate = jnp.einsum('anh,th->tan', retain_gate, x)
    all_up = jnp.einsum('anh,th->tan', retain_up, x)
    all_inter = jax.nn.silu(all_gate) * all_up
    all_down = jnp.einsum('ahn,tan->tah', retain_down, all_inter)  # [T, A, H]
    selected = all_down[rows, safe_idx]                            # [T, H]
    r_scale = scales[safe_idx, 0][:, None]
    adapter_out = adapter_out + selected * r_scale

    # forget branch
    all_gate = jnp.einsum('anh,th->tan', forget_gate, x)
    all_up = jnp.einsum('anh,th->tan', forget_up, x)
    all_inter = jax.nn.silu(all_gate) * all_up
    all_down = jnp.einsum('ahn,tan->tah', forget_down, all_inter)
    selected = all_down[rows, safe_idx]
    f_scale = scales[safe_idx, 1][:, None]
    adapter_out = adapter_out + selected * f_scale

    neg_mask = (token_experiment_ids >= 0)[:, None].astype(adapter_out.dtype)
    adapter_out = adapter_out * neg_mask
    return base_out + adapter_out

if __name__ == "__main__":
    import jax
    _d = setup_inputs()
    print(jax.jit(kernel)(*tuple(_d.values())))

</pallas_src>

<mosaic_0001>
#map = affine_map<(d0, d1) -> (0, 0)>
#map1 = affine_map<(d0, d1) -> (0)>
module attributes {stable_mosaic.version = 14 : i64} {
  func.func @_sc_finalize(%arg0: i32, %arg1: i32, %arg2: memref<2048x1024xf32, #tpu.memory_space<hbm>>, %arg3: memref<2048x1024xf32, #tpu.memory_space<hbm>>, %arg4: memref<2048xi32, #tpu.memory_space<hbm>>, %arg5: memref<2048x1024xf32, #tpu.memory_space<hbm>>, %arg6: memref<32xi32, #tpu.memory_space<vmem>>, %arg7: memref<32x1024xf32, #tpu.memory_space<vmem>>, %arg8: memref<32x1024xf32, #tpu.memory_space<vmem>>, %arg9: memref<!tpu.dma_semaphore, #tpu.memory_space<semaphore_mem>>) attributes {dimension_semantics = [#tpu.dimension_semantics<core_parallel>, #tpu.dimension_semantics<subcore_parallel>], iteration_bounds = array<i64: 2, 16>, scalar_prefetch = 0 : i64, scratch_operands = 4 : i64, tpu.core_type = #tpu.core_type<sc_vector_subcore>, window_params = [{transform_indices = #map}, {transform_indices = #map}, {transform_indices = #map1}, {transform_indices = #map}]} {
    %mul3A = arith.constant 2 : i32
    %mul3A_0 = arith.muli %arg1, %mul3A : i32
    %add3A = arith.addi %mul3A_0, %arg0 : i32
    %mul3A_1 = arith.constant 32 : i32
    %mul3A_2 = arith.muli %add3A, %mul3A_1 : i32
    %mul3A_3 = arith.constant 2 : i32
    %mul3A_4 = arith.muli %mul3A_2, %mul3A_3 : i32
    %add3A_5 = arith.constant 0 : i32
    %add3A_6 = arith.addi %mul3A_4, %add3A_5 : i32
    "tpu.region"() ({
      %run_scoped3A = tpu.sem_alloc : memref<!tpu.dma_semaphore, #tpu.memory_space<semaphore_mem>>
      %dma_start3A_34 = tpu.memref_slice %arg4[%add3A_6] : memref<2048xi32, #tpu.memory_space<hbm>> -> memref<32xi32, #tpu.memory_space<hbm>>
      %dma_start3A_35 = tpu.memref_slice %arg4[%add3A_6] : memref<2048xi32, #tpu.memory_space<hbm>> -> memref<32xi32, #tpu.memory_space<hbm>>
      tpu.enqueue_dma source(%dma_start3A_35 : memref<32xi32, #tpu.memory_space<hbm>>) target(%arg6 : memref<32xi32, #tpu.memory_space<vmem>>) target_semaphore(%run_scoped3A : memref<!tpu.dma_semaphore, #tpu.memory_space<semaphore_mem>>)
      %dma_wait3A_36 = tpu.memref_slice %arg4[%add3A_6] : memref<2048xi32, #tpu.memory_space<hbm>> -> memref<32xi32, #tpu.memory_space<hbm>>
      %dma_wait3A_37 = tpu.memref_slice %arg4[%add3A_6] : memref<2048xi32, #tpu.memory_space<hbm>> -> memref<32xi32, #tpu.memory_space<hbm>>
      tpu.wait_dma2 semaphore(%run_scoped3A : memref<!tpu.dma_semaphore, #tpu.memory_space<semaphore_mem>>) src(%dma_wait3A_37 : memref<32xi32, #tpu.memory_space<hbm>>) dst(%arg6 : memref<32xi32, #tpu.memory_space<vmem>>)
      tpu.yield
    }) : () -> ()
    %dma_start3A = arith.constant 0 : i32
    %dma_start3A_7 = arith.constant 0 : i32
    %dma_start3A_8 = tpu.memref_slice %arg3[%dma_start3A, %dma_start3A_7] : memref<2048x1024xf32, #tpu.memory_space<hbm>> -> memref<2048x1024xf32, #tpu.memory_space<hbm>>
    tpu.enqueue_indirect_dma source(%dma_start3A_8 : memref<2048x1024xf32, #tpu.memory_space<hbm>>) target(%arg7 : memref<32x1024xf32, #tpu.memory_space<vmem>>) offsets(%arg6 : memref<32xi32, #tpu.memory_space<vmem>>) semaphore(%arg9 : memref<!tpu.dma_semaphore, #tpu.memory_space<semaphore_mem>>)
    %dma_wait3A = arith.constant 0 : i32
    %dma_wait3A_9 = arith.constant 0 : i32
    %dma_wait3A_10 = tpu.memref_slice %arg3[%dma_wait3A, %dma_wait3A_9] : memref<2048x1024xf32, #tpu.memory_space<hbm>> -> memref<2048x1024xf32, #tpu.memory_space<hbm>>
    tpu.wait_indirect_dma semaphore(%arg9 : memref<!tpu.dma_semaphore, #tpu.memory_space<semaphore_mem>>) src(%dma_wait3A_10 : memref<2048x1024xf32, #tpu.memory_space<hbm>>) dst(%arg7 : memref<32x1024xf32, #tpu.memory_space<vmem>>)
    "tpu.region"() ({
      %run_scoped3A = tpu.sem_alloc : memref<!tpu.dma_semaphore, #tpu.memory_space<semaphore_mem>>
      %dma_start3A_34 = arith.constant 0 : i32
      %dma_start3A_35 = tpu.memref_slice %arg2[%add3A_6, %dma_start3A_34] : memref<2048x1024xf32, #tpu.memory_space<hbm>> -> memref<32x1024xf32, #tpu.memory_space<hbm>>
      %dma_start3A_36 = arith.constant 0 : i32
      %dma_start3A_37 = tpu.memref_slice %arg2[%add3A_6, %dma_start3A_36] : memref<2048x1024xf32, #tpu.memory_space<hbm>> -> memref<32x1024xf32, #tpu.memory_space<hbm>>
      tpu.enqueue_dma source(%dma_start3A_37 : memref<32x1024xf32, #tpu.memory_space<hbm>>) target(%arg8 : memref<32x1024xf32, #tpu.memory_space<vmem>>) target_semaphore(%run_scoped3A : memref<!tpu.dma_semaphore, #tpu.memory_space<semaphore_mem>>)
      %dma_wait3A_38 = arith.constant 0 : i32
      %dma_wait3A_39 = tpu.memref_slice %arg2[%add3A_6, %dma_wait3A_38] : memref<2048x1024xf32, #tpu.memory_space<hbm>> -> memref<32x1024xf32, #tpu.memory_space<hbm>>
      %dma_wait3A_40 = arith.constant 0 : i32
      %dma_wait3A_41 = tpu.memref_slice %arg2[%add3A_6, %dma_wait3A_40] : memref<2048x1024xf32, #tpu.memory_space<hbm>> -> memref<32x1024xf32, #tpu.memory_space<hbm>>
      tpu.wait_dma2 semaphore(%run_scoped3A : memref<!tpu.dma_semaphore, #tpu.memory_space<semaphore_mem>>) src(%dma_wait3A_41 : memref<32x1024xf32, #tpu.memory_space<hbm>>) dst(%arg8 : memref<32x1024xf32, #tpu.memory_space<vmem>>)
      tpu.yield
    }) : () -> ()
    %scan3A = arith.constant 0 : i32
    %scan3A_11 = arith.constant 0 : i32
    %scan3A_12 = arith.constant 32 : i32
    %scan3A_13 = arith.addi %scan3A_11, %scan3A_12 : i32
    %scan3A_14 = arith.constant 1 : i32
    scf.for %scan3A_34 = %scan3A_11 to %scan3A_13 step %scan3A_14  : i32 {
      %get3A = arith.index_cast %scan3A_34 : i32 to index
      %get3A_35 = arith.constant 0 : index
      %get3A_36 = tpu.vector_load %arg8[%get3A, %get3A_35] {strides = array<i32>} : memref<32x1024xf32, #tpu.memory_space<vmem>>, vector<1x16xf32>,
      %get3A_37 = vector.shape_cast %get3A_36 : vector<1x16xf32> to vector<16xf32>
      %get3A_38 = arith.index_cast %scan3A_34 : i32 to index
      %get3A_39 = arith.constant 0 : index
      %get3A_40 = tpu.vector_load %arg7[%get3A_38, %get3A_39] {strides = array<i32>} : memref<32x1024xf32, #tpu.memory_space<vmem>>, vector<1x16xf32>,
      %get3A_41 = vector.shape_cast %get3A_40 : vector<1x16xf32> to vector<16xf32>
      %add3A_42 = arith.addf %get3A_37, %get3A_41 : vector<16xf32>
      %swap3A = arith.index_cast %scan3A_34 : i32 to index
      %swap3A_43 = arith.constant 0 : index
      %swap3A_44 = tpu.vector_load %arg8[%swap3A, %swap3A_43] {strides = array<i32>} : memref<32x1024xf32, #tpu.memory_space<vmem>>, vector<1x16xf32>,
      %swap3A_45 = vector.shape_cast %swap3A_44 : vector<1x16xf32> to vector<16xf32>
      %swap3A_46 = vector.shape_cast %add3A_42 : vector<16xf32> to vector<1x16xf32>
      tpu.vector_store %arg8[%swap3A, %swap3A_43], %swap3A_46 {strides = array<i32>} : memref<32x1024xf32, #tpu.memory_space<vmem>>, vector<1x16xf32>,
      %get3A_47 = arith.index_cast %scan3A_34 : i32 to index
      %get3A_48 = arith.constant 16 : index
      %get3A_49 = tpu.vector_load %arg8[%get3A_47, %get3A_48] {strides = array<i32>} : memref<32x1024xf32, #tpu.memory_space<vmem>>, vector<1x16xf32>,
      %get3A_50 = vector.shape_cast %get3A_49 : vector<1x16xf32> to vector<16xf32>
      %get3A_51 = arith.index_cast %scan3A_34 : i32 to index
      %get3A_52 = arith.constant 16 : index
      %get3A_53 = tpu.vector_load %arg7[%get3A_51, %get3A_52] {strides = array<i32>} : memref<32x1024xf32, #tpu.memory_space<vmem>>, vector<1x16xf32>,
      %get3A_54 = vector.shape_cast %get3A_53 : vector<1x16xf32> to vector<16xf32>
      %add3A_55 = arith.addf %get3A_50, %get3A_54 : vector<16xf32>
      %swap3A_56 = arith.index_cast %scan3A_34 : i32 to index
      %swap3A_57 = arith.constant 16 : index
      %swap3A_58 = tpu.vector_load %arg8[%swap3A_56, %swap3A_57] {strides = array<i32>} : memref<32x1024xf32, #tpu.memory_space<vmem>>, vector<1x16xf32>,
      %swap3A_59 = vector.shape_cast %swap3A_58 : vector<1x16xf32> to vector<16xf32>
      %swap3A_60 = vector.shape_cast %add3A_55 : vector<16xf32> to vector<1x16xf32>
      tpu.vector_store %arg8[%swap3A_56, %swap3A_57], %swap3A_60 {strides = array<i32>} : memref<32x1024xf32, #tpu.memory_space<vmem>>, vector<1x16xf32>,
      %get3A_61 = arith.index_cast %scan3A_34 : i32 to index
      %get3A_62 = arith.constant 32 : index
      %get3A_63 = tpu.vector_load %arg8[%get3A_61, %get3A_62] {strides = array<i32>} : memref<32x1024xf32, #tpu.memory_space<vmem>>, vector<1x16xf32>,
      %get3A_64 = vector.shape_cast %get3A_63 : vector<1x16xf32> to vector<16xf32>
      %get3A_65 = arith.index_cast %scan3A_34 : i32 to index
      %get3A_66 = arith.constant 32 : index
      %get3A_67 = tpu.vector_load %arg7[%get3A_65, %get3A_66] {strides = array<i32>} : memref<32x1024xf32, #tpu.memory_space<vmem>>, vector<1x16xf32>,
      %get3A_68 = vector.shape_cast %get3A_67 : vector<1x16xf32> to vector<16xf32>
      %add3A_69 = arith.addf %get3A_64, %get3A_68 : vector<16xf32>
      %swap3A_70 = arith.index_cast %scan3A_34 : i32 to index
      %swap3A_71 = arith.constant 32 : index
      %swap3A_72 = tpu.vector_load %arg8[%swap3A_70, %swap3A_71] {strides = array<i32>} : memref<32x1024xf32, #tpu.memory_space<vmem>>, vector<1x16xf32>,
      %swap3A_73 = vector.shape_cast %swap3A_72 : vector<1x16xf32> to vector<16xf32>
      %swap3A_74 = vector.shape_cast %add3A_69 : vector<16xf32> to vector<1x16xf32>
      tpu.vector_store %arg8[%swap3A_70, %swap3A_71], %swap3A_74 {strides = array<i32>} : memref<32x1024xf32, #tpu.memory_space<vmem>>, vector<1x16xf32>,
      %get3A_75 = arith.index_cast %scan3A_34 : i32 to index
      %get3A_76 = arith.constant 48 : index
      %get3A_77 = tpu.vector_load %arg8[%get3A_75, %get3A_76] {strides = array<i32>} : memref<32x1024xf32, #tpu.memory_space<vmem>>, vector<1x16xf32>,
      %get3A_78 = vector.shape_cast %get3A_77 : vector<1x16xf32> to vector<16xf32>
      %get3A_79 = arith.index_cast %scan3A_34 : i32 to index
      %get3A_80 = arith.constant 48 : index
      %get3A_81 = tpu.vector_load %arg7[%get3A_79, %get3A_80] {strides = array<i32>} : memref<32x1024xf32, #tpu.memory_space<vmem>>, vector<1x16xf32>,
      %get3A_82 = vector.shape_cast %get3A_81 : vector<1x16xf32> to vector<16xf32>
      %add3A_83 = arith.addf %get3A_78, %get3A_82 : vector<16xf32>
      %swap3A_84 = arith.index_cast %scan3A_34 : i32 to index
      %swap3A_85 = arith.constant 48 : index
      %swap3A_86 = tpu.vector_load %arg8[%swap3A_84, %swap3A_85] {strides = array<i32>} : memref<32x1024xf32, #tpu.memory_space<vmem>>, vector<1x16xf32>,
      %swap3A_87 = vector.shape_cast %swap3A_86 : vector<1x16xf32> to vector<16xf32>
      %swap3A_88 = vector.shape_cast %add3A_83 : vector<16xf32> to vector<1x16xf32>
      tpu.vector_store %arg8[%swap3A_84, %swap3A_85], %swap3A_88 {strides = array<i32>} : memref<32x1024xf32, #tpu.memory_space<vmem>>, vector<1x16xf32>,
      %get3A_89 = arith.index_cast %scan3A_34 : i32 to index
      %get3A_90 = arith.constant 64 : index
      %get3A_91 = tpu.vector_load %arg8[%get3A_89, %get3A_90] {strides = array<i32>} : memref<32x1024xf32, #tpu.memory_space<vmem>>, vector<1x16xf32>,
      %get3A_92 = vector.shape_cast %get3A_91 : vector<1x16xf32> to vector<16xf32>
      %get3A_93 = arith.index_cast %scan3A_34 : i32 to index
      %get3A_94 = arith.constant 64 : index
      %get3A_95 = tpu.vector_load %arg7[%get3A_93, %get3A_94] {strides = array<i32>} : memref<32x1024xf32, #tpu.memory_space<vmem>>, vector<1x16xf32>,
      %get3A_96 = vector.shape_cast %get3A_95 : vector<1x16xf32> to vector<16xf32>
      %add3A_97 = arith.addf %get3A_92, %get3A_96 : vector<16xf32>
      %swap3A_98 = arith.index_cast %scan3A_34 : i32 to index
      %swap3A_99 = arith.constant 64 : index
      %swap3A_100 = tpu.vector_load %arg8[%swap3A_98, %swap3A_99] {strides = array<i32>} : memref<32x1024xf32, #tpu.memory_space<vmem>>, vector<1x16xf32>,
      %swap3A_101 = vector.shape_cast %swap3A_100 : vector<1x16xf32> to vector<16xf32>
      %swap3A_102 = vector.shape_cast %add3A_97 : vector<16xf32> to vector<1x16xf32>
      tpu.vector_store %arg8[%swap3A_98, %swap3A_99], %swap3A_102 {strides = array<i32>} : memref<32x1024xf32, #tpu.memory_space<vmem>>, vector<1x16xf32>,
      %get3A_103 = arith.index_cast %scan3A_34 : i32 to index
      %get3A_104 = arith.constant 80 : index
      %get3A_105 = tpu.vector_load %arg8[%get3A_103, %get3A_104] {strides = array<i32>} : memref<32x1024xf32, #tpu.memory_space<vmem>>, vector<1x16xf32>,
      %get3A_106 = vector.shape_cast %get3A_105 : vector<1x16xf32> to vector<16xf32>
      %get3A_107 = arith.index_cast %scan3A_34 : i32 to index
      %get3A_108 = arith.constant 80 : index
      %get3A_109 = tpu.vector_load %arg7[%get3A_107, %get3A_108] {strides = array<i32>} : memref<32x1024xf32, #tpu.memory_space<vmem>>, vector<1x16xf32>,
      %get3A_110 = vector.shape_cast %get3A_109 : vector<1x16xf32> to vector<16xf32>
      %add3A_111 = arith.addf %get3A_106, %get3A_110 : vector<16xf32>
      %swap3A_112 = arith.index_cast %scan3A_34 : i32 to index
      %swap3A_113 = arith.constant 80 : index
      %swap3A_114 = tpu.vector_load %arg8[%swap3A_112, %swap3A_113] {strides = array<i32>} : memref<32x1024xf32, #tpu.memory_space<vmem>>, vector<1x16xf32>,
      %swap3A_115 = vector.shape_cast %swap3A_114 : vector<1x16xf32> to vector<16xf32>
      %swap3A_116 = vector.shape_cast %add3A_111 : vector<16xf32> to vector<1x16xf32>
      tpu.vector_store %arg8[%swap3A_112, %swap3A_113], %swap3A_116 {strides = array<i32>} : memref<32x1024xf32, #tpu.memory_space<vmem>>, vector<1x16xf32>,
      %get3A_117 = arith.index_cast %scan3A_34 : i32 to index
      %get3A_118 = arith.constant 96 : index
      %get3A_119 = tpu.vector_load %arg8[%get3A_117, %get3A_118] {strides = array<i32>} : memref<32x1024xf32, #tpu.memory_space<vmem>>, vector<1x16xf32>,
      %get3A_120 = vector.shape_cast %get3A_119 : vector<1x16xf32> to vector<16xf32>
      %get3A_121 = arith.index_cast %scan3A_34 : i32 to index
      %get3A_122 = arith.constant 96 : index
      %get3A_123 = tpu.vector_load %arg7[%get3A_121, %get3A_122] {strides = array<i32>} : memref<32x1024xf32, #tpu.memory_space<vmem>>, vector<1x16xf32>,
      %get3A_124 = vector.shape_cast %get3A_123 : vector<1x16xf32> to vector<16xf32>
      %add3A_125 = arith.addf %get3A_120, %get3A_124 : vector<16xf32>
      %swap3A_126 = arith.index_cast %scan3A_34 : i32 to index
      %swap3A_127 = arith.constant 96 : index
      %swap3A_128 = tpu.vector_load %arg8[%swap3A_126, %swap3A_127] {strides = array<i32>} : memref<32x1024xf32, #tpu.memory_space<vmem>>, vector<1x16xf32>,
      %swap3A_129 = vector.shape_cast %swap3A_128 : vector<1x16xf32> to vector<16xf32>
      %swap3A_130 = vector.shape_cast %add3A_125 : vector<16xf32> to vector<1x16xf32>
      tpu.vector_store %arg8[%swap3A_126, %swap3A_127], %swap3A_130 {strides = array<i32>} : memref<32x1024xf32, #tpu.memory_space<vmem>>, vector<1x16xf32>,
      %get3A_131 = arith.index_cast %scan3A_34 : i32 to index
      %get3A_132 = arith.constant 112 : index
      %get3A_133 = tpu.vector_load %arg8[%get3A_131, %get3A_132] {strides = array<i32>} : memref<32x1024xf32, #tpu.memory_space<vmem>>, vector<1x16xf32>,
      %get3A_134 = vector.shape_cast %get3A_133 : vector<1x16xf32> to vector<16xf32>
      %get3A_135 = arith.index_cast %scan3A_34 : i32 to index
      %get3A_136 = arith.constant 112 : index
      %get3A_137 = tpu.vector_load %arg7[%get3A_135, %get3A_136] {strides = array<i32>} : memref<32x1024xf32, #tpu.memory_space<vmem>>, vector<1x16xf32>,
      %get3A_138 = vector.shape_cast %get3A_137 : vector<1x16xf32> to vector<16xf32>
      %add3A_139 = arith.addf %get3A_134, %get3A_138 : vector<16xf32>
      %swap3A_140 = arith.index_cast %scan3A_34 : i32 to index
      %swap3A_141 = arith.constant 112 : index
      %swap3A_142 = tpu.vector_load %arg8[%swap3A_140, %swap3A_141] {strides = array<i32>} : memref<32x1024xf32, #tpu.memory_space<vmem>>, vector<1x16xf32>,
      %swap3A_143 = vector.shape_cast %swap3A_142 : vector<1x16xf32> to vector<16xf32>
      %swap3A_144 = vector.shape_cast %add3A_139 : vector<16xf32> to vector<1x16xf32>
      tpu.vector_store %arg8[%swap3A_140, %swap3A_141], %swap3A_144 {strides = array<i32>} : memref<32x1024xf32, #tpu.memory_space<vmem>>, vector<1x16xf32>,
      %get3A_145 = arith.index_cast %scan3A_34 : i32 to index
      %get3A_146 = arith.constant 128 : index
      %get3A_147 = tpu.vector_load %arg8[%get3A_145, %get3A_146] {strides = array<i32>} : memref<32x1024xf32, #tpu.memory_space<vmem>>, vector<1x16xf32>,
      %get3A_148 = vector.shape_cast %get3A_147 : vector<1x16xf32> to vector<16xf32>
      %get3A_149 = arith.index_cast %scan3A_34 : i32 to index
      %get3A_150 = arith.constant 128 : index
      %get3A_151 = tpu.vector_load %arg7[%get3A_149, %get3A_150] {strides = array<i32>} : memref<32x1024xf32, #tpu.memory_space<vmem>>, vector<1x16xf32>,
      %get3A_152 = vector.shape_cast %get3A_151 : vector<1x16xf32> to vector<16xf32>
      %add3A_153 = arith.addf %get3A_148, %get3A_152 : vector<16xf32>
      %swap3A_154 = arith.index_cast %scan3A_34 : i32 to index
      %swap3A_155 = arith.constant 128 : index
      %swap3A_156 = tpu.vector_load %arg8[%swap3A_154, %swap3A_155] {strides = array<i32>} : memref<32x1024xf32, #tpu.memory_space<vmem>>, vector<1x16xf32>,
      %swap3A_157 = vector.shape_cast %swap3A_156 : vector<1x16xf32> to vector<16xf32>
      %swap3A_158 = vector.shape_cast %add3A_153 : vector<16xf32> to vector<1x16xf32>
      tpu.vector_store %arg8[%swap3A_154, %swap3A_155], %swap3A_158 {strides = array<i32>} : memref<32x1024xf32, #tpu.memory_space<vmem>>, vector<1x16xf32>,
      %get3A_159 = arith.index_cast %scan3A_34 : i32 to index
      %get3A_160 = arith.constant 144 : index
      %get3A_161 = tpu.vector_load %arg8[%get3A_159, %get3A_160] {strides = array<i32>} : memref<32x1024xf32, #tpu.memory_space<vmem>>, vector<1x16xf32>,
      %get3A_162 = vector.shape_cast %get3A_161 : vector<1x16xf32> to vector<16xf32>
      %get3A_163 = arith.index_cast %scan3A_34 : i32 to index
      %get3A_164 = arith.constant 144 : index
      %get3A_165 = tpu.vector_load %arg7[%get3A_163, %get3A_164] {strides = array<i32>} : memref<32x1024xf32, #tpu.memory_space<vmem>>, vector<1x16xf32>,
      %get3A_166 = vector.shape_cast %get3A_165 : vector<1x16xf32> to vector<16xf32>
      %add3A_167 = arith.addf %get3A_162, %get3A_166 : vector<16xf32>
      %swap3A_168 = arith.index_cast %scan3A_34 : i32 to index
      %swap3A_169 = arith.constant 144 : index
      %swap3A_170 = tpu.vector_load %arg8[%swap3A_168, %swap3A_169] {strides = array<i32>} : memref<32x1024xf32, #tpu.memory_space<vmem>>, vector<1x16xf32>,
      %swap3A_171 = vector.shape_cast %swap3A_170 : vector<1x16xf32> to vector<16xf32>
      %swap3A_172 = vector.shape_cast %add3A_167 : vector<16xf32> to vector<1x16xf32>
      tpu.vector_store %arg8[%swap3A_168, %swap3A_169], %swap3A_172 {strides = array<i32>} : memref<32x1024xf32, #tpu.memory_space<vmem>>, vector<1x16xf32>,
      %get3A_173 = arith.index_cast %scan3A_34 : i32 to index
      %get3A_174 = arith.constant 160 : index
      %get3A_175 = tpu.vector_load %arg8[%get3A_173, %get3A_174] {strides = array<i32>} : memref<32x1024xf32, #tpu.memory_space<vmem>>, vector<1x16xf32>,
      %get3A_176 = vector.shape_cast %get3A_175 : vector<1x16xf32> to vector<16xf32>
      %get3A_177 = arith.index_cast %scan3A_34 : i32 to index
      %get3A_178 = arith.constant 160 : index
      %get3A_179 = tpu.vector_load %arg7[%get3A_177, %get3A_178] {strides = array<i32>} : memref<32x1024xf32, #tpu.memory_space<vmem>>, vector<1x16xf32>,
      %get3A_180 = vector.shape_cast %get3A_179 : vector<1x16xf32> to vector<16xf32>
      %add3A_181 = arith.addf %get3A_176, %get3A_180 : vector<16xf32>
      %swap3A_182 = arith.index_cast %scan3A_34 : i32 to index
      %swap3A_183 = arith.constant 160 : index
      %swap3A_184 = tpu.vector_load %arg8[%swap3A_182, %swap3A_183] {strides = array<i32>} : memref<32x1024xf32, #tpu.memory_space<vmem>>, vector<1x16xf32>,
      %swap3A_185 = vector.shape_cast %swap3A_184 : vector<1x16xf32> to vector<16xf32>
      %swap3A_186 = vector.shape_cast %add3A_181 : vector<16xf32> to vector<1x16xf32>
      tpu.vector_store %arg8[%swap3A_182, %swap3A_183], %swap3A_186 {strides = array<i32>} : memref<32x1024xf32, #tpu.memory_space<vmem>>, vector<1x16xf32>,
      %get3A_187 = arith.index_cast %scan3A_34 : i32 to index
      %get3A_188 = arith.constant 176 : index
      %get3A_189 = tpu.vector_load %arg8[%get3A_187, %get3A_188] {strides = array<i32>} : memref<32x1024xf32, #tpu.memory_space<vmem>>, vector<1x16xf32>,
      %get3A_190 = vector.shape_cast %get3A_189 : vector<1x16xf32> to vector<16xf32>
      %get3A_191 = arith.index_cast %scan3A_34 : i32 to index
      %get3A_192 = arith.constant 176 : index
      %get3A_193 = tpu.vector_load %arg7[%get3A_191, %get3A_192] {strides = array<i32>} : memref<32x1024xf32, #tpu.memory_space<vmem>>, vector<1x16xf32>,
      %get3A_194 = vector.shape_cast %get3A_193 : vector<1x16xf32> to vector<16xf32>
      %add3A_195 = arith.addf %get3A_190, %get3A_194 : vector<16xf32>
      %swap3A_196 = arith.index_cast %scan3A_34 : i32 to index
      %swap3A_197 = arith.constant 176 : index
      %swap3A_198 = tpu.vector_load %arg8[%swap3A_196, %swap3A_197] {strides = array<i32>} : memref<32x1024xf32, #tpu.memory_space<vmem>>, vector<1x16xf32>,
      %swap3A_199 = vector.shape_cast %swap3A_198 : vector<1x16xf32> to vector<16xf32>
      %swap3A_200 = vector.shape_cast %add3A_195 : vector<16xf32> to vector<1x16xf32>
      tpu.vector_store %arg8[%swap3A_196, %swap3A_197], %swap3A_200 {strides = array<i32>} : memref<32x1024xf32, #tpu.memory_space<vmem>>, vector<1x16xf32>,
      %get3A_201 = arith.index_cast %scan3A_34 : i32 to index
      %get3A_202 = arith.constant 192 : index
      %get3A_203 = tpu.vector_load %arg8[%get3A_201, %get3A_202] {strides = array<i32>} : memref<32x1024xf32, #tpu.memory_space<vmem>>, vector<1x16xf32>,
      %get3A_204 = vector.shape_cast %get3A_203 : vector<1x16xf32> to vector<16xf32>
      %get3A_205 = arith.index_cast %scan3A_34 : i32 to index
      %get3A_206 = arith.constant 192 : index
      %get3A_207 = tpu.vector_load %arg7[%get3A_205, %get3A_206] {strides = array<i32>} : memref<32x1024xf32, #tpu.memory_space<vmem>>, vector<1x16xf32>,
      %get3A_208 = vector.shape_cast %get3A_207 : vector<1x16xf32> to vector<16xf32>
      %add3A_209 = arith.addf %get3A_204, %get3A_208 : vector<16xf32>
      %swap3A_210 = arith.index_cast %scan3A_34 : i32 to index
      %swap3A_211 = arith.constant 192 : index
      %swap3A_212 = tpu.vector_load %arg8[%swap3A_210, %swap3A_211] {strides = array<i32>} : memref<32x1024xf32, #tpu.memory_space<vmem>>, vector<1x16xf32>,
      %swap3A_213 = vector.shape_cast %swap3A_212 : vector<1x16xf32> to vector<16xf32>
      %swap3A_214 = vector.shape_cast %add3A_209 : vector<16xf32> to vector<1x16xf32>
      tpu.vector_store %arg8[%swap3A_210, %swap3A_211], %swap3A_214 {strides = array<i32>} : memref<32x1024xf32, #tpu.memory_space<vmem>>, vector<1x16xf32>,
      %get3A_215 = arith.index_cast %scan3A_34 : i32 to index
      %get3A_216 = arith.constant 208 : index
      %get3A_217 = tpu.vector_load %arg8[%get3A_215, %get3A_216] {strides = array<i32>} : memref<32x1024xf32, #tpu.memory_space<vmem>>, vector<1x16xf32>,
      %get3A_218 = vector.shape_cast %get3A_217 : vector<1x16xf32> to vector<16xf32>
      %get3A_219 = arith.index_cast %scan3A_34 : i32 to index
      %get3A_220 = arith.constant 208 : index
      %get3A_221 = tpu.vector_load %arg7[%get3A_219, %get3A_220] {strides = array<i32>} : memref<32x1024xf32, #tpu.memory_space<vmem>>, vector<1x16xf32>,
      %get3A_222 = vector.shape_cast %get3A_221 : vector<1x16xf32> to vector<16xf32>
      %add3A_223 = arith.addf %get3A_218, %get3A_222 : vector<16xf32>
      %swap3A_224 = arith.index_cast %scan3A_34 : i32 to index
      %swap3A_225 = arith.constant 208 : index
      %swap3A_226 = tpu.vector_load %arg8[%swap3A_224, %swap3A_225] {strides = array<i32>} : memref<32x1024xf32, #tpu.memory_space<vmem>>, vector<1x16xf32>,
      %swap3A_227 = vector.shape_cast %swap3A_226 : vector<1x16xf32> to vector<16xf32>
      %swap3A_228 = vector.shape_cast %add3A_223 : vector<16xf32> to vector<1x16xf32>
      tpu.vector_store %arg8[%swap3A_224, %swap3A_225], %swap3A_228 {strides = array<i32>} : memref<32x1024xf32, #tpu.memory_space<vmem>>, vector<1x16xf32>,
      %get3A_229 = arith.index_cast %scan3A_34 : i32 to index
      %get3A_230 = arith.constant 224 : index
      %get3A_231 = tpu.vector_load %arg8[%get3A_229, %get3A_230] {strides = array<i32>} : memref<32x1024xf32, #tpu.memory_space<vmem>>, vector<1x16xf32>,
      %get3A_232 = vector.shape_cast %get3A_231 : vector<1x16xf32> to vector<16xf32>
      %get3A_233 = arith.index_cast %scan3A_34 : i32 to index
      %get3A_234 = arith.constant 224 : index
      %get3A_235 = tpu.vector_load %arg7[%get3A_233, %get3A_234] {strides = array<i32>} : memref<32x1024xf32, #tpu.memory_space<vmem>>, vector<1x16xf32>,
      %get3A_236 = vector.shape_cast %get3A_235 : vector<1x16xf32> to vector<16xf32>
      %add3A_237 = arith.addf %get3A_232, %get3A_236 : vector<16xf32>
      %swap3A_238 = arith.index_cast %scan3A_34 : i32 to index
      %swap3A_239 = arith.constant 224 : index
      %swap3A_240 = tpu.vector_load %arg8[%swap3A_238, %swap3A_239] {strides = array<i32>} : memref<32x1024xf32, #tpu.memory_space<vmem>>, vector<1x16xf32>,
      %swap3A_241 = vector.shape_cast %swap3A_240 : vector<1x16xf32> to vector<16xf32>
      %swap3A_242 = vector.shape_cast %add3A_237 : vector<16xf32> to vector<1x16xf32>
      tpu.vector_store %arg8[%swap3A_238, %swap3A_239], %swap3A_242 {strides = array<i32>} : memref<32x1024xf32, #tpu.memory_space<vmem>>, vector<1x16xf32>,
      %get3A_243 = arith.index_cast %scan3A_34 : i32 to index
      %get3A_244 = arith.constant 240 : index
      %get3A_245 = tpu.vector_load %arg8[%get3A_243, %get3A_244] {strides = array<i32>} : memref<32x1024xf32, #tpu.memory_space<vmem>>, vector<1x16xf32>,
      %get3A_246 = vector.shape_cast %get3A_245 : vector<1x16xf32> to vector<16xf32>
      %get3A_247 = arith.index_cast %scan3A_34 : i32 to index
      %get3A_248 = arith.constant 240 : index
      %get3A_249 = tpu.vector_load %arg7[%get3A_247, %get3A_248] {strides = array<i32>} : memref<32x1024xf32, #tpu.memory_space<vmem>>, vector<1x16xf32>,
      %get3A_250 = vector.shape_cast %get3A_249 : vector<1x16xf32> to vector<16xf32>
      %add3A_251 = arith.addf %get3A_246, %get3A_250 : vector<16xf32>
      %swap3A_252 = arith.index_cast %scan3A_34 : i32 to index
      %swap3A_253 = arith.constant 240 : index
      %swap3A_254 = tpu.vector_load %arg8[%swap3A_252, %swap3A_253] {strides = array<i32>} : memref<32x1024xf32, #tpu.memory_space<vmem>>, vector<1x16xf32>,
      %swap3A_255 = vector.shape_cast %swap3A_254 : vector<1x16xf32> to vector<16xf32>
      %swap3A_256 = vector.shape_cast %add3A_251 : vector<16xf32> to vector<1x16xf32>
      tpu.vector_store %arg8[%swap3A_252, %swap3A_253], %swap3A_256 {strides = array<i32>} : memref<32x1024xf32, #tpu.memory_space<vmem>>, vector<1x16xf32>,
      %get3A_257 = arith.index_cast %scan3A_34 : i32 to index
      %get3A_258 = arith.constant 256 : index
      %get3A_259 = tpu.vector_load %arg8[%get3A_257, %get3A_258] {strides = array<i32>} : memref<32x1024xf32, #tpu.memory_space<vmem>>, vector<1x16xf32>,
      %get3A_260 = vector.shape_cast %get3A_259 : vector<1x16xf32> to vector<16xf32>
      %get3A_261 = arith.index_cast %scan3A_34 : i32 to index
      %get3A_262 = arith.constant 256 : index
      %get3A_263 = tpu.vector_load %arg7[%get3A_261, %get3A_262] {strides = array<i32>} : memref<32x1024xf32, #tpu.memory_space<vmem>>, vector<1x16xf32>,
      %get3A_264 = vector.shape_cast %get3A_263 : vector<1x16xf32> to vector<16xf32>
      %add3A_265 = arith.addf %get3A_260, %get3A_264 : vector<16xf32>
      %swap3A_266 = arith.index_cast %scan3A_34 : i32 to index
      %swap3A_267 = arith.constant 256 : index
      %swap3A_268 = tpu.vector_load %arg8[%swap3A_266, %swap3A_267] {strides = array<i32>} : memref<32x1024xf32, #tpu.memory_space<vmem>>, vector<1x16xf32>,
      %swap3A_269 = vector.shape_cast %swap3A_268 : vector<1x16xf32> to vector<16xf32>
      %swap3A_270 = vector.shape_cast %add3A_265 : vector<16xf32> to vector<1x16xf32>
      tpu.vector_store %arg8[%swap3A_266, %swap3A_267], %swap3A_270 {strides = array<i32>} : memref<32x1024xf32, #tpu.memory_space<vmem>>, vector<1x16xf32>,
      %get3A_271 = arith.index_cast %scan3A_34 : i32 to index
      %get3A_272 = arith.constant 272 : index
      %get3A_273 = tpu.vector_load %arg8[%get3A_271, %get3A_272] {strides = array<i32>} : memref<32x1024xf32, #tpu.memory_space<vmem>>, vector<1x16xf32>,
      %get3A_274 = vector.shape_cast %get3A_273 : vector<1x16xf32> to vector<16xf32>
      %get3A_275 = arith.index_cast %scan3A_34 : i32 to index
      %get3A_276 = arith.constant 272 : index
      %get3A_277 = tpu.vector_load %arg7[%get3A_275, %get3A_276] {strides = array<i32>} : memref<32x1024xf32, #tpu.memory_space<vmem>>, vector<1x16xf32>,
      %get3A_278 = vector.shape_cast %get3A_277 : vector<1x16xf32> to vector<16xf32>
      %add3A_279 = arith.addf %get3A_274, %get3A_278 : vector<16xf32>
      %swap3A_280 = arith.index_cast %scan3A_34 : i32 to index
      %swap3A_281 = arith.constant 272 : index
      %swap3A_282 = tpu.vector_load %arg8[%swap3A_280, %swap3A_281] {strides = array<i32>} : memref<32x1024xf32, #tpu.memory_space<vmem>>, vector<1x16xf32>,
      %swap3A_283 = vector.shape_cast %swap3A_282 : vector<1x16xf32> to vector<16xf32>
      %swap3A_284 = vector.shape_cast %add3A_279 : vector<16xf32> to vector<1x16xf32>
      tpu.vector_store %arg8[%swap3A_280, %swap3A_281], %swap3A_284 {strides = array<i32>} : memref<32x1024xf32, #tpu.memory_space<vmem>>, vector<1x16xf32>,
      %get3A_285 = arith.index_cast %scan3A_34 : i32 to index
      %get3A_286 = arith.constant 288 : index
      %get3A_287 = tpu.vector_load %arg8[%get3A_285, %get3A_286] {strides = array<i32>} : memref<32x1024xf32, #tpu.memory_space<vmem>>, vector<1x16xf32>,
      %get3A_288 = vector.shape_cast %get3A_287 : vector<1x16xf32> to vector<16xf32>
      %get3A_289 = arith.index_cast %scan3A_34 : i32 to index
      %get3A_290 = arith.constant 288 : index
      %get3A_291 = tpu.vector_load %arg7[%get3A_289, %get3A_290] {strides = array<i32>} : memref<32x1024xf32, #tpu.memory_space<vmem>>, vector<1x16xf32>,
      %get3A_292 = vector.shape_cast %get3A_291 : vector<1x16xf32> to vector<16xf32>
      %add3A_293 = arith.addf %get3A_288, %get3A_292 : vector<16xf32>
      %swap3A_294 = arith.index_cast %scan3A_34 : i32 to index
      %swap3A_295 = arith.constant 288 : index
      %swap3A_296 = tpu.vector_load %arg8[%swap3A_294, %swap3A_295] {strides = array<i32>} : memref<32x1024xf32, #tpu.memory_space<vmem>>, vector<1x16xf32>,
      %swap3A_297 = vector.shape_cast %swap3A_296 : vector<1x16xf32> to vector<16xf32>
      %swap3A_298 = vector.shape_cast %add3A_293 : vector<16xf32> to vector<1x16xf32>
      tpu.vector_store %arg8[%swap3A_294, %swap3A_295], %swap3A_298 {strides = array<i32>} : memref<32x1024xf32, #tpu.memory_space<vmem>>, vector<1x16xf32>,
      %get3A_299 = arith.index_cast %scan3A_34 : i32 to index
      %get3A_300 = arith.constant 304 : index
      %get3A_301 = tpu.vector_load %arg8[%get3A_299, %get3A_300] {strides = array<i32>} : memref<32x1024xf32, #tpu.memory_space<vmem>>, vector<1x16xf32>,
      %get3A_302 = vector.shape_cast %get3A_301 : vector<1x16xf32> to vector<16xf32>
      %get3A_303 = arith.index_cast %scan3A_34 : i32 to index
      %get3A_304 = arith.constant 304 : index
      %get3A_305 = tpu.vector_load %arg7[%get3A_303, %get3A_304] {strides = array<i32>} : memref<32x1024xf32, #tpu.memory_space<vmem>>, vector<1x16xf32>,
      %get3A_306 = vector.shape_cast %get3A_305 : vector<1x16xf32> to vector<16xf32>
      %add3A_307 = arith.addf %get3A_302, %get3A_306 : vector<16xf32>
      %swap3A_308 = arith.index_cast %scan3A_34 : i32 to index
      %swap3A_309 = arith.constant 304 : index
      %swap3A_310 = tpu.vector_load %arg8[%swap3A_308, %swap3A_309] {strides = array<i32>} : memref<32x1024xf32, #tpu.memory_space<vmem>>, vector<1x16xf32>,
      %swap3A_311 = vector.shape_cast %swap3A_310 : vector<1x16xf32> to vector<16xf32>
      %swap3A_312 = vector.shape_cast %add3A_307 : vector<16xf32> to vector<1x16xf32>
      tpu.vector_store %arg8[%swap3A_308, %swap3A_309], %swap3A_312 {strides = array<i32>} : memref<32x1024xf32, #tpu.memory_space<vmem>>, vector<1x16xf32>,
      %get3A_313 = arith.index_cast %scan3A_34 : i32 to index
      %get3A_314 = arith.constant 320 : index
      %get3A_315 = tpu.vector_load %arg8[%get3A_313, %get3A_314] {strides = array<i32>} : memref<32x1024xf32, #tpu.memory_space<vmem>>, vector<1x16xf32>,
      %get3A_316 = vector.shape_cast %get3A_315 : vector<1x16xf32> to vector<16xf32>
      %get3A_317 = arith.index_cast %scan3A_34 : i32 to index
      %get3A_318 = arith.constant 320 : index
      %get3A_319 = tpu.vector_load %arg7[%get3A_317, %get3A_318] {strides = array<i32>} : memref<32x1024xf32, #tpu.memory_space<vmem>>, vector<1x16xf32>,
      %get3A_320 = vector.shape_cast %get3A_319 : vector<1x16xf32> to vector<16xf32>
      %add3A_321 = arith.addf %get3A_316, %get3A_320 : vector<16xf32>
      %swap3A_322 = arith.index_cast %scan3A_34 : i32 to index
      %swap3A_323 = arith.constant 320 : index
      %swap3A_324 = tpu.vector_load %arg8[%swap3A_322, %swap3A_323] {strides = array<i32>} : memref<32x1024xf32, #tpu.memory_space<vmem>>, vector<1x16xf32>,
      %swap3A_325 = vector.shape_cast %swap3A_324 : vector<1x16xf32> to vector<16xf32>
      %swap3A_326 = vector.shape_cast %add3A_321 : vector<16xf32> to vector<1x16xf32>
      tpu.vector_store %arg8[%swap3A_322, %swap3A_323], %swap3A_326 {strides = array<i32>} : memref<32x1024xf32, #tpu.memory_space<vmem>>, vector<1x16xf32>,
      %get3A_327 = arith.index_cast %scan3A_34 : i32 to index
      %get3A_328 = arith.constant 336 : index
      %get3A_329 = tpu.vector_load %arg8[%get3A_327, %get3A_328] {strides = array<i32>} : memref<32x1024xf32, #tpu.memory_space<vmem>>, vector<1x16xf32>,
      %get3A_330 = vector.shape_cast %get3A_329 : vector<1x16xf32> to vector<16xf32>
      %get3A_331 = arith.index_cast %scan3A_34 : i32 to index
      %get3A_332 = arith.constant 336 : index
      %get3A_333 = tpu.vector_load %arg7[%get3A_331, %get3A_332] {strides = array<i32>} : memref<32x1024xf32, #tpu.memory_space<vmem>>, vector<1x16xf32>,
      %get3A_334 = vector.shape_cast %get3A_333 : vector<1x16xf32> to vector<16xf32>
      %add3A_335 = arith.addf %get3A_330, %get3A_334 : vector<16xf32>
      %swap3A_336 = arith.index_cast %scan3A_34 : i32 to index
      %swap3A_337 = arith.constant 336 : index
      %swap3A_338 = tpu.vector_load %arg8[%swap3A_336, %swap3A_337] {strides = array<i32>} : memref<32x1024xf32, #tpu.memory_space<vmem>>, vector<1x16xf32>,
      %swap3A_339 = vector.shape_cast %swap3A_338 : vector<1x16xf32> to vector<16xf32>
      %swap3A_340 = vector.shape_cast %add3A_335 : vector<16xf32> to vector<1x16xf32>
      tpu.vector_store %arg8[%swap3A_336, %swap3A_337], %swap3A_340 {strides = array<i32>} : memref<32x1024xf32, #tpu.memory_space<vmem>>, vector<1x16xf32>,
      %get3A_341 = arith.index_cast %scan3A_34 : i32 to index
      %get3A_342 = arith.constant 352 : index
      %get3A_343 = tpu.vector_load %arg8[%get3A_341, %get3A_342] {strides = array<i32>} : memref<32x1024xf32, #tpu.memory_space<vmem>>, vector<1x16xf32>,
      %get3A_344 = vector.shape_cast %get3A_343 : vector<1x16xf32> to vector<16xf32>
      %get3A_345 = arith.index_cast %scan3A_34 : i32 to index
      %get3A_346 = arith.constant 352 : index
      %get3A_347 = tpu.vector_load %arg7[%get3A_345, %get3A_346] {strides = array<i32>} : memref<32x1024xf32, #tpu.memory_space<vmem>>, vector<1x16xf32>,
      %get3A_348 = vector.shape_cast %get3A_347 : vector<1x16xf32> to vector<16xf32>
      %add3A_349 = arith.addf %get3A_344, %get3A_348 : vector<16xf32>
      %swap3A_350 = arith.index_cast %scan3A_34 : i32 to index
      %swap3A_351 = arith.constant 352 : index
      %swap3A_352 = tpu.vector_load %arg8[%swap3A_350, %swap3A_351] {strides = array<i32>} : memref<32x1024xf32, #tpu.memory_space<vmem>>, vector<1x16xf32>,
      %swap3A_353 = vector.shape_cast %swap3A_352 : vector<1x16xf32> to vector<16xf32>
      %swap3A_354 = vector.shape_cast %add3A_349 : vector<16xf32> to vector<1x16xf32>
      tpu.vector_store %arg8[%swap3A_350, %swap3A_351], %swap3A_354 {strides = array<i32>} : memref<32x1024xf32, #tpu.memory_space<vmem>>, vector<1x16xf32>,
      %get3A_355 = arith.index_cast %scan3A_34 : i32 to index
      %get3A_356 = arith.constant 368 : index
      %get3A_357 = tpu.vector_load %arg8[%get3A_355, %get3A_356] {strides = array<i32>} : memref<32x1024xf32, #tpu.memory_space<vmem>>, vector<1x16xf32>,
      %get3A_358 = vector.shape_cast %get3A_357 : vector<1x16xf32> to vector<16xf32>
      %get3A_359 = arith.index_cast %scan3A_34 : i32 to index
      %get3A_360 = arith.constant 368 : index
      %get3A_361 = tpu.vector_load %arg7[%get3A_359, %get3A_360] {strides = array<i32>} : memref<32x1024xf32, #tpu.memory_space<vmem>>, vector<1x16xf32>,
      %get3A_362 = vector.shape_cast %get3A_361 : vector<1x16xf32> to vector<16xf32>
      %add3A_363 = arith.addf %get3A_358, %get3A_362 : vector<16xf32>
      %swap3A_364 = arith.index_cast %scan3A_34 : i32 to index
      %swap3A_365 = arith.constant 368 : index
      %swap3A_366 = tpu.vector_load %arg8[%swap3A_364, %swap3A_365] {strides = array<i32>} : memref<32x1024xf32, #tpu.memory_space<vmem>>, vector<1x16xf32>,
      %swap3A_367 = vector.shape_cast %swap3A_366 : vector<1x16xf32> to vector<16xf32>
      %swap3A_368 = vector.shape_cast %add3A_363 : vector<16xf32> to vector<1x16xf32>
      tpu.vector_store %arg8[%swap3A_364, %swap3A_365], %swap3A_368 {strides = array<i32>} : memref<32x1024xf32, #tpu.memory_space<vmem>>, vector<1x16xf32>,
      %get3A_369 = arith.index_cast %scan3A_34 : i32 to index
      %get3A_370 = arith.constant 384 : index
      %get3A_371 = tpu.vector_load %arg8[%get3A_369, %get3A_370] {strides = array<i32>} : memref<32x1024xf32, #tpu.memory_space<vmem>>, vector<1x16xf32>,
      %get3A_372 = vector.shape_cast %get3A_371 : vector<1x16xf32> to vector<16xf32>
      %get3A_373 = arith.index_cast %scan3A_34 : i32 to index
      %get3A_374 = arith.constant 384 : index
      %get3A_375 = tpu.vector_load %arg7[%get3A_373, %get3A_374] {strides = array<i32>} : memref<32x1024xf32, #tpu.memory_space<vmem>>, vector<1x16xf32>,
      %get3A_376 = vector.shape_cast %get3A_375 : vector<1x16xf32> to vector<16xf32>
      %add3A_377 = arith.addf %get3A_372, %get3A_376 : vector<16xf32>
      %swap3A_378 = arith.index_cast %scan3A_34 : i32 to index
      %swap3A_379 = arith.constant 384 : index
      %swap3A_380 = tpu.vector_load %arg8[%swap3A_378, %swap3A_379] {strides = array<i32>} : memref<32x1024xf32, #tpu.memory_space<vmem>>, vector<1x16xf32>,
      %swap3A_381 = vector.shape_cast %swap3A_380 : vector<1x16xf32> to vector<16xf32>
      %swap3A_382 = vector.shape_cast %add3A_377 : vector<16xf32> to vector<1x16xf32>
      tpu.vector_store %arg8[%swap3A_378, %swap3A_379], %swap3A_382 {strides = array<i32>} : memref<32x1024xf32, #tpu.memory_space<vmem>>, vector<1x16xf32>,
      %get3A_383 = arith.index_cast %scan3A_34 : i32 to index
      %get3A_384 = arith.constant 400 : index
      %get3A_385 = tpu.vector_load %arg8[%get3A_383, %get3A_384] {strides = array<i32>} : memref<32x1024xf32, #tpu.memory_space<vmem>>, vector<1x16xf32>,
      %get3A_386 = vector.shape_cast %get3A_385 : vector<1x16xf32> to vector<16xf32>
      %get3A_387 = arith.index_cast %scan3A_34 : i32 to index
      %get3A_388 = arith.constant 400 : index
      %get3A_389 = tpu.vector_load %arg7[%get3A_387, %get3A_388] {strides = array<i32>} : memref<32x1024xf32, #tpu.memory_space<vmem>>, vector<1x16xf32>,
      %get3A_390 = vector.shape_cast %get3A_389 : vector<1x16xf32> to vector<16xf32>
      %add3A_391 = arith.addf %get3A_386, %get3A_390 : vector<16xf32>
      %swap3A_392 = arith.index_cast %scan3A_34 : i32 to index
      %swap3A_393 = arith.constant 400 : index
      %swap3A_394 = tpu.vector_load %arg8[%swap3A_392, %swap3A_393] {strides = array<i32>} : memref<32x1024xf32, #tpu.memory_space<vmem>>, vector<1x16xf32>,
      %swap3A_395 = vector.shape_cast %swap3A_394 : vector<1x16xf32> to vector<16xf32>
      %swap3A_396 = vector.shape_cast %add3A_391 : vector<16xf32> to vector<1x16xf32>
      tpu.vector_store %arg8[%swap3A_392, %swap3A_393], %swap3A_396 {strides = array<i32>} : memref<32x1024xf32, #tpu.memory_space<vmem>>, vector<1x16xf32>,
      %get3A_397 = arith.index_cast %scan3A_34 : i32 to index
      %get3A_398 = arith.constant 416 : index
      %get3A_399 = tpu.vector_load %arg8[%get3A_397, %get3A_398] {strides = array<i32>} : memref<32x1024xf32, #tpu.memory_space<vmem>>, vector<1x16xf32>,
      %get3A_400 = vector.shape_cast %get3A_399 : vector<1x16xf32> to vector<16xf32>
      %get3A_401 = arith.index_cast %scan3A_34 : i32 to index
      %get3A_402 = arith.constant 416 : index
      %get3A_403 = tpu.vector_load %arg7[%get3A_401, %get3A_402] {strides = array<i32>} : memref<32x1024xf32, #tpu.memory_space<vmem>>, vector<1x16xf32>,
      %get3A_404 = vector.shape_cast %get3A_403 : vector<1x16xf32> to vector<16xf32>
      %add3A_405 = arith.addf %get3A_400, %get3A_404 : vector<16xf32>
      %swap3A_406 = arith.index_cast %scan3A_34 : i32 to index
      %swap3A_407 = arith.constant 416 : index
      %swap3A_408 = tpu.vector_load %arg8[%swap3A_406, %swap3A_407] {strides = array<i32>} : memref<32x1024xf32, #tpu.memory_space<vmem>>, vector<1x16xf32>,
      %swap3A_409 = vector.shape_cast %swap3A_408 : vector<1x16xf32> to vector<16xf32>
      %swap3A_410 = vector.shape_cast %add3A_405 : vector<16xf32> to vector<1x16xf32>
      tpu.vector_store %arg8[%swap3A_406, %swap3A_407], %swap3A_410 {strides = array<i32>} : memref<32x1024xf32, #tpu.memory_space<vmem>>, vector<1x16xf32>,
      %get3A_411 = arith.index_cast %scan3A_34 : i32 to index
      %get3A_412 = arith.constant 432 : index
      %get3A_413 = tpu.vector_load %arg8[%get3A_411, %get3A_412] {strides = array<i32>} : memref<32x1024xf32, #tpu.memory_space<vmem>>, vector<1x16xf32>,
      %get3A_414 = vector.shape_cast %get3A_413 : vector<1x16xf32> to vector<16xf32>
      %get3A_415 = arith.index_cast %scan3A_34 : i32 to index
      %get3A_416 = arith.constant 432 : index
      %get3A_417 = tpu.vector_load %arg7[%get3A_415, %get3A_416] {strides = array<i32>} : memref<32x1024xf32, #tpu.memory_space<vmem>>, vector<1x16xf32>,
      %get3A_418 = vector.shape_cast %get3A_417 : vector<1x16xf32> to vector<16xf32>
      %add3A_419 = arith.addf %get3A_414, %get3A_418 : vector<16xf32>
      %swap3A_420 = arith.index_cast %scan3A_34 : i32 to index
      %swap3A_421 = arith.constant 432 : index
      %swap3A_422 = tpu.vector_load %arg8[%swap3A_420, %swap3A_421] {strides = array<i32>} : memref<32x1024xf32, #tpu.memory_space<vmem>>, vector<1x16xf32>,
      %swap3A_423 = vector.shape_cast %swap3A_422 : vector<1x16xf32> to vector<16xf32>
      %swap3A_424 = vector.shape_cast %add3A_419 : vector<16xf32> to vector<1x16xf32>
      tpu.vector_store %arg8[%swap3A_420, %swap3A_421], %swap3A_424 {strides = array<i32>} : memref<32x1024xf32, #tpu.memory_space<vmem>>, vector<1x16xf32>,
      %get3A_425 = arith.index_cast %scan3A_34 : i32 to index
      %get3A_426 = arith.constant 448 : index
      %get3A_427 = tpu.vector_load %arg8[%get3A_425, %get3A_426] {strides = array<i32>} : memref<32x1024xf32, #tpu.memory_space<vmem>>, vector<1x16xf32>,
      %get3A_428 = vector.shape_cast %get3A_427 : vector<1x16xf32> to vector<16xf32>
      %get3A_429 = arith.index_cast %scan3A_34 : i32 to index
      %get3A_430 = arith.constant 448 : index
      %get3A_431 = tpu.vector_load %arg7[%get3A_429, %get3A_430] {strides = array<i32>} : memref<32x1024xf32, #tpu.memory_space<vmem>>, vector<1x16xf32>,
      %get3A_432 = vector.shape_cast %get3A_431 : vector<1x16xf32> to vector<16xf32>
      %add3A_433 = arith.addf %get3A_428, %get3A_432 : vector<16xf32>
      %swap3A_434 = arith.index_cast %scan3A_34 : i32 to index
      %swap3A_435 = arith.constant 448 : index
      %swap3A_436 = tpu.vector_load %arg8[%swap3A_434, %swap3A_435] {strides = array<i32>} : memref<32x1024xf32, #tpu.memory_space<vmem>>, vector<1x16xf32>,
      %swap3A_437 = vector.shape_cast %swap3A_436 : vector<1x16xf32> to vector<16xf32>
      %swap3A_438 = vector.shape_cast %add3A_433 : vector<16xf32> to vector<1x16xf32>
      tpu.vector_store %arg8[%swap3A_434, %swap3A_435], %swap3A_438 {strides = array<i32>} : memref<32x1024xf32, #tpu.memory_space<vmem>>, vector<1x16xf32>,
      %get3A_439 = arith.index_cast %scan3A_34 : i32 to index
      %get3A_440 = arith.constant 464 : index
      %get3A_441 = tpu.vector_load %arg8[%get3A_439, %get3A_440] {strides = array<i32>} : memref<32x1024xf32, #tpu.memory_space<vmem>>, vector<1x16xf32>,
      %get3A_442 = vector.shape_cast %get3A_441 : vector<1x16xf32> to vector<16xf32>
      %get3A_443 = arith.index_cast %scan3A_34 : i32 to index
      %get3A_444 = arith.constant 464 : index
      %get3A_445 = tpu.vector_load %arg7[%get3A_443, %get3A_444] {strides = array<i32>} : memref<32x1024xf32, #tpu.memory_space<vmem>>, vector<1x16xf32>,
      %get3A_446 = vector.shape_cast %get3A_445 : vector<1x16xf32> to vector<16xf32>
      %add3A_447 = arith.addf %get3A_442, %get3A_446 : vector<16xf32>
      %swap3A_448 = arith.index_cast %scan3A_34 : i32 to index
      %swap3A_449 = arith.constant 464 : index
      %swap3A_450 = tpu.vector_load %arg8[%swap3A_448, %swap3A_449] {strides = array<i32>} : memref<32x1024xf32, #tpu.memory_space<vmem>>, vector<1x16xf32>,
      %swap3A_451 = vector.shape_cast %swap3A_450 : vector<1x16xf32> to vector<16xf32>
      %swap3A_452 = vector.shape_cast %add3A_447 : vector<16xf32> to vector<1x16xf32>
      tpu.vector_store %arg8[%swap3A_448, %swap3A_449], %swap3A_452 {strides = array<i32>} : memref<32x1024xf32, #tpu.memory_space<vmem>>, vector<1x16xf32>,
      %get3A_453 = arith.index_cast %scan3A_34 : i32 to index
      %get3A_454 = arith.constant 480 : index
      %get3A_455 = tpu.vector_load %arg8[%get3A_453, %get3A_454] {strides = array<i32>} : memref<32x1024xf32, #tpu.memory_space<vmem>>, vector<1x16xf32>,
      %get3A_456 = vector.shape_cast %get3A_455 : vector<1x16xf32> to vector<16xf32>
      %get3A_457 = arith.index_cast %scan3A_34 : i32 to index
      %get3A_458 = arith.constant 480 : index
      %get3A_459 = tpu.vector_load %arg7[%get3A_457, %get3A_458] {strides = array<i32>} : memref<32x1024xf32, #tpu.memory_space<vmem>>, vector<1x16xf32>,
      %get3A_460 = vector.shape_cast %get3A_459 : vector<1x16xf32> to vector<16xf32>
      %add3A_461 = arith.addf %get3A_456, %get3A_460 : vector<16xf32>
      %swap3A_462 = arith.index_cast %scan3A_34 : i32 to index
      %swap3A_463 = arith.constant 480 : index
      %swap3A_464 = tpu.vector_load %arg8[%swap3A_462, %swap3A_463] {strides = array<i32>} : memref<32x1024xf32, #tpu.memory_space<vmem>>, vector<1x16xf32>,
      %swap3A_465 = vector.shape_cast %swap3A_464 : vector<1x16xf32> to vector<16xf32>
      %swap3A_466 = vector.shape_cast %add3A_461 : vector<16xf32> to vector<1x16xf32>
      tpu.vector_store %arg8[%swap3A_462, %swap3A_463], %swap3A_466 {strides = array<i32>} : memref<32x1024xf32, #tpu.memory_space<vmem>>, vector<1x16xf32>,
      %get3A_467 = arith.index_cast %scan3A_34 : i32 to index
      %get3A_468 = arith.constant 496 : index
      %get3A_469 = tpu.vector_load %arg8[%get3A_467, %get3A_468] {strides = array<i32>} : memref<32x1024xf32, #tpu.memory_space<vmem>>, vector<1x16xf32>,
      %get3A_470 = vector.shape_cast %get3A_469 : vector<1x16xf32> to vector<16xf32>
      %get3A_471 = arith.index_cast %scan3A_34 : i32 to index
      %get3A_472 = arith.constant 496 : index
      %get3A_473 = tpu.vector_load %arg7[%get3A_471, %get3A_472] {strides = array<i32>} : memref<32x1024xf32, #tpu.memory_space<vmem>>, vector<1x16xf32>,
      %get3A_474 = vector.shape_cast %get3A_473 : vector<1x16xf32> to vector<16xf32>
      %add3A_475 = arith.addf %get3A_470, %get3A_474 : vector<16xf32>
      %swap3A_476 = arith.index_cast %scan3A_34 : i32 to index
      %swap3A_477 = arith.constant 496 : index
      %swap3A_478 = tpu.vector_load %arg8[%swap3A_476, %swap3A_477] {strides = array<i32>} : memref<32x1024xf32, #tpu.memory_space<vmem>>, vector<1x16xf32>,
      %swap3A_479 = vector.shape_cast %swap3A_478 : vector<1x16xf32> to vector<16xf32>
      %swap3A_480 = vector.shape_cast %add3A_475 : vector<16xf32> to vector<1x16xf32>
      tpu.vector_store %arg8[%swap3A_476, %swap3A_477], %swap3A_480 {strides = array<i32>} : memref<32x1024xf32, #tpu.memory_space<vmem>>, vector<1x16xf32>,
      %get3A_481 = arith.index_cast %scan3A_34 : i32 to index
      %get3A_482 = arith.constant 512 : index
      %get3A_483 = tpu.vector_load %arg8[%get3A_481, %get3A_482] {strides = array<i32>} : memref<32x1024xf32, #tpu.memory_space<vmem>>, vector<1x16xf32>,
      %get3A_484 = vector.shape_cast %get3A_483 : vector<1x16xf32> to vector<16xf32>
      %get3A_485 = arith.index_cast %scan3A_34 : i32 to index
      %get3A_486 = arith.constant 512 : index
      %get3A_487 = tpu.vector_load %arg7[%get3A_485, %get3A_486] {strides = array<i32>} : memref<32x1024xf32, #tpu.memory_space<vmem>>, vector<1x16xf32>,
      %get3A_488 = vector.shape_cast %get3A_487 : vector<1x16xf32> to vector<16xf32>
      %add3A_489 = arith.addf %get3A_484, %get3A_488 : vector<16xf32>
      %swap3A_490 = arith.index_cast %scan3A_34 : i32 to index
      %swap3A_491 = arith.constant 512 : index
      %swap3A_492 = tpu.vector_load %arg8[%swap3A_490, %swap3A_491] {strides = array<i32>} : memref<32x1024xf32, #tpu.memory_space<vmem>>, vector<1x16xf32>,
      %swap3A_493 = vector.shape_cast %swap3A_492 : vector<1x16xf32> to vector<16xf32>
      %swap3A_494 = vector.shape_cast %add3A_489 : vector<16xf32> to vector<1x16xf32>
      tpu.vector_store %arg8[%swap3A_490, %swap3A_491], %swap3A_494 {strides = array<i32>} : memref<32x1024xf32, #tpu.memory_space<vmem>>, vector<1x16xf32>,
      %get3A_495 = arith.index_cast %scan3A_34 : i32 to index
      %get3A_496 = arith.constant 528 : index
      %get3A_497 = tpu.vector_load %arg8[%get3A_495, %get3A_496] {strides = array<i32>} : memref<32x1024xf32, #tpu.memory_space<vmem>>, vector<1x16xf32>,
      %get3A_498 = vector.shape_cast %get3A_497 : vector<1x16xf32> to vector<16xf32>
      %get3A_499 = arith.index_cast %scan3A_34 : i32 to index
      %get3A_500 = arith.constant 528 : index
      %get3A_501 = tpu.vector_load %arg7[%get3A_499, %get3A_500] {strides = array<i32>} : memref<32x1024xf32, #tpu.memory_space<vmem>>, vector<1x16xf32>,
      %get3A_502 = vector.shape_cast %get3A_501 : vector<1x16xf32> to vector<16xf32>
      %add3A_503 = arith.addf %get3A_498, %get3A_502 : vector<16xf32>
      %swap3A_504 = arith.index_cast %scan3A_34 : i32 to index
      %swap3A_505 = arith.constant 528 : index
      %swap3A_506 = tpu.vector_load %arg8[%swap3A_504, %swap3A_505] {strides = array<i32>} : memref<32x1024xf32, #tpu.memory_space<vmem>>, vector<1x16xf32>,
      %swap3A_507 = vector.shape_cast %swap3A_506 : vector<1x16xf32> to vector<16xf32>
      %swap3A_508 = vector.shape_cast %add3A_503 : vector<16xf32> to vector<1x16xf32>
      tpu.vector_store %arg8[%swap3A_504, %swap3A_505], %swap3A_508 {strides = array<i32>} : memref<32x1024xf32, #tpu.memory_space<vmem>>, vector<1x16xf32>,
      %get3A_509 = arith.index_cast %scan3A_34 : i32 to index
      %get3A_510 = arith.constant 544 : index
      %get3A_511 = tpu.vector_load %arg8[%get3A_509, %get3A_510] {strides = array<i32>} : memref<32x1024xf32, #tpu.memory_space<vmem>>, vector<1x16xf32>,
      %get3A_512 = vector.shape_cast %get3A_511 : vector<1x16xf32> to vector<16xf32>
      %get3A_513 = arith.index_cast %scan3A_34 : i32 to index
      %get3A_514 = arith.constant 544 : index
      %get3A_515 = tpu.vector_load %arg7[%get3A_513, %get3A_514] {strides = array<i32>} : memref<32x1024xf32, #tpu.memory_space<vmem>>, vector<1x16xf32>,
      %get3A_516 = vector.shape_cast %get3A_515 : vector<1x16xf32> to vector<16xf32>
      %add3A_517 = arith.addf %get3A_512, %get3A_516 : vector<16xf32>
      %swap3A_518 = arith.index_cast %scan3A_34 : i32 to index
      %swap3A_519 = arith.constant 544 : index
      %swap3A_520 = tpu.vector_load %arg8[%swap3A_518, %swap3A_519] {strides = array<i32>} : memref<32x1024xf32, #tpu.memory_space<vmem>>, vector<1x16xf32>,
      %swap3A_521 = vector.shape_cast %swap3A_520 : vector<1x16xf32> to vector<16xf32>
      %swap3A_522 = vector.shape_cast %add3A_517 : vector<16xf32> to vector<1x16xf32>
      tpu.vector_store %arg8[%swap3A_518, %swap3A_519], %swap3A_522 {strides = array<i32>} : memref<32x1024xf32, #tpu.memory_space<vmem>>, vector<1x16xf32>,
      %get3A_523 = arith.index_cast %scan3A_34 : i32 to index
      %get3A_524 = arith.constant 560 : index
      %get3A_525 = tpu.vector_load %arg8[%get3A_523, %get3A_524] {strides = array<i32>} : memref<32x1024xf32, #tpu.memory_space<vmem>>, vector<1x16xf32>,
      %get3A_526 = vector.shape_cast %get3A_525 : vector<1x16xf32> to vector<16xf32>
      %get3A_527 = arith.index_cast %scan3A_34 : i32 to index
      %get3A_528 = arith.constant 560 : index
      %get3A_529 = tpu.vector_load %arg7[%get3A_527, %get3A_528] {strides = array<i32>} : memref<32x1024xf32, #tpu.memory_space<vmem>>, vector<1x16xf32>,
      %get3A_530 = vector.shape_cast %get3A_529 : vector<1x16xf32> to vector<16xf32>
      %add3A_531 = arith.addf %get3A_526, %get3A_530 : vector<16xf32>
      %swap3A_532 = arith.index_cast %scan3A_34 : i32 to index
      %swap3A_533 = arith.constant 560 : index
      %swap3A_534 = tpu.vector_load %arg8[%swap3A_532, %swap3A_533] {strides = array<i32>} : memref<32x1024xf32, #tpu.memory_space<vmem>>, vector<1x16xf32>,
      %swap3A_535 = vector.shape_cast %swap3A_534 : vector<1x16xf32> to vector<16xf32>
      %swap3A_536 = vector.shape_cast %add3A_531 : vector<16xf32> to vector<1x16xf32>
      tpu.vector_store %arg8[%swap3A_532, %swap3A_533], %swap3A_536 {strides = array<i32>} : memref<32x1024xf32, #tpu.memory_space<vmem>>, vector<1x16xf32>,
      %get3A_537 = arith.index_cast %scan3A_34 : i32 to index
      %get3A_538 = arith.constant 576 : index
      %get3A_539 = tpu.vector_load %arg8[%get3A_537, %get3A_538] {strides = array<i32>} : memref<32x1024xf32, #tpu.memory_space<vmem>>, vector<1x16xf32>,
      %get3A_540 = vector.shape_cast %get3A_539 : vector<1x16xf32> to vector<16xf32>
      %get3A_541 = arith.index_cast %scan3A_34 : i32 to index
      %get3A_542 = arith.constant 576 : index
      %get3A_543 = tpu.vector_load %arg7[%get3A_541, %get3A_542] {strides = array<i32>} : memref<32x1024xf32, #tpu.memory_space<vmem>>, vector<1x16xf32>,
      %get3A_544 = vector.shape_cast %get3A_543 : vector<1x16xf32> to vector<16xf32>
      %add3A_545 = arith.addf %get3A_540, %get3A_544 : vector<16xf32>
      %swap3A_546 = arith.index_cast %scan3A_34 : i32 to index
      %swap3A_547 = arith.constant 576 : index
      %swap3A_548 = tpu.vector_load %arg8[%swap3A_546, %swap3A_547] {strides = array<i32>} : memref<32x1024xf32, #tpu.memory_space<vmem>>, vector<1x16xf32>,
      %swap3A_549 = vector.shape_cast %swap3A_548 : vector<1x16xf32> to vector<16xf32>
      %swap3A_550 = vector.shape_cast %add3A_545 : vector<16xf32> to vector<1x16xf32>
      tpu.vector_store %arg8[%swap3A_546, %swap3A_547], %swap3A_550 {strides = array<i32>} : memref<32x1024xf32, #tpu.memory_space<vmem>>, vector<1x16xf32>,
      %get3A_551 = arith.index_cast %scan3A_34 : i32 to index
      %get3A_552 = arith.constant 592 : index
      %get3A_553 = tpu.vector_load %arg8[%get3A_551, %get3A_552] {strides = array<i32>} : memref<32x1024xf32, #tpu.memory_space<vmem>>, vector<1x16xf32>,
      %get3A_554 = vector.shape_cast %get3A_553 : vector<1x16xf32> to vector<16xf32>
      %get3A_555 = arith.index_cast %scan3A_34 : i32 to index
      %get3A_556 = arith.constant 592 : index
      %get3A_557 = tpu.vector_load %arg7[%get3A_555, %get3A_556] {strides = array<i32>} : memref<32x1024xf32, #tpu.memory_space<vmem>>, vector<1x16xf32>,
      %get3A_558 = vector.shape_cast %get3A_557 : vector<1x16xf32> to vector<16xf32>
      %add3A_559 = arith.addf %get3A_554, %get3A_558 : vector<16xf32>
      %swap3A_560 = arith.index_cast %scan3A_34 : i32 to index
      %swap3A_561 = arith.constant 592 : index
      %swap3A_562 = tpu.vector_load %arg8[%swap3A_560, %swap3A_561] {strides = array<i32>} : memref<32x1024xf32, #tpu.memory_space<vmem>>, vector<1x16xf32>,
      %swap3A_563 = vector.shape_cast %swap3A_562 : vector<1x16xf32> to vector<16xf32>
      %swap3A_564 = vector.shape_cast %add3A_559 : vector<16xf32> to vector<1x16xf32>
      tpu.vector_store %arg8[%swap3A_560, %swap3A_561], %swap3A_564 {strides = array<i32>} : memref<32x1024xf32, #tpu.memory_space<vmem>>, vector<1x16xf32>,
      %get3A_565 = arith.index_cast %scan3A_34 : i32 to index
      %get3A_566 = arith.constant 608 : index
      %get3A_567 = tpu.vector_load %arg8[%get3A_565, %get3A_566] {strides = array<i32>} : memref<32x1024xf32, #tpu.memory_space<vmem>>, vector<1x16xf32>,
      %get3A_568 = vector.shape_cast %get3A_567 : vector<1x16xf32> to vector<16xf32>
      %get3A_569 = arith.index_cast %scan3A_34 : i32 to index
      %get3A_570 = arith.constant 608 : index
      %get3A_571 = tpu.vector_load %arg7[%get3A_569, %get3A_570] {strides = array<i32>} : memref<32x1024xf32, #tpu.memory_space<vmem>>, vector<1x16xf32>,
      %get3A_572 = vector.shape_cast %get3A_571 : vector<1x16xf32> to vector<16xf32>
      %add3A_573 = arith.addf %get3A_568, %get3A_572 : vector<16xf32>
      %swap3A_574 = arith.index_cast %scan3A_34 : i32 to index
      %swap3A_575 = arith.constant 608 : index
      %swap3A_576 = tpu.vector_load %arg8[%swap3A_574, %swap3A_575] {strides = array<i32>} : memref<32x1024xf32, #tpu.memory_space<vmem>>, vector<1x16xf32>,
      %swap3A_577 = vector.shape_cast %swap3A_576 : vector<1x16xf32> to vector<16xf32>
      %swap3A_578 = vector.shape_cast %add3A_573 : vector<16xf32> to vector<1x16xf32>
      tpu.vector_store %arg8[%swap3A_574, %swap3A_575], %swap3A_578 {strides = array<i32>} : memref<32x1024xf32, #tpu.memory_space<vmem>>, vector<1x16xf32>,
      %get3A_579 = arith.index_cast %scan3A_34 : i32 to index
      %get3A_580 = arith.constant 624 : index
      %get3A_581 = tpu.vector_load %arg8[%get3A_579, %get3A_580] {strides = array<i32>} : memref<32x1024xf32, #tpu.memory_space<vmem>>, vector<1x16xf32>,
      %get3A_582 = vector.shape_cast %get3A_581 : vector<1x16xf32> to vector<16xf32>
      %get3A_583 = arith.index_cast %scan3A_34 : i32 to index
      %get3A_584 = arith.constant 624 : index
      %get3A_585 = tpu.vector_load %arg7[%get3A_583, %get3A_584] {strides = array<i32>} : memref<32x1024xf32, #tpu.memory_space<vmem>>, vector<1x16xf32>,
      %get3A_586 = vector.shape_cast %get3A_585 : vector<1x16xf32> to vector<16xf32>
      %add3A_587 = arith.addf %get3A_582, %get3A_586 : vector<16xf32>
      %swap3A_588 = arith.index_cast %scan3A_34 : i32 to index
      %swap3A_589 = arith.constant 624 : index
      %swap3A_590 = tpu.vector_load %arg8[%swap3A_588, %swap3A_589] {strides = array<i32>} : memref<32x1024xf32, #tpu.memory_space<vmem>>, vector<1x16xf32>,
      %swap3A_591 = vector.shape_cast %swap3A_590 : vector<1x16xf32> to vector<16xf32>
      %swap3A_592 = vector.shape_cast %add3A_587 : vector<16xf32> to vector<1x16xf32>
      tpu.vector_store %arg8[%swap3A_588, %swap3A_589], %swap3A_592 {strides = array<i32>} : memref<32x1024xf32, #tpu.memory_space<vmem>>, vector<1x16xf32>,
      %get3A_593 = arith.index_cast %scan3A_34 : i32 to index
      %get3A_594 = arith.constant 640 : index
      %get3A_595 = tpu.vector_load %arg8[%get3A_593, %get3A_594] {strides = array<i32>} : memref<32x1024xf32, #tpu.memory_space<vmem>>, vector<1x16xf32>,
      %get3A_596 = vector.shape_cast %get3A_595 : vector<1x16xf32> to vector<16xf32>
      %get3A_597 = arith.index_cast %scan3A_34 : i32 to index
      %get3A_598 = arith.constant 640 : index
      %get3A_599 = tpu.vector_load %arg7[%get3A_597, %get3A_598] {strides = array<i32>} : memref<32x1024xf32, #tpu.memory_space<vmem>>, vector<1x16xf32>,
      %get3A_600 = vector.shape_cast %get3A_599 : vector<1x16xf32> to vector<16xf32>
      %add3A_601 = arith.addf %get3A_596, %get3A_600 : vector<16xf32>
      %swap3A_602 = arith.index_cast %scan3A_34 : i32 to index
      %swap3A_603 = arith.constant 640 : index
      %swap3A_604 = tpu.vector_load %arg8[%swap3A_602, %swap3A_603] {strides = array<i32>} : memref<32x1024xf32, #tpu.memory_space<vmem>>, vector<1x16xf32>,
      %swap3A_605 = vector.shape_cast %swap3A_604 : vector<1x16xf32> to vector<16xf32>
      %swap3A_606 = vector.shape_cast %add3A_601 : vector<16xf32> to vector<1x16xf32>
      tpu.vector_store %arg8[%swap3A_602, %swap3A_603], %swap3A_606 {strides = array<i32>} : memref<32x1024xf32, #tpu.memory_space<vmem>>, vector<1x16xf32>,
      %get3A_607 = arith.index_cast %scan3A_34 : i32 to index
      %get3A_608 = arith.constant 656 : index
      %get3A_609 = tpu.vector_load %arg8[%get3A_607, %get3A_608] {strides = array<i32>} : memref<32x1024xf32, #tpu.memory_space<vmem>>, vector<1x16xf32>,
      %get3A_610 = vector.shape_cast %get3A_609 : vector<1x16xf32> to vector<16xf32>
      %get3A_611 = arith.index_cast %scan3A_34 : i32 to index
      %get3A_612 = arith.constant 656 : index
      %get3A_613 = tpu.vector_load %arg7[%get3A_611, %get3A_612] {strides = array<i32>} : memref<32x1024xf32, #tpu.memory_space<vmem>>, vector<1x16xf32>,
      %get3A_614 = vector.shape_cast %get3A_613 : vector<1x16xf32> to vector<16xf32>
      %add3A_615 = arith.addf %get3A_610, %get3A_614 : vector<16xf32>
      %swap3A_616 = arith.index_cast %scan3A_34 : i32 to index
      %swap3A_617 = arith.constant 656 : index
      %swap3A_618 = tpu.vector_load %arg8[%swap3A_616, %swap3A_617] {strides = array<i32>} : memref<32x1024xf32, #tpu.memory_space<vmem>>, vector<1x16xf32>,
      %swap3A_619 = vector.shape_cast %swap3A_618 : vector<1x16xf32> to vector<16xf32>
      %swap3A_620 = vector.shape_cast %add3A_615 : vector<16xf32> to vector<1x16xf32>
      tpu.vector_store %arg8[%swap3A_616, %swap3A_617], %swap3A_620 {strides = array<i32>} : memref<32x1024xf32, #tpu.memory_space<vmem>>, vector<1x16xf32>,
      %get3A_621 = arith.index_cast %scan3A_34 : i32 to index
      %get3A_622 = arith.constant 672 : index
      %get3A_623 = tpu.vector_load %arg8[%get3A_621, %get3A_622] {strides = array<i32>} : memref<32x1024xf32, #tpu.memory_space<vmem>>, vector<1x16xf32>,
      %get3A_624 = vector.shape_cast %get3A_623 : vector<1x16xf32> to vector<16xf32>
      %get3A_625 = arith.index_cast %scan3A_34 : i32 to index
      %get3A_626 = arith.constant 672 : index
      %get3A_627 = tpu.vector_load %arg7[%get3A_625, %get3A_626] {strides = array<i32>} : memref<32x1024xf32, #tpu.memory_space<vmem>>, vector<1x16xf32>,
      %get3A_628 = vector.shape_cast %get3A_627 : vector<1x16xf32> to vector<16xf32>
      %add3A_629 = arith.addf %get3A_624, %get3A_628 : vector<16xf32>
      %swap3A_630 = arith.index_cast %scan3A_34 : i32 to index
      %swap3A_631 = arith.constant 672 : index
      %swap3A_632 = tpu.vector_load %arg8[%swap3A_630, %swap3A_631] {strides = array<i32>} : memref<32x1024xf32, #tpu.memory_space<vmem>>, vector<1x16xf32>,
      %swap3A_633 = vector.shape_cast %swap3A_632 : vector<1x16xf32> to vector<16xf32>
      %swap3A_634 = vector.shape_cast %add3A_629 : vector<16xf32> to vector<1x16xf32>
      tpu.vector_store %arg8[%swap3A_630, %swap3A_631], %swap3A_634 {strides = array<i32>} : memref<32x1024xf32, #tpu.memory_space<vmem>>, vector<1x16xf32>,
      %get3A_635 = arith.index_cast %scan3A_34 : i32 to index
      %get3A_636 = arith.constant 688 : index
      %get3A_637 = tpu.vector_load %arg8[%get3A_635, %get3A_636] {strides = array<i32>} : memref<32x1024xf32, #tpu.memory_space<vmem>>, vector<1x16xf32>,
      %get3A_638 = vector.shape_cast %get3A_637 : vector<1x16xf32> to vector<16xf32>
      %get3A_639 = arith.index_cast %scan3A_34 : i32 to index
      %get3A_640 = arith.constant 688 : index
      %get3A_641 = tpu.vector_load %arg7[%get3A_639, %get3A_640] {strides = array<i32>} : memref<32x1024xf32, #tpu.memory_space<vmem>>, vector<1x16xf32>,
      %get3A_642 = vector.shape_cast %get3A_641 : vector<1x16xf32> to vector<16xf32>
      %add3A_643 = arith.addf %get3A_638, %get3A_642 : vector<16xf32>
      %swap3A_644 = arith.index_cast %scan3A_34 : i32 to index
      %swap3A_645 = arith.constant 688 : index
      %swap3A_646 = tpu.vector_load %arg8[%swap3A_644, %swap3A_645] {strides = array<i32>} : memref<32x1024xf32, #tpu.memory_space<vmem>>, vector<1x16xf32>,
      %swap3A_647 = vector.shape_cast %swap3A_646 : vector<1x16xf32> to vector<16xf32>
      %swap3A_648 = vector.shape_cast %add3A_643 : vector<16xf32> to vector<1x16xf32>
      tpu.vector_store %arg8[%swap3A_644, %swap3A_645], %swap3A_648 {strides = array<i32>} : memref<32x1024xf32, #tpu.memory_space<vmem>>, vector<1x16xf32>,
      %get3A_649 = arith.index_cast %scan3A_34 : i32 to index
      %get3A_650 = arith.constant 704 : index
      %get3A_651 = tpu.vector_load %arg8[%get3A_649, %get3A_650] {strides = array<i32>} : memref<32x1024xf32, #tpu.memory_space<vmem>>, vector<1x16xf32>,
      %get3A_652 = vector.shape_cast %get3A_651 : vector<1x16xf32> to vector<16xf32>
      %get3A_653 = arith.index_cast %scan3A_34 : i32 to index
      %get3A_654 = arith.constant 704 : index
      %get3A_655 = tpu.vector_load %arg7[%get3A_653, %get3A_654] {strides = array<i32>} : memref<32x1024xf32, #tpu.memory_space<vmem>>, vector<1x16xf32>,
      %get3A_656 = vector.shape_cast %get3A_655 : vector<1x16xf32> to vector<16xf32>
      %add3A_657 = arith.addf %get3A_652, %get3A_656 : vector<16xf32>
      %swap3A_658 = arith.index_cast %scan3A_34 : i32 to index
      %swap3A_659 = arith.constant 704 : index
      %swap3A_660 = tpu.vector_load %arg8[%swap3A_658, %swap3A_659] {strides = array<i32>} : memref<32x1024xf32, #tpu.memory_space<vmem>>, vector<1x16xf32>,
      %swap3A_661 = vector.shape_cast %swap3A_660 : vector<1x16xf32> to vector<16xf32>
      %swap3A_662 = vector.shape_cast %add3A_657 : vector<16xf32> to vector<1x16xf32>
      tpu.vector_store %arg8[%swap3A_658, %swap3A_659], %swap3A_662 {strides = array<i32>} : memref<32x1024xf32, #tpu.memory_space<vmem>>, vector<1x16xf32>,
      %get3A_663 = arith.index_cast %scan3A_34 : i32 to index
      %get3A_664 = arith.constant 720 : index
      %get3A_665 = tpu.vector_load %arg8[%get3A_663, %get3A_664] {strides = array<i32>} : memref<32x1024xf32, #tpu.memory_space<vmem>>, vector<1x16xf32>,
      %get3A_666 = vector.shape_cast %get3A_665 : vector<1x16xf32> to vector<16xf32>
      %get3A_667 = arith.index_cast %scan3A_34 : i32 to index
      %get3A_668 = arith.constant 720 : index
      %get3A_669 = tpu.vector_load %arg7[%get3A_667, %get3A_668] {strides = array<i32>} : memref<32x1024xf32, #tpu.memory_space<vmem>>, vector<1x16xf32>,
      %get3A_670 = vector.shape_cast %get3A_669 : vector<1x16xf32> to vector<16xf32>
      %add3A_671 = arith.addf %get3A_666, %get3A_670 : vector<16xf32>
      %swap3A_672 = arith.index_cast %scan3A_34 : i32 to index
      %swap3A_673 = arith.constant 720 : index
      %swap3A_674 = tpu.vector_load %arg8[%swap3A_672, %swap3A_673] {strides = array<i32>} : memref<32x1024xf32, #tpu.memory_space<vmem>>, vector<1x16xf32>,
      %swap3A_675 = vector.shape_cast %swap3A_674 : vector<1x16xf32> to vector<16xf32>
      %swap3A_676 = vector.shape_cast %add3A_671 : vector<16xf32> to vector<1x16xf32>
      tpu.vector_store %arg8[%swap3A_672, %swap3A_673], %swap3A_676 {strides = array<i32>} : memref<32x1024xf32, #tpu.memory_space<vmem>>, vector<1x16xf32>,
      %get3A_677 = arith.index_cast %scan3A_34 : i32 to index
      %get3A_678 = arith.constant 736 : index
      %get3A_679 = tpu.vector_load %arg8[%get3A_677, %get3A_678] {strides = array<i32>} : memref<32x1024xf32, #tpu.memory_space<vmem>>, vector<1x16xf32>,
      %get3A_680 = vector.shape_cast %get3A_679 : vector<1x16xf32> to vector<16xf32>
      %get3A_681 = arith.index_cast %scan3A_34 : i32 to index
      %get3A_682 = arith.constant 736 : index
      %get3A_683 = tpu.vector_load %arg7[%get3A_681, %get3A_682] {strides = array<i32>} : memref<32x1024xf32, #tpu.memory_space<vmem>>, vector<1x16xf32>,
      %get3A_684 = vector.shape_cast %get3A_683 : vector<1x16xf32> to vector<16xf32>
      %add3A_685 = arith.addf %get3A_680, %get3A_684 : vector<16xf32>
      %swap3A_686 = arith.index_cast %scan3A_34 : i32 to index
      %swap3A_687 = arith.constant 736 : index
      %swap3A_688 = tpu.vector_load %arg8[%swap3A_686, %swap3A_687] {strides = array<i32>} : memref<32x1024xf32, #tpu.memory_space<vmem>>, vector<1x16xf32>,
      %swap3A_689 = vector.shape_cast %swap3A_688 : vector<1x16xf32> to vector<16xf32>
      %swap3A_690 = vector.shape_cast %add3A_685 : vector<16xf32> to vector<1x16xf32>
      tpu.vector_store %arg8[%swap3A_686, %swap3A_687], %swap3A_690 {strides = array<i32>} : memref<32x1024xf32, #tpu.memory_space<vmem>>, vector<1x16xf32>,
      %get3A_691 = arith.index_cast %scan3A_34 : i32 to index
      %get3A_692 = arith.constant 752 : index
      %get3A_693 = tpu.vector_load %arg8[%get3A_691, %get3A_692] {strides = array<i32>} : memref<32x1024xf32, #tpu.memory_space<vmem>>, vector<1x16xf32>,
      %get3A_694 = vector.shape_cast %get3A_693 : vector<1x16xf32> to vector<16xf32>
      %get3A_695 = arith.index_cast %scan3A_34 : i32 to index
      %get3A_696 = arith.constant 752 : index
      %get3A_697 = tpu.vector_load %arg7[%get3A_695, %get3A_696] {strides = array<i32>} : memref<32x1024xf32, #tpu.memory_space<vmem>>, vector<1x16xf32>,
      %get3A_698 = vector.shape_cast %get3A_697 : vector<1x16xf32> to vector<16xf32>
      %add3A_699 = arith.addf %get3A_694, %get3A_698 : vector<16xf32>
      %swap3A_700 = arith.index_cast %scan3A_34 : i32 to index
      %swap3A_701 = arith.constant 752 : index
      %swap3A_702 = tpu.vector_load %arg8[%swap3A_700, %swap3A_701] {strides = array<i32>} : memref<32x1024xf32, #tpu.memory_space<vmem>>, vector<1x16xf32>,
      %swap3A_703 = vector.shape_cast %swap3A_702 : vector<1x16xf32> to vector<16xf32>
      %swap3A_704 = vector.shape_cast %add3A_699 : vector<16xf32> to vector<1x16xf32>
      tpu.vector_store %arg8[%swap3A_700, %swap3A_701], %swap3A_704 {strides = array<i32>} : memref<32x1024xf32, #tpu.memory_space<vmem>>, vector<1x16xf32>,
      %get3A_705 = arith.index_cast %scan3A_34 : i32 to index
      %get3A_706 = arith.constant 768 : index
      %get3A_707 = tpu.vector_load %arg8[%get3A_705, %get3A_706] {strides = array<i32>} : memref<32x1024xf32, #tpu.memory_space<vmem>>, vector<1x16xf32>,
      %get3A_708 = vector.shape_cast %get3A_707 : vector<1x16xf32> to vector<16xf32>
      %get3A_709 = arith.index_cast %scan3A_34 : i32 to index
      %get3A_710 = arith.constant 768 : index
      %get3A_711 = tpu.vector_load %arg7[%get3A_709, %get3A_710] {strides = array<i32>} : memref<32x1024xf32, #tpu.memory_space<vmem>>, vector<1x16xf32>,
      %get3A_712 = vector.shape_cast %get3A_711 : vector<1x16xf32> to vector<16xf32>
      %add3A_713 = arith.addf %get3A_708, %get3A_712 : vector<16xf32>
      %swap3A_714 = arith.index_cast %scan3A_34 : i32 to index
      %swap3A_715 = arith.constant 768 : index
      %swap3A_716 = tpu.vector_load %arg8[%swap3A_714, %swap3A_715] {strides = array<i32>} : memref<32x1024xf32, #tpu.memory_space<vmem>>, vector<1x16xf32>,
      %swap3A_717 = vector.shape_cast %swap3A_716 : vector<1x16xf32> to vector<16xf32>
      %swap3A_718 = vector.shape_cast %add3A_713 : vector<16xf32> to vector<1x16xf32>
      tpu.vector_store %arg8[%swap3A_714, %swap3A_715], %swap3A_718 {strides = array<i32>} : memref<32x1024xf32, #tpu.memory_space<vmem>>, vector<1x16xf32>,
      %get3A_719 = arith.index_cast %scan3A_34 : i32 to index
      %get3A_720 = arith.constant 784 : index
      %get3A_721 = tpu.vector_load %arg8[%get3A_719, %get3A_720] {strides = array<i32>} : memref<32x1024xf32, #tpu.memory_space<vmem>>, vector<1x16xf32>,
      %get3A_722 = vector.shape_cast %get3A_721 : vector<1x16xf32> to vector<16xf32>
      %get3A_723 = arith.index_cast %scan3A_34 : i32 to index
      %get3A_724 = arith.constant 784 : index
      %get3A_725 = tpu.vector_load %arg7[%get3A_723, %get3A_724] {strides = array<i32>} : memref<32x1024xf32, #tpu.memory_space<vmem>>, vector<1x16xf32>,
      %get3A_726 = vector.shape_cast %get3A_725 : vector<1x16xf32> to vector<16xf32>
      %add3A_727 = arith.addf %get3A_722, %get3A_726 : vector<16xf32>
      %swap3A_728 = arith.index_cast %scan3A_34 : i32 to index
      %swap3A_729 = arith.constant 784 : index
      %swap3A_730 = tpu.vector_load %arg8[%swap3A_728, %swap3A_729] {strides = array<i32>} : memref<32x1024xf32, #tpu.memory_space<vmem>>, vector<1x16xf32>,
      %swap3A_731 = vector.shape_cast %swap3A_730 : vector<1x16xf32> to vector<16xf32>
      %swap3A_732 = vector.shape_cast %add3A_727 : vector<16xf32> to vector<1x16xf32>
      tpu.vector_store %arg8[%swap3A_728, %swap3A_729], %swap3A_732 {strides = array<i32>} : memref<32x1024xf32, #tpu.memory_space<vmem>>, vector<1x16xf32>,
      %get3A_733 = arith.index_cast %scan3A_34 : i32 to index
      %get3A_734 = arith.constant 800 : index
      %get3A_735 = tpu.vector_load %arg8[%get3A_733, %get3A_734] {strides = array<i32>} : memref<32x1024xf32, #tpu.memory_space<vmem>>, vector<1x16xf32>,
      %get3A_736 = vector.shape_cast %get3A_735 : vector<1x16xf32> to vector<16xf32>
      %get3A_737 = arith.index_cast %scan3A_34 : i32 to index
      %get3A_738 = arith.constant 800 : index
      %get3A_739 = tpu.vector_load %arg7[%get3A_737, %get3A_738] {strides = array<i32>} : memref<32x1024xf32, #tpu.memory_space<vmem>>, vector<1x16xf32>,
      %get3A_740 = vector.shape_cast %get3A_739 : vector<1x16xf32> to vector<16xf32>
      %add3A_741 = arith.addf %get3A_736, %get3A_740 : vector<16xf32>
      %swap3A_742 = arith.index_cast %scan3A_34 : i32 to index
      %swap3A_743 = arith.constant 800 : index
      %swap3A_744 = tpu.vector_load %arg8[%swap3A_742, %swap3A_743] {strides = array<i32>} : memref<32x1024xf32, #tpu.memory_space<vmem>>, vector<1x16xf32>,
      %swap3A_745 = vector.shape_cast %swap3A_744 : vector<1x16xf32> to vector<16xf32>
      %swap3A_746 = vector.shape_cast %add3A_741 : vector<16xf32> to vector<1x16xf32>
      tpu.vector_store %arg8[%swap3A_742, %swap3A_743], %swap3A_746 {strides = array<i32>} : memref<32x1024xf32, #tpu.memory_space<vmem>>, vector<1x16xf32>,
      %get3A_747 = arith.index_cast %scan3A_34 : i32 to index
      %get3A_748 = arith.constant 816 : index
      %get3A_749 = tpu.vector_load %arg8[%get3A_747, %get3A_748] {strides = array<i32>} : memref<32x1024xf32, #tpu.memory_space<vmem>>, vector<1x16xf32>,
      %get3A_750 = vector.shape_cast %get3A_749 : vector<1x16xf32> to vector<16xf32>
      %get3A_751 = arith.index_cast %scan3A_34 : i32 to index
      %get3A_752 = arith.constant 816 : index
      %get3A_753 = tpu.vector_load %arg7[%get3A_751, %get3A_752] {strides = array<i32>} : memref<32x1024xf32, #tpu.memory_space<vmem>>, vector<1x16xf32>,
      %get3A_754 = vector.shape_cast %get3A_753 : vector<1x16xf32> to vector<16xf32>
      %add3A_755 = arith.addf %get3A_750, %get3A_754 : vector<16xf32>
      %swap3A_756 = arith.index_cast %scan3A_34 : i32 to index
      %swap3A_757 = arith.constant 816 : index
      %swap3A_758 = tpu.vector_load %arg8[%swap3A_756, %swap3A_757] {strides = array<i32>} : memref<32x1024xf32, #tpu.memory_space<vmem>>, vector<1x16xf32>,
      %swap3A_759 = vector.shape_cast %swap3A_758 : vector<1x16xf32> to vector<16xf32>
      %swap3A_760 = vector.shape_cast %add3A_755 : vector<16xf32> to vector<1x16xf32>
      tpu.vector_store %arg8[%swap3A_756, %swap3A_757], %swap3A_760 {strides = array<i32>} : memref<32x1024xf32, #tpu.memory_space<vmem>>, vector<1x16xf32>,
      %get3A_761 = arith.index_cast %scan3A_34 : i32 to index
      %get3A_762 = arith.constant 832 : index
      %get3A_763 = tpu.vector_load %arg8[%get3A_761, %get3A_762] {strides = array<i32>} : memref<32x1024xf32, #tpu.memory_space<vmem>>, vector<1x16xf32>,
      %get3A_764 = vector.shape_cast %get3A_763 : vector<1x16xf32> to vector<16xf32>
      %get3A_765 = arith.index_cast %scan3A_34 : i32 to index
      %get3A_766 = arith.constant 832 : index
      %get3A_767 = tpu.vector_load %arg7[%get3A_765, %get3A_766] {strides = array<i32>} : memref<32x1024xf32, #tpu.memory_space<vmem>>, vector<1x16xf32>,
      %get3A_768 = vector.shape_cast %get3A_767 : vector<1x16xf32> to vector<16xf32>
      %add3A_769 = arith.addf %get3A_764, %get3A_768 : vector<16xf32>
      %swap3A_770 = arith.index_cast %scan3A_34 : i32 to index
      %swap3A_771 = arith.constant 832 : index
      %swap3A_772 = tpu.vector_load %arg8[%swap3A_770, %swap3A_771] {strides = array<i32>} : memref<32x1024xf32, #tpu.memory_space<vmem>>, vector<1x16xf32>,
      %swap3A_773 = vector.shape_cast %swap3A_772 : vector<1x16xf32> to vector<16xf32>
      %swap3A_774 = vector.shape_cast %add3A_769 : vector<16xf32> to vector<1x16xf32>
      tpu.vector_store %arg8[%swap3A_770, %swap3A_771], %swap3A_774 {strides = array<i32>} : memref<32x1024xf32, #tpu.memory_space<vmem>>, vector<1x16xf32>,
      %get3A_775 = arith.index_cast %scan3A_34 : i32 to index
      %get3A_776 = arith.constant 848 : index
      %get3A_777 = tpu.vector_load %arg8[%get3A_775, %get3A_776] {strides = array<i32>} : memref<32x1024xf32, #tpu.memory_space<vmem>>, vector<1x16xf32>,
      %get3A_778 = vector.shape_cast %get3A_777 : vector<1x16xf32> to vector<16xf32>
      %get3A_779 = arith.index_cast %scan3A_34 : i32 to index
      %get3A_780 = arith.constant 848 : index
      %get3A_781 = tpu.vector_load %arg7[%get3A_779, %get3A_780] {strides = array<i32>} : memref<32x1024xf32, #tpu.memory_space<vmem>>, vector<1x16xf32>,
      %get3A_782 = vector.shape_cast %get3A_781 : vector<1x16xf32> to vector<16xf32>
      %add3A_783 = arith.addf %get3A_778, %get3A_782 : vector<16xf32>
      %swap3A_784 = arith.index_cast %scan3A_34 : i32 to index
      %swap3A_785 = arith.constant 848 : index
      %swap3A_786 = tpu.vector_load %arg8[%swap3A_784, %swap3A_785] {strides = array<i32>} : memref<32x1024xf32, #tpu.memory_space<vmem>>, vector<1x16xf32>,
      %swap3A_787 = vector.shape_cast %swap3A_786 : vector<1x16xf32> to vector<16xf32>
      %swap3A_788 = vector.shape_cast %add3A_783 : vector<16xf32> to vector<1x16xf32>
      tpu.vector_store %arg8[%swap3A_784, %swap3A_785], %swap3A_788 {strides = array<i32>} : memref<32x1024xf32, #tpu.memory_space<vmem>>, vector<1x16xf32>,
      %get3A_789 = arith.index_cast %scan3A_34 : i32 to index
      %get3A_790 = arith.constant 864 : index
      %get3A_791 = tpu.vector_load %arg8[%get3A_789, %get3A_790] {strides = array<i32>} : memref<32x1024xf32, #tpu.memory_space<vmem>>, vector<1x16xf32>,
      %get3A_792 = vector.shape_cast %get3A_791 : vector<1x16xf32> to vector<16xf32>
      %get3A_793 = arith.index_cast %scan3A_34 : i32 to index
      %get3A_794 = arith.constant 864 : index
      %get3A_795 = tpu.vector_load %arg7[%get3A_793, %get3A_794] {strides = array<i32>} : memref<32x1024xf32, #tpu.memory_space<vmem>>, vector<1x16xf32>,
      %get3A_796 = vector.shape_cast %get3A_795 : vector<1x16xf32> to vector<16xf32>
      %add3A_797 = arith.addf %get3A_792, %get3A_796 : vector<16xf32>
      %swap3A_798 = arith.index_cast %scan3A_34 : i32 to index
      %swap3A_799 = arith.constant 864 : index
      %swap3A_800 = tpu.vector_load %arg8[%swap3A_798, %swap3A_799] {strides = array<i32>} : memref<32x1024xf32, #tpu.memory_space<vmem>>, vector<1x16xf32>,
      %swap3A_801 = vector.shape_cast %swap3A_800 : vector<1x16xf32> to vector<16xf32>
      %swap3A_802 = vector.shape_cast %add3A_797 : vector<16xf32> to vector<1x16xf32>
      tpu.vector_store %arg8[%swap3A_798, %swap3A_799], %swap3A_802 {strides = array<i32>} : memref<32x1024xf32, #tpu.memory_space<vmem>>, vector<1x16xf32>,
      %get3A_803 = arith.index_cast %scan3A_34 : i32 to index
      %get3A_804 = arith.constant 880 : index
      %get3A_805 = tpu.vector_load %arg8[%get3A_803, %get3A_804] {strides = array<i32>} : memref<32x1024xf32, #tpu.memory_space<vmem>>, vector<1x16xf32>,
      %get3A_806 = vector.shape_cast %get3A_805 : vector<1x16xf32> to vector<16xf32>
      %get3A_807 = arith.index_cast %scan3A_34 : i32 to index
      %get3A_808 = arith.constant 880 : index
      %get3A_809 = tpu.vector_load %arg7[%get3A_807, %get3A_808] {strides = array<i32>} : memref<32x1024xf32, #tpu.memory_space<vmem>>, vector<1x16xf32>,
      %get3A_810 = vector.shape_cast %get3A_809 : vector<1x16xf32> to vector<16xf32>
      %add3A_811 = arith.addf %get3A_806, %get3A_810 : vector<16xf32>
      %swap3A_812 = arith.index_cast %scan3A_34 : i32 to index
      %swap3A_813 = arith.constant 880 : index
      %swap3A_814 = tpu.vector_load %arg8[%swap3A_812, %swap3A_813] {strides = array<i32>} : memref<32x1024xf32, #tpu.memory_space<vmem>>, vector<1x16xf32>,
      %swap3A_815 = vector.shape_cast %swap3A_814 : vector<1x16xf32> to vector<16xf32>
      %swap3A_816 = vector.shape_cast %add3A_811 : vector<16xf32> to vector<1x16xf32>
      tpu.vector_store %arg8[%swap3A_812, %swap3A_813], %swap3A_816 {strides = array<i32>} : memref<32x1024xf32, #tpu.memory_space<vmem>>, vector<1x16xf32>,
      %get3A_817 = arith.index_cast %scan3A_34 : i32 to index
      %get3A_818 = arith.constant 896 : index
      %get3A_819 = tpu.vector_load %arg8[%get3A_817, %get3A_818] {strides = array<i32>} : memref<32x1024xf32, #tpu.memory_space<vmem>>, vector<1x16xf32>,
      %get3A_820 = vector.shape_cast %get3A_819 : vector<1x16xf32> to vector<16xf32>
      %get3A_821 = arith.index_cast %scan3A_34 : i32 to index
      %get3A_822 = arith.constant 896 : index
      %get3A_823 = tpu.vector_load %arg7[%get3A_821, %get3A_822] {strides = array<i32>} : memref<32x1024xf32, #tpu.memory_space<vmem>>, vector<1x16xf32>,
      %get3A_824 = vector.shape_cast %get3A_823 : vector<1x16xf32> to vector<16xf32>
      %add3A_825 = arith.addf %get3A_820, %get3A_824 : vector<16xf32>
      %swap3A_826 = arith.index_cast %scan3A_34 : i32 to index
      %swap3A_827 = arith.constant 896 : index
      %swap3A_828 = tpu.vector_load %arg8[%swap3A_826, %swap3A_827] {strides = array<i32>} : memref<32x1024xf32, #tpu.memory_space<vmem>>, vector<1x16xf32>,
      %swap3A_829 = vector.shape_cast %swap3A_828 : vector<1x16xf32> to vector<16xf32>
      %swap3A_830 = vector.shape_cast %add3A_825 : vector<16xf32> to vector<1x16xf32>
      tpu.vector_store %arg8[%swap3A_826, %swap3A_827], %swap3A_830 {strides = array<i32>} : memref<32x1024xf32, #tpu.memory_space<vmem>>, vector<1x16xf32>,
      %get3A_831 = arith.index_cast %scan3A_34 : i32 to index
      %get3A_832 = arith.constant 912 : index
      %get3A_833 = tpu.vector_load %arg8[%get3A_831, %get3A_832] {strides = array<i32>} : memref<32x1024xf32, #tpu.memory_space<vmem>>, vector<1x16xf32>,
      %get3A_834 = vector.shape_cast %get3A_833 : vector<1x16xf32> to vector<16xf32>
      %get3A_835 = arith.index_cast %scan3A_34 : i32 to index
      %get3A_836 = arith.constant 912 : index
      %get3A_837 = tpu.vector_load %arg7[%get3A_835, %get3A_836] {strides = array<i32>} : memref<32x1024xf32, #tpu.memory_space<vmem>>, vector<1x16xf32>,
      %get3A_838 = vector.shape_cast %get3A_837 : vector<1x16xf32> to vector<16xf32>
      %add3A_839 = arith.addf %get3A_834, %get3A_838 : vector<16xf32>
      %swap3A_840 = arith.index_cast %scan3A_34 : i32 to index
      %swap3A_841 = arith.constant 912 : index
      %swap3A_842 = tpu.vector_load %arg8[%swap3A_840, %swap3A_841] {strides = array<i32>} : memref<32x1024xf32, #tpu.memory_space<vmem>>, vector<1x16xf32>,
      %swap3A_843 = vector.shape_cast %swap3A_842 : vector<1x16xf32> to vector<16xf32>
      %swap3A_844 = vector.shape_cast %add3A_839 : vector<16xf32> to vector<1x16xf32>
      tpu.vector_store %arg8[%swap3A_840, %swap3A_841], %swap3A_844 {strides = array<i32>} : memref<32x1024xf32, #tpu.memory_space<vmem>>, vector<1x16xf32>,
      %get3A_845 = arith.index_cast %scan3A_34 : i32 to index
      %get3A_846 = arith.constant 928 : index
      %get3A_847 = tpu.vector_load %arg8[%get3A_845, %get3A_846] {strides = array<i32>} : memref<32x1024xf32, #tpu.memory_space<vmem>>, vector<1x16xf32>,
      %get3A_848 = vector.shape_cast %get3A_847 : vector<1x16xf32> to vector<16xf32>
      %get3A_849 = arith.index_cast %scan3A_34 : i32 to index
      %get3A_850 = arith.constant 928 : index
      %get3A_851 = tpu.vector_load %arg7[%get3A_849, %get3A_850] {strides = array<i32>} : memref<32x1024xf32, #tpu.memory_space<vmem>>, vector<1x16xf32>,
      %get3A_852 = vector.shape_cast %get3A_851 : vector<1x16xf32> to vector<16xf32>
      %add3A_853 = arith.addf %get3A_848, %get3A_852 : vector<16xf32>
      %swap3A_854 = arith.index_cast %scan3A_34 : i32 to index
      %swap3A_855 = arith.constant 928 : index
      %swap3A_856 = tpu.vector_load %arg8[%swap3A_854, %swap3A_855] {strides = array<i32>} : memref<32x1024xf32, #tpu.memory_space<vmem>>, vector<1x16xf32>,
      %swap3A_857 = vector.shape_cast %swap3A_856 : vector<1x16xf32> to vector<16xf32>
      %swap3A_858 = vector.shape_cast %add3A_853 : vector<16xf32> to vector<1x16xf32>
      tpu.vector_store %arg8[%swap3A_854, %swap3A_855], %swap3A_858 {strides = array<i32>} : memref<32x1024xf32, #tpu.memory_space<vmem>>, vector<1x16xf32>,
      %get3A_859 = arith.index_cast %scan3A_34 : i32 to index
      %get3A_860 = arith.constant 944 : index
      %get3A_861 = tpu.vector_load %arg8[%get3A_859, %get3A_860] {strides = array<i32>} : memref<32x1024xf32, #tpu.memory_space<vmem>>, vector<1x16xf32>,
      %get3A_862 = vector.shape_cast %get3A_861 : vector<1x16xf32> to vector<16xf32>
      %get3A_863 = arith.index_cast %scan3A_34 : i32 to index
      %get3A_864 = arith.constant 944 : index
      %get3A_865 = tpu.vector_load %arg7[%get3A_863, %get3A_864] {strides = array<i32>} : memref<32x1024xf32, #tpu.memory_space<vmem>>, vector<1x16xf32>,
      %get3A_866 = vector.shape_cast %get3A_865 : vector<1x16xf32> to vector<16xf32>
      %add3A_867 = arith.addf %get3A_862, %get3A_866 : vector<16xf32>
      %swap3A_868 = arith.index_cast %scan3A_34 : i32 to index
      %swap3A_869 = arith.constant 944 : index
      %swap3A_870 = tpu.vector_load %arg8[%swap3A_868, %swap3A_869] {strides = array<i32>} : memref<32x1024xf32, #tpu.memory_space<vmem>>, vector<1x16xf32>,
      %swap3A_871 = vector.shape_cast %swap3A_870 : vector<1x16xf32> to vector<16xf32>
      %swap3A_872 = vector.shape_cast %add3A_867 : vector<16xf32> to vector<1x16xf32>
      tpu.vector_store %arg8[%swap3A_868, %swap3A_869], %swap3A_872 {strides = array<i32>} : memref<32x1024xf32, #tpu.memory_space<vmem>>, vector<1x16xf32>,
      %get3A_873 = arith.index_cast %scan3A_34 : i32 to index
      %get3A_874 = arith.constant 960 : index
      %get3A_875 = tpu.vector_load %arg8[%get3A_873, %get3A_874] {strides = array<i32>} : memref<32x1024xf32, #tpu.memory_space<vmem>>, vector<1x16xf32>,
      %get3A_876 = vector.shape_cast %get3A_875 : vector<1x16xf32> to vector<16xf32>
      %get3A_877 = arith.index_cast %scan3A_34 : i32 to index
      %get3A_878 = arith.constant 960 : index
      %get3A_879 = tpu.vector_load %arg7[%get3A_877, %get3A_878] {strides = array<i32>} : memref<32x1024xf32, #tpu.memory_space<vmem>>, vector<1x16xf32>,
      %get3A_880 = vector.shape_cast %get3A_879 : vector<1x16xf32> to vector<16xf32>
      %add3A_881 = arith.addf %get3A_876, %get3A_880 : vector<16xf32>
      %swap3A_882 = arith.index_cast %scan3A_34 : i32 to index
      %swap3A_883 = arith.constant 960 : index
      %swap3A_884 = tpu.vector_load %arg8[%swap3A_882, %swap3A_883] {strides = array<i32>} : memref<32x1024xf32, #tpu.memory_space<vmem>>, vector<1x16xf32>,
      %swap3A_885 = vector.shape_cast %swap3A_884 : vector<1x16xf32> to vector<16xf32>
      %swap3A_886 = vector.shape_cast %add3A_881 : vector<16xf32> to vector<1x16xf32>
      tpu.vector_store %arg8[%swap3A_882, %swap3A_883], %swap3A_886 {strides = array<i32>} : memref<32x1024xf32, #tpu.memory_space<vmem>>, vector<1x16xf32>,
      %get3A_887 = arith.index_cast %scan3A_34 : i32 to index
      %get3A_888 = arith.constant 976 : index
      %get3A_889 = tpu.vector_load %arg8[%get3A_887, %get3A_888] {strides = array<i32>} : memref<32x1024xf32, #tpu.memory_space<vmem>>, vector<1x16xf32>,
      %get3A_890 = vector.shape_cast %get3A_889 : vector<1x16xf32> to vector<16xf32>
      %get3A_891 = arith.index_cast %scan3A_34 : i32 to index
      %get3A_892 = arith.constant 976 : index
      %get3A_893 = tpu.vector_load %arg7[%get3A_891, %get3A_892] {strides = array<i32>} : memref<32x1024xf32, #tpu.memory_space<vmem>>, vector<1x16xf32>,
      %get3A_894 = vector.shape_cast %get3A_893 : vector<1x16xf32> to vector<16xf32>
      %add3A_895 = arith.addf %get3A_890, %get3A_894 : vector<16xf32>
      %swap3A_896 = arith.index_cast %scan3A_34 : i32 to index
      %swap3A_897 = arith.constant 976 : index
      %swap3A_898 = tpu.vector_load %arg8[%swap3A_896, %swap3A_897] {strides = array<i32>} : memref<32x1024xf32, #tpu.memory_space<vmem>>, vector<1x16xf32>,
      %swap3A_899 = vector.shape_cast %swap3A_898 : vector<1x16xf32> to vector<16xf32>
      %swap3A_900 = vector.shape_cast %add3A_895 : vector<16xf32> to vector<1x16xf32>
      tpu.vector_store %arg8[%swap3A_896, %swap3A_897], %swap3A_900 {strides = array<i32>} : memref<32x1024xf32, #tpu.memory_space<vmem>>, vector<1x16xf32>,
      %get3A_901 = arith.index_cast %scan3A_34 : i32 to index
      %get3A_902 = arith.constant 992 : index
      %get3A_903 = tpu.vector_load %arg8[%get3A_901, %get3A_902] {strides = array<i32>} : memref<32x1024xf32, #tpu.memory_space<vmem>>, vector<1x16xf32>,
      %get3A_904 = vector.shape_cast %get3A_903 : vector<1x16xf32> to vector<16xf32>
      %get3A_905 = arith.index_cast %scan3A_34 : i32 to index
      %get3A_906 = arith.constant 992 : index
      %get3A_907 = tpu.vector_load %arg7[%get3A_905, %get3A_906] {strides = array<i32>} : memref<32x1024xf32, #tpu.memory_space<vmem>>, vector<1x16xf32>,
      %get3A_908 = vector.shape_cast %get3A_907 : vector<1x16xf32> to vector<16xf32>
      %add3A_909 = arith.addf %get3A_904, %get3A_908 : vector<16xf32>
      %swap3A_910 = arith.index_cast %scan3A_34 : i32 to index
      %swap3A_911 = arith.constant 992 : index
      %swap3A_912 = tpu.vector_load %arg8[%swap3A_910, %swap3A_911] {strides = array<i32>} : memref<32x1024xf32, #tpu.memory_space<vmem>>, vector<1x16xf32>,
      %swap3A_913 = vector.shape_cast %swap3A_912 : vector<1x16xf32> to vector<16xf32>
      %swap3A_914 = vector.shape_cast %add3A_909 : vector<16xf32> to vector<1x16xf32>
      tpu.vector_store %arg8[%swap3A_910, %swap3A_911], %swap3A_914 {strides = array<i32>} : memref<32x1024xf32, #tpu.memory_space<vmem>>, vector<1x16xf32>,
      %get3A_915 = arith.index_cast %scan3A_34 : i32 to index
      %get3A_916 = arith.constant 1008 : index
      %get3A_917 = tpu.vector_load %arg8[%get3A_915, %get3A_916] {strides = array<i32>} : memref<32x1024xf32, #tpu.memory_space<vmem>>, vector<1x16xf32>,
      %get3A_918 = vector.shape_cast %get3A_917 : vector<1x16xf32> to vector<16xf32>
      %get3A_919 = arith.index_cast %scan3A_34 : i32 to index
      %get3A_920 = arith.constant 1008 : index
      %get3A_921 = tpu.vector_load %arg7[%get3A_919, %get3A_920] {strides = array<i32>} : memref<32x1024xf32, #tpu.memory_space<vmem>>, vector<1x16xf32>,
      %get3A_922 = vector.shape_cast %get3A_921 : vector<1x16xf32> to vector<16xf32>
      %add3A_923 = arith.addf %get3A_918, %get3A_922 : vector<16xf32>
      %swap3A_924 = arith.index_cast %scan3A_34 : i32 to index
      %swap3A_925 = arith.constant 1008 : index
      %swap3A_926 = tpu.vector_load %arg8[%swap3A_924, %swap3A_925] {strides = array<i32>} : memref<32x1024xf32, #tpu.memory_space<vmem>>, vector<1x16xf32>,
      %swap3A_927 = vector.shape_cast %swap3A_926 : vector<1x16xf32> to vector<16xf32>
      %swap3A_928 = vector.shape_cast %add3A_923 : vector<16xf32> to vector<1x16xf32>
      tpu.vector_store %arg8[%swap3A_924, %swap3A_925], %swap3A_928 {strides = array<i32>} : memref<32x1024xf32, #tpu.memory_space<vmem>>, vector<1x16xf32>,
    }
    %scan3A_15 = arith.constant 32 : i32
    "tpu.region"() ({
      %run_scoped3A = tpu.sem_alloc : memref<!tpu.dma_semaphore, #tpu.memory_space<semaphore_mem>>
      %dma_start3A_34 = arith.constant 0 : i32
      %dma_start3A_35 = tpu.memref_slice %arg5[%add3A_6, %dma_start3A_34] : memref<2048x1024xf32, #tpu.memory_space<hbm>> -> memref<32x1024xf32, #tpu.memory_space<hbm>>
      %dma_start3A_36 = arith.constant 0 : i32
      %dma_start3A_37 = tpu.memref_slice %arg5[%add3A_6, %dma_start3A_36] : memref<2048x1024xf32, #tpu.memory_space<hbm>> -> memref<32x1024xf32, #tpu.memory_space<hbm>>
      tpu.enqueue_dma source(%arg8 : memref<32x1024xf32, #tpu.memory_space<vmem>>) target(%dma_start3A_37 : memref<32x1024xf32, #tpu.memory_space<hbm>>) target_semaphore(%run_scoped3A : memref<!tpu.dma_semaphore, #tpu.memory_space<semaphore_mem>>)
      %dma_wait3A_38 = arith.constant 0 : i32
      %dma_wait3A_39 = tpu.memref_slice %arg5[%add3A_6, %dma_wait3A_38] : memref<2048x1024xf32, #tpu.memory_space<hbm>> -> memref<32x1024xf32, #tpu.memory_space<hbm>>
      %dma_wait3A_40 = arith.constant 0 : i32
      %dma_wait3A_41 = tpu.memref_slice %arg5[%add3A_6, %dma_wait3A_40] : memref<2048x1024xf32, #tpu.memory_space<hbm>> -> memref<32x1024xf32, #tpu.memory_space<hbm>>
      tpu.wait_dma2 semaphore(%run_scoped3A : memref<!tpu.dma_semaphore, #tpu.memory_space<semaphore_mem>>) src(%arg8 : memref<32x1024xf32, #tpu.memory_space<vmem>>) dst(%dma_wait3A_41 : memref<32x1024xf32, #tpu.memory_space<hbm>>)
      tpu.yield
    }) : () -> ()
    %mul3A_16 = arith.constant 32 : i32
    %mul3A_17 = arith.muli %add3A, %mul3A_16 : i32
    %mul3A_18 = arith.constant 2 : i32
    %mul3A_19 = arith.muli %mul3A_17, %mul3A_18 : i32
    %add3A_20 = arith.constant 32 : i32
    %add3A_21 = arith.addi %mul3A_19, %add3A_20 : i32
    "tpu.region"() ({
      %run_scoped3A = tpu.sem_alloc : memref<!tpu.dma_semaphore, #tpu.memory_space<semaphore_mem>>
      %dma_start3A_34 = tpu.memref_slice %arg4[%add3A_21] : memref<2048xi32, #tpu.memory_space<hbm>> -> memref<32xi32, #tpu.memory_space<hbm>>
      %dma_start3A_35 = tpu.memref_slice %arg4[%add3A_21] : memref<2048xi32, #tpu.memory_space<hbm>> -> memref<32xi32, #tpu.memory_space<hbm>>
      tpu.enqueue_dma source(%dma_start3A_35 : memref<32xi32, #tpu.memory_space<hbm>>) target(%arg6 : memref<32xi32, #tpu.memory_space<vmem>>) target_semaphore(%run_scoped3A : memref<!tpu.dma_semaphore, #tpu.memory_space<semaphore_mem>>)
      %dma_wait3A_36 = tpu.memref_slice %arg4[%add3A_21] : memref<2048xi32, #tpu.memory_space<hbm>> -> memref<32xi32, #tpu.memory_space<hbm>>
      %dma_wait3A_37 = tpu.memref_slice %arg4[%add3A_21] : memref<2048xi32, #tpu.memory_space<hbm>> -> memref<32xi32, #tpu.memory_space<hbm>>
      tpu.wait_dma2 semaphore(%run_scoped3A : memref<!tpu.dma_semaphore, #tpu.memory_space<semaphore_mem>>) src(%dma_wait3A_37 : memref<32xi32, #tpu.memory_space<hbm>>) dst(%arg6 : memref<32xi32, #tpu.memory_space<vmem>>)
      tpu.yield
    }) : () -> ()
    %dma_start3A_22 = arith.constant 0 : i32
    %dma_start3A_23 = arith.constant 0 : i32
    %dma_start3A_24 = tpu.memref_slice %arg3[%dma_start3A_22, %dma_start3A_23] : memref<2048x1024xf32, #tpu.memory_space<hbm>> -> memref<2048x1024xf32, #tpu.memory_space<hbm>>
    tpu.enqueue_indirect_dma source(%dma_start3A_24 : memref<2048x1024xf32, #tpu.memory_space<hbm>>) target(%arg7 : memref<32x1024xf32, #tpu.memory_space<vmem>>) offsets(%arg6 : memref<32xi32, #tpu.memory_space<vmem>>) semaphore(%arg9 : memref<!tpu.dma_semaphore, #tpu.memory_space<semaphore_mem>>)
    %dma_wait3A_25 = arith.constant 0 : i32
    %dma_wait3A_26 = arith.constant 0 : i32
    %dma_wait3A_27 = tpu.memref_slice %arg3[%dma_wait3A_25, %dma_wait3A_26] : memref<2048x1024xf32, #tpu.memory_space<hbm>> -> memref<2048x1024xf32, #tpu.memory_space<hbm>>
    tpu.wait_indirect_dma semaphore(%arg9 : memref<!tpu.dma_semaphore, #tpu.memory_space<semaphore_mem>>) src(%dma_wait3A_27 : memref<2048x1024xf32, #tpu.memory_space<hbm>>) dst(%arg7 : memref<32x1024xf32, #tpu.memory_space<vmem>>)
    "tpu.region"() ({
      %run_scoped3A = tpu.sem_alloc : memref<!tpu.dma_semaphore, #tpu.memory_space<semaphore_mem>>
      %dma_start3A_34 = arith.constant 0 : i32
      %dma_start3A_35 = tpu.memref_slice %arg2[%add3A_21, %dma_start3A_34] : memref<2048x1024xf32, #tpu.memory_space<hbm>> -> memref<32x1024xf32, #tpu.memory_space<hbm>>
      %dma_start3A_36 = arith.constant 0 : i32
      %dma_start3A_37 = tpu.memref_slice %arg2[%add3A_21, %dma_start3A_36] : memref<2048x1024xf32, #tpu.memory_space<hbm>> -> memref<32x1024xf32, #tpu.memory_space<hbm>>
      tpu.enqueue_dma source(%dma_start3A_37 : memref<32x1024xf32, #tpu.memory_space<hbm>>) target(%arg8 : memref<32x1024xf32, #tpu.memory_space<vmem>>) target_semaphore(%run_scoped3A : memref<!tpu.dma_semaphore, #tpu.memory_space<semaphore_mem>>)
      %dma_wait3A_38 = arith.constant 0 : i32
      %dma_wait3A_39 = tpu.memref_slice %arg2[%add3A_21, %dma_wait3A_38] : memref<2048x1024xf32, #tpu.memory_space<hbm>> -> memref<32x1024xf32, #tpu.memory_space<hbm>>
      %dma_wait3A_40 = arith.constant 0 : i32
      %dma_wait3A_41 = tpu.memref_slice %arg2[%add3A_21, %dma_wait3A_40] : memref<2048x1024xf32, #tpu.memory_space<hbm>> -> memref<32x1024xf32, #tpu.memory_space<hbm>>
      tpu.wait_dma2 semaphore(%run_scoped3A : memref<!tpu.dma_semaphore, #tpu.memory_space<semaphore_mem>>) src(%dma_wait3A_41 : memref<32x1024xf32, #tpu.memory_space<hbm>>) dst(%arg8 : memref<32x1024xf32, #tpu.memory_space<vmem>>)
      tpu.yield
    }) : () -> ()
    %scan3A_28 = arith.constant 0 : i32
    %scan3A_29 = arith.constant 0 : i32
    %scan3A_30 = arith.constant 32 : i32
    %scan3A_31 = arith.addi %scan3A_29, %scan3A_30 : i32
    %scan3A_32 = arith.constant 1 : i32
    scf.for %scan3A_34 = %scan3A_29 to %scan3A_31 step %scan3A_32  : i32 {
      %get3A = arith.index_cast %scan3A_34 : i32 to index
      %get3A_35 = arith.constant 0 : index
      %get3A_36 = tpu.vector_load %arg8[%get3A, %get3A_35] {strides = array<i32>} : memref<32x1024xf32, #tpu.memory_space<vmem>>, vector<1x16xf32>,
      %get3A_37 = vector.shape_cast %get3A_36 : vector<1x16xf32> to vector<16xf32>
      %get3A_38 = arith.index_cast %scan3A_34 : i32 to index
      %get3A_39 = arith.constant 0 : index
      %get3A_40 = tpu.vector_load %arg7[%get3A_38, %get3A_39] {strides = array<i32>} : memref<32x1024xf32, #tpu.memory_space<vmem>>, vector<1x16xf32>,
      %get3A_41 = vector.shape_cast %get3A_40 : vector<1x16xf32> to vector<16xf32>
      %add3A_42 = arith.addf %get3A_37, %get3A_41 : vector<16xf32>
      %swap3A = arith.index_cast %scan3A_34 : i32 to index
      %swap3A_43 = arith.constant 0 : index
      %swap3A_44 = tpu.vector_load %arg8[%swap3A, %swap3A_43] {strides = array<i32>} : memref<32x1024xf32, #tpu.memory_space<vmem>>, vector<1x16xf32>,
      %swap3A_45 = vector.shape_cast %swap3A_44 : vector<1x16xf32> to vector<16xf32>
      %swap3A_46 = vector.shape_cast %add3A_42 : vector<16xf32> to vector<1x16xf32>
      tpu.vector_store %arg8[%swap3A, %swap3A_43], %swap3A_46 {strides = array<i32>} : memref<32x1024xf32, #tpu.memory_space<vmem>>, vector<1x16xf32>,
      %get3A_47 = arith.index_cast %scan3A_34 : i32 to index
      %get3A_48 = arith.constant 16 : index
      %get3A_49 = tpu.vector_load %arg8[%get3A_47, %get3A_48] {strides = array<i32>} : memref<32x1024xf32, #tpu.memory_space<vmem>>, vector<1x16xf32>,
      %get3A_50 = vector.shape_cast %get3A_49 : vector<1x16xf32> to vector<16xf32>
      %get3A_51 = arith.index_cast %scan3A_34 : i32 to index
      %get3A_52 = arith.constant 16 : index
      %get3A_53 = tpu.vector_load %arg7[%get3A_51, %get3A_52] {strides = array<i32>} : memref<32x1024xf32, #tpu.memory_space<vmem>>, vector<1x16xf32>,
      %get3A_54 = vector.shape_cast %get3A_53 : vector<1x16xf32> to vector<16xf32>
      %add3A_55 = arith.addf %get3A_50, %get3A_54 : vector<16xf32>
      %swap3A_56 = arith.index_cast %scan3A_34 : i32 to index
      %swap3A_57 = arith.constant 16 : index
      %swap3A_58 = tpu.vector_load %arg8[%swap3A_56, %swap3A_57] {strides = array<i32>} : memref<32x1024xf32, #tpu.memory_space<vmem>>, vector<1x16xf32>,
      %swap3A_59 = vector.shape_cast %swap3A_58 : vector<1x16xf32> to vector<16xf32>
      %swap3A_60 = vector.shape_cast %add3A_55 : vector<16xf32> to vector<1x16xf32>
      tpu.vector_store %arg8[%swap3A_56, %swap3A_57], %swap3A_60 {strides = array<i32>} : memref<32x1024xf32, #tpu.memory_space<vmem>>, vector<1x16xf32>,
      %get3A_61 = arith.index_cast %scan3A_34 : i32 to index
      %get3A_62 = arith.constant 32 : index
      %get3A_63 = tpu.vector_load %arg8[%get3A_61, %get3A_62] {strides = array<i32>} : memref<32x1024xf32, #tpu.memory_space<vmem>>, vector<1x16xf32>,
      %get3A_64 = vector.shape_cast %get3A_63 : vector<1x16xf32> to vector<16xf32>
      %get3A_65 = arith.index_cast %scan3A_34 : i32 to index
      %get3A_66 = arith.constant 32 : index
      %get3A_67 = tpu.vector_load %arg7[%get3A_65, %get3A_66] {strides = array<i32>} : memref<32x1024xf32, #tpu.memory_space<vmem>>, vector<1x16xf32>,
      %get3A_68 = vector.shape_cast %get3A_67 : vector<1x16xf32> to vector<16xf32>
      %add3A_69 = arith.addf %get3A_64, %get3A_68 : vector<16xf32>
      %swap3A_70 = arith.index_cast %scan3A_34 : i32 to index
      %swap3A_71 = arith.constant 32 : index
      %swap3A_72 = tpu.vector_load %arg8[%swap3A_70, %swap3A_71] {strides = array<i32>} : memref<32x1024xf32, #tpu.memory_space<vmem>>, vector<1x16xf32>,
      %swap3A_73 = vector.shape_cast %swap3A_72 : vector<1x16xf32> to vector<16xf32>
      %swap3A_74 = vector.shape_cast %add3A_69 : vector<16xf32> to vector<1x16xf32>
      tpu.vector_store %arg8[%swap3A_70, %swap3A_71], %swap3A_74 {strides = array<i32>} : memref<32x1024xf32, #tpu.memory_space<vmem>>, vector<1x16xf32>,
      %get3A_75 = arith.index_cast %scan3A_34 : i32 to index
      %get3A_76 = arith.constant 48 : index
      %get3A_77 = tpu.vector_load %arg8[%get3A_75, %get3A_76] {strides = array<i32>} : memref<32x1024xf32, #tpu.memory_space<vmem>>, vector<1x16xf32>,
      %get3A_78 = vector.shape_cast %get3A_77 : vector<1x16xf32> to vector<16xf32>
      %get3A_79 = arith.index_cast %scan3A_34 : i32 to index
      %get3A_80 = arith.constant 48 : index
      %get3A_81 = tpu.vector_load %arg7[%get3A_79, %get3A_80] {strides = array<i32>} : memref<32x1024xf32, #tpu.memory_space<vmem>>, vector<1x16xf32>,
      %get3A_82 = vector.shape_cast %get3A_81 : vector<1x16xf32> to vector<16xf32>
      %add3A_83 = arith.addf %get3A_78, %get3A_82 : vector<16xf32>
      %swap3A_84 = arith.index_cast %scan3A_34 : i32 to index
      %swap3A_85 = arith.constant 48 : index
      %swap3A_86 = tpu.vector_load %arg8[%swap3A_84, %swap3A_85] {strides = array<i32>} : memref<32x1024xf32, #tpu.memory_space<vmem>>, vector<1x16xf32>,
      %swap3A_87 = vector.shape_cast %swap3A_86 : vector<1x16xf32> to vector<16xf32>
      %swap3A_88 = vector.shape_cast %add3A_83 : vector<16xf32> to vector<1x16xf32>
      tpu.vector_store %arg8[%swap3A_84, %swap3A_85], %swap3A_88 {strides = array<i32>} : memref<32x1024xf32, #tpu.memory_space<vmem>>, vector<1x16xf32>,
      %get3A_89 = arith.index_cast %scan3A_34 : i32 to index
      %get3A_90 = arith.constant 64 : index
      %get3A_91 = tpu.vector_load %arg8[%get3A_89, %get3A_90] {strides = array<i32>} : memref<32x1024xf32, #tpu.memory_space<vmem>>, vector<1x16xf32>,
      %get3A_92 = vector.shape_cast %get3A_91 : vector<1x16xf32> to vector<16xf32>
      %get3A_93 = arith.index_cast %scan3A_34 : i32 to index
      %get3A_94 = arith.constant 64 : index
      %get3A_95 = tpu.vector_load %arg7[%get3A_93, %get3A_94] {strides = array<i32>} : memref<32x1024xf32, #tpu.memory_space<vmem>>, vector<1x16xf32>,
      %get3A_96 = vector.shape_cast %get3A_95 : vector<1x16xf32> to vector<16xf32>
      %add3A_97 = arith.addf %get3A_92, %get3A_96 : vector<16xf32>
      %swap3A_98 = arith.index_cast %scan3A_34 : i32 to index
      %swap3A_99 = arith.constant 64 : index
      %swap3A_100 = tpu.vector_load %arg8[%swap3A_98, %swap3A_99] {strides = array<i32>} : memref<32x1024xf32, #tpu.memory_space<vmem>>, vector<1x16xf32>,
      %swap3A_101 = vector.shape_cast %swap3A_100 : vector<1x16xf32> to vector<16xf32>
      %swap3A_102 = vector.shape_cast %add3A_97 : vector<16xf32> to vector<1x16xf32>
      tpu.vector_store %arg8[%swap3A_98, %swap3A_99], %swap3A_102 {strides = array<i32>} : memref<32x1024xf32, #tpu.memory_space<vmem>>, vector<1x16xf32>,
      %get3A_103 = arith.index_cast %scan3A_34 : i32 to index
      %get3A_104 = arith.constant 80 : index
      %get3A_105 = tpu.vector_load %arg8[%get3A_103, %get3A_104] {strides = array<i32>} : memref<32x1024xf32, #tpu.memory_space<vmem>>, vector<1x16xf32>,
      %get3A_106 = vector.shape_cast %get3A_105 : vector<1x16xf32> to vector<16xf32>
      %get3A_107 = arith.index_cast %scan3A_34 : i32 to index
      %get3A_108 = arith.constant 80 : index
      %get3A_109 = tpu.vector_load %arg7[%get3A_107, %get3A_108] {strides = array<i32>} : memref<32x1024xf32, #tpu.memory_space<vmem>>, vector<1x16xf32>,
      %get3A_110 = vector.shape_cast %get3A_109 : vector<1x16xf32> to vector<16xf32>
      %add3A_111 = arith.addf %get3A_106, %get3A_110 : vector<16xf32>
      %swap3A_112 = arith.index_cast %scan3A_34 : i32 to index
      %swap3A_113 = arith.constant 80 : index
      %swap3A_114 = tpu.vector_load %arg8[%swap3A_112, %swap3A_113] {strides = array<i32>} : memref<32x1024xf32, #tpu.memory_space<vmem>>, vector<1x16xf32>,
      %swap3A_115 = vector.shape_cast %swap3A_114 : vector<1x16xf32> to vector<16xf32>
      %swap3A_116 = vector.shape_cast %add3A_111 : vector<16xf32> to vector<1x16xf32>
      tpu.vector_store %arg8[%swap3A_112, %swap3A_113], %swap3A_116 {strides = array<i32>} : memref<32x1024xf32, #tpu.memory_space<vmem>>, vector<1x16xf32>,
      %get3A_117 = arith.index_cast %scan3A_34 : i32 to index
      %get3A_118 = arith.constant 96 : index
      %get3A_119 = tpu.vector_load %arg8[%get3A_117, %get3A_118] {strides = array<i32>} : memref<32x1024xf32, #tpu.memory_space<vmem>>, vector<1x16xf32>,
      %get3A_120 = vector.shape_cast %get3A_119 : vector<1x16xf32> to vector<16xf32>
      %get3A_121 = arith.index_cast %scan3A_34 : i32 to index
      %get3A_122 = arith.constant 96 : index
      %get3A_123 = tpu.vector_load %arg7[%get3A_121, %get3A_122] {strides = array<i32>} : memref<32x1024xf32, #tpu.memory_space<vmem>>, vector<1x16xf32>,
      %get3A_124 = vector.shape_cast %get3A_123 : vector<1x16xf32> to vector<16xf32>
      %add3A_125 = arith.addf %get3A_120, %get3A_124 : vector<16xf32>
      %swap3A_126 = arith.index_cast %scan3A_34 : i32 to index
      %swap3A_127 = arith.constant 96 : index
      %swap3A_128 = tpu.vector_load %arg8[%swap3A_126, %swap3A_127] {strides = array<i32>} : memref<32x1024xf32, #tpu.memory_space<vmem>>, vector<1x16xf32>,
      %swap3A_129 = vector.shape_cast %swap3A_128 : vector<1x16xf32> to vector<16xf32>
      %swap3A_130 = vector.shape_cast %add3A_125 : vector<16xf32> to vector<1x16xf32>
      tpu.vector_store %arg8[%swap3A_126, %swap3A_127], %swap3A_130 {strides = array<i32>} : memref<32x1024xf32, #tpu.memory_space<vmem>>, vector<1x16xf32>,
      %get3A_131 = arith.index_cast %scan3A_34 : i32 to index
      %get3A_132 = arith.constant 112 : index
      %get3A_133 = tpu.vector_load %arg8[%get3A_131, %get3A_132] {strides = array<i32>} : memref<32x1024xf32, #tpu.memory_space<vmem>>, vector<1x16xf32>,
      %get3A_134 = vector.shape_cast %get3A_133 : vector<1x16xf32> to vector<16xf32>
      %get3A_135 = arith.index_cast %scan3A_34 : i32 to index
      %get3A_136 = arith.constant 112 : index
      %get3A_137 = tpu.vector_load %arg7[%get3A_135, %get3A_136] {strides = array<i32>} : memref<32x1024xf32, #tpu.memory_space<vmem>>, vector<1x16xf32>,
      %get3A_138 = vector.shape_cast %get3A_137 : vector<1x16xf32> to vector<16xf32>
      %add3A_139 = arith.addf %get3A_134, %get3A_138 : vector<16xf32>
      %swap3A_140 = arith.index_cast %scan3A_34 : i32 to index
      %swap3A_141 = arith.constant 112 : index
      %swap3A_142 = tpu.vector_load %arg8[%swap3A_140, %swap3A_141] {strides = array<i32>} : memref<32x1024xf32, #tpu.memory_space<vmem>>, vector<1x16xf32>,
      %swap3A_143 = vector.shape_cast %swap3A_142 : vector<1x16xf32> to vector<16xf32>
      %swap3A_144 = vector.shape_cast %add3A_139 : vector<16xf32> to vector<1x16xf32>
      tpu.vector_store %arg8[%swap3A_140, %swap3A_141], %swap3A_144 {strides = array<i32>} : memref<32x1024xf32, #tpu.memory_space<vmem>>, vector<1x16xf32>,
      %get3A_145 = arith.index_cast %scan3A_34 : i32 to index
      %get3A_146 = arith.constant 128 : index
      %get3A_147 = tpu.vector_load %arg8[%get3A_145, %get3A_146] {strides = array<i32>} : memref<32x1024xf32, #tpu.memory_space<vmem>>, vector<1x16xf32>,
      %get3A_148 = vector.shape_cast %get3A_147 : vector<1x16xf32> to vector<16xf32>
      %get3A_149 = arith.index_cast %scan3A_34 : i32 to index
      %get3A_150 = arith.constant 128 : index
      %get3A_151 = tpu.vector_load %arg7[%get3A_149, %get3A_150] {strides = array<i32>} : memref<32x1024xf32, #tpu.memory_space<vmem>>, vector<1x16xf32>,
      %get3A_152 = vector.shape_cast %get3A_151 : vector<1x16xf32> to vector<16xf32>
      %add3A_153 = arith.addf %get3A_148, %get3A_152 : vector<16xf32>
      %swap3A_154 = arith.index_cast %scan3A_34 : i32 to index
      %swap3A_155 = arith.constant 128 : index
      %swap3A_156 = tpu.vector_load %arg8[%swap3A_154, %swap3A_155] {strides = array<i32>} : memref<32x1024xf32, #tpu.memory_space<vmem>>, vector<1x16xf32>,
      %swap3A_157 = vector.shape_cast %swap3A_156 : vector<1x16xf32> to vector<16xf32>
      %swap3A_158 = vector.shape_cast %add3A_153 : vector<16xf32> to vector<1x16xf32>
      tpu.vector_store %arg8[%swap3A_154, %swap3A_155], %swap3A_158 {strides = array<i32>} : memref<32x1024xf32, #tpu.memory_space<vmem>>, vector<1x16xf32>,
      %get3A_159 = arith.index_cast %scan3A_34 : i32 to index
      %get3A_160 = arith.constant 144 : index
      %get3A_161 = tpu.vector_load %arg8[%get3A_159, %get3A_160] {strides = array<i32>} : memref<32x1024xf32, #tpu.memory_space<vmem>>, vector<1x16xf32>,
      %get3A_162 = vector.shape_cast %get3A_161 : vector<1x16xf32> to vector<16xf32>
      %get3A_163 = arith.index_cast %scan3A_34 : i32 to index
      %get3A_164 = arith.constant 144 : index
      %get3A_165 = tpu.vector_load %arg7[%get3A_163, %get3A_164] {strides = array<i32>} : memref<32x1024xf32, #tpu.memory_space<vmem>>, vector<1x16xf32>,
      %get3A_166 = vector.shape_cast %get3A_165 : vector<1x16xf32> to vector<16xf32>
      %add3A_167 = arith.addf %get3A_162, %get3A_166 : vector<16xf32>
      %swap3A_168 = arith.index_cast %scan3A_34 : i32 to index
      %swap3A_169 = arith.constant 144 : index
      %swap3A_170 = tpu.vector_load %arg8[%swap3A_168, %swap3A_169] {strides = array<i32>} : memref<32x1024xf32, #tpu.memory_space<vmem>>, vector<1x16xf32>,
      %swap3A_171 = vector.shape_cast %swap3A_170 : vector<1x16xf32> to vector<16xf32>
      %swap3A_172 = vector.shape_cast %add3A_167 : vector<16xf32> to vector<1x16xf32>
      tpu.vector_store %arg8[%swap3A_168, %swap3A_169], %swap3A_172 {strides = array<i32>} : memref<32x1024xf32, #tpu.memory_space<vmem>>, vector<1x16xf32>,
      %get3A_173 = arith.index_cast %scan3A_34 : i32 to index
      %get3A_174 = arith.constant 160 : index
      %get3A_175 = tpu.vector_load %arg8[%get3A_173, %get3A_174] {strides = array<i32>} : memref<32x1024xf32, #tpu.memory_space<vmem>>, vector<1x16xf32>,
      %get3A_176 = vector.shape_cast %get3A_175 : vector<1x16xf32> to vector<16xf32>
      %get3A_177 = arith.index_cast %scan3A_34 : i32 to index
      %get3A_178 = arith.constant 160 : index
      %get3A_179 = tpu.vector_load %arg7[%get3A_177, %get3A_178] {strides = array<i32>} : memref<32x1024xf32, #tpu.memory_space<vmem>>, vector<1x16xf32>,
      %get3A_180 = vector.shape_cast %get3A_179 : vector<1x16xf32> to vector<16xf32>
      %add3A_181 = arith.addf %get3A_176, %get3A_180 : vector<16xf32>
      %swap3A_182 = arith.index_cast %scan3A_34 : i32 to index
      %swap3A_183 = arith.constant 160 : index
      %swap3A_184 = tpu.vector_load %arg8[%swap3A_182, %swap3A_183] {strides = array<i32>} : memref<32x1024xf32, #tpu.memory_space<vmem>>, vector<1x16xf32>,
      %swap3A_185 = vector.shape_cast %swap3A_184 : vector<1x16xf32> to vector<16xf32>
      %swap3A_186 = vector.shape_cast %add3A_181 : vector<16xf32> to vector<1x16xf32>
      tpu.vector_store %arg8[%swap3A_182, %swap3A_183], %swap3A_186 {strides = array<i32>} : memref<32x1024xf32, #tpu.memory_space<vmem>>, vector<1x16xf32>,
      %get3A_187 = arith.index_cast %scan3A_34 : i32 to index
      %get3A_188 = arith.constant 176 : index
      %get3A_189 = tpu.vector_load %arg8[%get3A_187, %get3A_188] {strides = array<i32>} : memref<32x1024xf32, #tpu.memory_space<vmem>>, vector<1x16xf32>,
      %get3A_190 = vector.shape_cast %get3A_189 : vector<1x16xf32> to vector<16xf32>
      %get3A_191 = arith.index_cast %scan3A_34 : i32 to index
      %get3A_192 = arith.constant 176 : index
      %get3A_193 = tpu.vector_load %arg7[%get3A_191, %get3A_192] {strides = array<i32>} : memref<32x1024xf32, #tpu.memory_space<vmem>>, vector<1x16xf32>,
      %get3A_194 = vector.shape_cast %get3A_193 : vector<1x16xf32> to vector<16xf32>
      %add3A_195 = arith.addf %get3A_190, %get3A_194 : vector<16xf32>
      %swap3A_196 = arith.index_cast %scan3A_34 : i32 to index
      %swap3A_197 = arith.constant 176 : index
      %swap3A_198 = tpu.vector_load %arg8[%swap3A_196, %swap3A_197] {strides = array<i32>} : memref<32x1024xf32, #tpu.memory_space<vmem>>, vector<1x16xf32>,
      %swap3A_199 = vector.shape_cast %swap3A_198 : vector<1x16xf32> to vector<16xf32>
      %swap3A_200 = vector.shape_cast %add3A_195 : vector<16xf32> to vector<1x16xf32>
      tpu.vector_store %arg8[%swap3A_196, %swap3A_197], %swap3A_200 {strides = array<i32>} : memref<32x1024xf32, #tpu.memory_space<vmem>>, vector<1x16xf32>,
      %get3A_201 = arith.index_cast %scan3A_34 : i32 to index
      %get3A_202 = arith.constant 192 : index
      %get3A_203 = tpu.vector_load %arg8[%get3A_201, %get3A_202] {strides = array<i32>} : memref<32x1024xf32, #tpu.memory_space<vmem>>, vector<1x16xf32>,
      %get3A_204 = vector.shape_cast %get3A_203 : vector<1x16xf32> to vector<16xf32>
      %get3A_205 = arith.index_cast %scan3A_34 : i32 to index
      %get3A_206 = arith.constant 192 : index
      %get3A_207 = tpu.vector_load %arg7[%get3A_205, %get3A_206] {strides = array<i32>} : memref<32x1024xf32, #tpu.memory_space<vmem>>, vector<1x16xf32>,
      %get3A_208 = vector.shape_cast %get3A_207 : vector<1x16xf32> to vector<16xf32>
      %add3A_209 = arith.addf %get3A_204, %get3A_208 : vector<16xf32>
      %swap3A_210 = arith.index_cast %scan3A_34 : i32 to index
      %swap3A_211 = arith.constant 192 : index
      %swap3A_212 = tpu.vector_load %arg8[%swap3A_210, %swap3A_211] {strides = array<i32>} : memref<32x1024xf32, #tpu.memory_space<vmem>>, vector<1x16xf32>,
      %swap3A_213 = vector.shape_cast %swap3A_212 : vector<1x16xf32> to vector<16xf32>
      %swap3A_214 = vector.shape_cast %add3A_209 : vector<16xf32> to vector<1x16xf32>
      tpu.vector_store %arg8[%swap3A_210, %swap3A_211], %swap3A_214 {strides = array<i32>} : memref<32x1024xf32, #tpu.memory_space<vmem>>, vector<1x16xf32>,
      %get3A_215 = arith.index_cast %scan3A_34 : i32 to index
      %get3A_216 = arith.constant 208 : index
      %get3A_217 = tpu.vector_load %arg8[%get3A_215, %get3A_216] {strides = array<i32>} : memref<32x1024xf32, #tpu.memory_space<vmem>>, vector<1x16xf32>,
      %get3A_218 = vector.shape_cast %get3A_217 : vector<1x16xf32> to vector<16xf32>
      %get3A_219 = arith.index_cast %scan3A_34 : i32 to index
      %get3A_220 = arith.constant 208 : index
      %get3A_221 = tpu.vector_load %arg7[%get3A_219, %get3A_220] {strides = array<i32>} : memref<32x1024xf32, #tpu.memory_space<vmem>>, vector<1x16xf32>,
      %get3A_222 = vector.shape_cast %get3A_221 : vector<1x16xf32> to vector<16xf32>
      %add3A_223 = arith.addf %get3A_218, %get3A_222 : vector<16xf32>
      %swap3A_224 = arith.index_cast %scan3A_34 : i32 to index
      %swap3A_225 = arith.constant 208 : index
      %swap3A_226 = tpu.vector_load %arg8[%swap3A_224, %swap3A_225] {strides = array<i32>} : memref<32x1024xf32, #tpu.memory_space<vmem>>, vector<1x16xf32>,
      %swap3A_227 = vector.shape_cast %swap3A_226 : vector<1x16xf32> to vector<16xf32>
      %swap3A_228 = vector.shape_cast %add3A_223 : vector<16xf32> to vector<1x16xf32>
      tpu.vector_store %arg8[%swap3A_224, %swap3A_225], %swap3A_228 {strides = array<i32>} : memref<32x1024xf32, #tpu.memory_space<vmem>>, vector<1x16xf32>,
      %get3A_229 = arith.index_cast %scan3A_34 : i32 to index
      %get3A_230 = arith.constant 224 : index
      %get3A_231 = tpu.vector_load %arg8[%get3A_229, %get3A_230] {strides = array<i32>} : memref<32x1024xf32, #tpu.memory_space<vmem>>, vector<1x16xf32>,
      %get3A_232 = vector.shape_cast %get3A_231 : vector<1x16xf32> to vector<16xf32>
      %get3A_233 = arith.index_cast %scan3A_34 : i32 to index
      %get3A_234 = arith.constant 224 : index
      %get3A_235 = tpu.vector_load %arg7[%get3A_233, %get3A_234] {strides = array<i32>} : memref<32x1024xf32, #tpu.memory_space<vmem>>, vector<1x16xf32>,
      %get3A_236 = vector.shape_cast %get3A_235 : vector<1x16xf32> to vector<16xf32>
      %add3A_237 = arith.addf %get3A_232, %get3A_236 : vector<16xf32>
      %swap3A_238 = arith.index_cast %scan3A_34 : i32 to index
      %swap3A_239 = arith.constant 224 : index
      %swap3A_240 = tpu.vector_load %arg8[%swap3A_238, %swap3A_239] {strides = array<i32>} : memref<32x1024xf32, #tpu.memory_space<vmem>>, vector<1x16xf32>,
      %swap3A_241 = vector.shape_cast %swap3A_240 : vector<1x16xf32> to vector<16xf32>
      %swap3A_242 = vector.shape_cast %add3A_237 : vector<16xf32> to vector<1x16xf32>
      tpu.vector_store %arg8[%swap3A_238, %swap3A_239], %swap3A_242 {strides = array<i32>} : memref<32x1024xf32, #tpu.memory_space<vmem>>, vector<1x16xf32>,
      %get3A_243 = arith.index_cast %scan3A_34 : i32 to index
      %get3A_244 = arith.constant 240 : index
      %get3A_245 = tpu.vector_load %arg8[%get3A_243, %get3A_244] {strides = array<i32>} : memref<32x1024xf32, #tpu.memory_space<vmem>>, vector<1x16xf32>,
      %get3A_246 = vector.shape_cast %get3A_245 : vector<1x16xf32> to vector<16xf32>
      %get3A_247 = arith.index_cast %scan3A_34 : i32 to index
      %get3A_248 = arith.constant 240 : index
      %get3A_249 = tpu.vector_load %arg7[%get3A_247, %get3A_248] {strides = array<i32>} : memref<32x1024xf32, #tpu.memory_space<vmem>>, vector<1x16xf32>,
      %get3A_250 = vector.shape_cast %get3A_249 : vector<1x16xf32> to vector<16xf32>
      %add3A_251 = arith.addf %get3A_246, %get3A_250 : vector<16xf32>
      %swap3A_252 = arith.index_cast %scan3A_34 : i32 to index
      %swap3A_253 = arith.constant 240 : index
      %swap3A_254 = tpu.vector_load %arg8[%swap3A_252, %swap3A_253] {strides = array<i32>} : memref<32x1024xf32, #tpu.memory_space<vmem>>, vector<1x16xf32>,
      %swap3A_255 = vector.shape_cast %swap3A_254 : vector<1x16xf32> to vector<16xf32>
      %swap3A_256 = vector.shape_cast %add3A_251 : vector<16xf32> to vector<1x16xf32>
      tpu.vector_store %arg8[%swap3A_252, %swap3A_253], %swap3A_256 {strides = array<i32>} : memref<32x1024xf32, #tpu.memory_space<vmem>>, vector<1x16xf32>,
      %get3A_257 = arith.index_cast %scan3A_34 : i32 to index
      %get3A_258 = arith.constant 256 : index
      %get3A_259 = tpu.vector_load %arg8[%get3A_257, %get3A_258] {strides = array<i32>} : memref<32x1024xf32, #tpu.memory_space<vmem>>, vector<1x16xf32>,
      %get3A_260 = vector.shape_cast %get3A_259 : vector<1x16xf32> to vector<16xf32>
      %get3A_261 = arith.index_cast %scan3A_34 : i32 to index
      %get3A_262 = arith.constant 256 : index
      %get3A_263 = tpu.vector_load %arg7[%get3A_261, %get3A_262] {strides = array<i32>} : memref<32x1024xf32, #tpu.memory_space<vmem>>, vector<1x16xf32>,
      %get3A_264 = vector.shape_cast %get3A_263 : vector<1x16xf32> to vector<16xf32>
      %add3A_265 = arith.addf %get3A_260, %get3A_264 : vector<16xf32>
      %swap3A_266 = arith.index_cast %scan3A_34 : i32 to index
      %swap3A_267 = arith.constant 256 : index
      %swap3A_268 = tpu.vector_load %arg8[%swap3A_266, %swap3A_267] {strides = array<i32>} : memref<32x1024xf32, #tpu.memory_space<vmem>>, vector<1x16xf32>,
      %swap3A_269 = vector.shape_cast %swap3A_268 : vector<1x16xf32> to vector<16xf32>
      %swap3A_270 = vector.shape_cast %add3A_265 : vector<16xf32> to vector<1x16xf32>
      tpu.vector_store %arg8[%swap3A_266, %swap3A_267], %swap3A_270 {strides = array<i32>} : memref<32x1024xf32, #tpu.memory_space<vmem>>, vector<1x16xf32>,
      %get3A_271 = arith.index_cast %scan3A_34 : i32 to index
      %get3A_272 = arith.constant 272 : index
      %get3A_273 = tpu.vector_load %arg8[%get3A_271, %get3A_272] {strides = array<i32>} : memref<32x1024xf32, #tpu.memory_space<vmem>>, vector<1x16xf32>,
      %get3A_274 = vector.shape_cast %get3A_273 : vector<1x16xf32> to vector<16xf32>
      %get3A_275 = arith.index_cast %scan3A_34 : i32 to index
      %get3A_276 = arith.constant 272 : index
      %get3A_277 = tpu.vector_load %arg7[%get3A_275, %get3A_276] {strides = array<i32>} : memref<32x1024xf32, #tpu.memory_space<vmem>>, vector<1x16xf32>,
      %get3A_278 = vector.shape_cast %get3A_277 : vector<1x16xf32> to vector<16xf32>
      %add3A_279 = arith.addf %get3A_274, %get3A_278 : vector<16xf32>
      %swap3A_280 = arith.index_cast %scan3A_34 : i32 to index
      %swap3A_281 = arith.constant 272 : index
      %swap3A_282 = tpu.vector_load %arg8[%swap3A_280, %swap3A_281] {strides = array<i32>} : memref<32x1024xf32, #tpu.memory_space<vmem>>, vector<1x16xf32>,
      %swap3A_283 = vector.shape_cast %swap3A_282 : vector<1x16xf32> to vector<16xf32>
      %swap3A_284 = vector.shape_cast %add3A_279 : vector<16xf32> to vector<1x16xf32>
      tpu.vector_store %arg8[%swap3A_280, %swap3A_281], %swap3A_284 {strides = array<i32>} : memref<32x1024xf32, #tpu.memory_space<vmem>>, vector<1x16xf32>,
      %get3A_285 = arith.index_cast %scan3A_34 : i32 to index
      %get3A_286 = arith.constant 288 : index
      %get3A_287 = tpu.vector_load %arg8[%get3A_285, %get3A_286] {strides = array<i32>} : memref<32x1024xf32, #tpu.memory_space<vmem>>, vector<1x16xf32>,
      %get3A_288 = vector.shape_cast %get3A_287 : vector<1x16xf32> to vector<16xf32>
      %get3A_289 = arith.index_cast %scan3A_34 : i32 to index
      %get3A_290 = arith.constant 288 : index
      %get3A_291 = tpu.vector_load %arg7[%get3A_289, %get3A_290] {strides = array<i32>} : memref<32x1024xf32, #tpu.memory_space<vmem>>, vector<1x16xf32>,
      %get3A_292 = vector.shape_cast %get3A_291 : vector<1x16xf32> to vector<16xf32>
      %add3A_293 = arith.addf %get3A_288, %get3A_292 : vector<16xf32>
      %swap3A_294 = arith.index_cast %scan3A_34 : i32 to index
      %swap3A_295 = arith.constant 288 : index
      %swap3A_296 = tpu.vector_load %arg8[%swap3A_294, %swap3A_295] {strides = array<i32>} : memref<32x1024xf32, #tpu.memory_space<vmem>>, vector<1x16xf32>,
      %swap3A_297 = vector.shape_cast %swap3A_296 : vector<1x16xf32> to vector<16xf32>
      %swap3A_298 = vector.shape_cast %add3A_293 : vector<16xf32> to vector<1x16xf32>
      tpu.vector_store %arg8[%swap3A_294, %swap3A_295], %swap3A_298 {strides = array<i32>} : memref<32x1024xf32, #tpu.memory_space<vmem>>, vector<1x16xf32>,
      %get3A_299 = arith.index_cast %scan3A_34 : i32 to index
      %get3A_300 = arith.constant 304 : index
      %get3A_301 = tpu.vector_load %arg8[%get3A_299, %get3A_300] {strides = array<i32>} : memref<32x1024xf32, #tpu.memory_space<vmem>>, vector<1x16xf32>,
      %get3A_302 = vector.shape_cast %get3A_301 : vector<1x16xf32> to vector<16xf32>
      %get3A_303 = arith.index_cast %scan3A_34 : i32 to index
      %get3A_304 = arith.constant 304 : index
      %get3A_305 = tpu.vector_load %arg7[%get3A_303, %get3A_304] {strides = array<i32>} : memref<32x1024xf32, #tpu.memory_space<vmem>>, vector<1x16xf32>,
      %get3A_306 = vector.shape_cast %get3A_305 : vector<1x16xf32> to vector<16xf32>
      %add3A_307 = arith.addf %get3A_302, %get3A_306 : vector<16xf32>
      %swap3A_308 = arith.index_cast %scan3A_34 : i32 to index
      %swap3A_309 = arith.constant 304 : index
      %swap3A_310 = tpu.vector_load %arg8[%swap3A_308, %swap3A_309] {strides = array<i32>} : memref<32x1024xf32, #tpu.memory_space<vmem>>, vector<1x16xf32>,
      %swap3A_311 = vector.shape_cast %swap3A_310 : vector<1x16xf32> to vector<16xf32>
      %swap3A_312 = vector.shape_cast %add3A_307 : vector<16xf32> to vector<1x16xf32>
      tpu.vector_store %arg8[%swap3A_308, %swap3A_309], %swap3A_312 {strides = array<i32>} : memref<32x1024xf32, #tpu.memory_space<vmem>>, vector<1x16xf32>,
      %get3A_313 = arith.index_cast %scan3A_34 : i32 to index
      %get3A_314 = arith.constant 320 : index
      %get3A_315 = tpu.vector_load %arg8[%get3A_313, %get3A_314] {strides = array<i32>} : memref<32x1024xf32, #tpu.memory_space<vmem>>, vector<1x16xf32>,
      %get3A_316 = vector.shape_cast %get3A_315 : vector<1x16xf32> to vector<16xf32>
      %get3A_317 = arith.index_cast %scan3A_34 : i32 to index
      %get3A_318 = arith.constant 320 : index
      %get3A_319 = tpu.vector_load %arg7[%get3A_317, %get3A_318] {strides = array<i32>} : memref<32x1024xf32, #tpu.memory_space<vmem>>, vector<1x16xf32>,
      %get3A_320 = vector.shape_cast %get3A_319 : vector<1x16xf32> to vector<16xf32>
      %add3A_321 = arith.addf %get3A_316, %get3A_320 : vector<16xf32>
      %swap3A_322 = arith.index_cast %scan3A_34 : i32 to index
      %swap3A_323 = arith.constant 320 : index
      %swap3A_324 = tpu.vector_load %arg8[%swap3A_322, %swap3A_323] {strides = array<i32>} : memref<32x1024xf32, #tpu.memory_space<vmem>>, vector<1x16xf32>,
      %swap3A_325 = vector.shape_cast %swap3A_324 : vector<1x16xf32> to vector<16xf32>
      %swap3A_326 = vector.shape_cast %add3A_321 : vector<16xf32> to vector<1x16xf32>
      tpu.vector_store %arg8[%swap3A_322, %swap3A_323], %swap3A_326 {strides = array<i32>} : memref<32x1024xf32, #tpu.memory_space<vmem>>, vector<1x16xf32>,
      %get3A_327 = arith.index_cast %scan3A_34 : i32 to index
      %get3A_328 = arith.constant 336 : index
      %get3A_329 = tpu.vector_load %arg8[%get3A_327, %get3A_328] {strides = array<i32>} : memref<32x1024xf32, #tpu.memory_space<vmem>>, vector<1x16xf32>,
      %get3A_330 = vector.shape_cast %get3A_329 : vector<1x16xf32> to vector<16xf32>
      %get3A_331 = arith.index_cast %scan3A_34 : i32 to index
      %get3A_332 = arith.constant 336 : index
      %get3A_333 = tpu.vector_load %arg7[%get3A_331, %get3A_332] {strides = array<i32>} : memref<32x1024xf32, #tpu.memory_space<vmem>>, vector<1x16xf32>,
      %get3A_334 = vector.shape_cast %get3A_333 : vector<1x16xf32> to vector<16xf32>
      %add3A_335 = arith.addf %get3A_330, %get3A_334 : vector<16xf32>
      %swap3A_336 = arith.index_cast %scan3A_34 : i32 to index
      %swap3A_337 = arith.constant 336 : index
      %swap3A_338 = tpu.vector_load %arg8[%swap3A_336, %swap3A_337] {strides = array<i32>} : memref<32x1024xf32, #tpu.memory_space<vmem>>, vector<1x16xf32>,
      %swap3A_339 = vector.shape_cast %swap3A_338 : vector<1x16xf32> to vector<16xf32>
      %swap3A_340 = vector.shape_cast %add3A_335 : vector<16xf32> to vector<1x16xf32>
      tpu.vector_store %arg8[%swap3A_336, %swap3A_337], %swap3A_340 {strides = array<i32>} : memref<32x1024xf32, #tpu.memory_space<vmem>>, vector<1x16xf32>,
      %get3A_341 = arith.index_cast %scan3A_34 : i32 to index
      %get3A_342 = arith.constant 352 : index
      %get3A_343 = tpu.vector_load %arg8[%get3A_341, %get3A_342] {strides = array<i32>} : memref<32x1024xf32, #tpu.memory_space<vmem>>, vector<1x16xf32>,
      %get3A_344 = vector.shape_cast %get3A_343 : vector<1x16xf32> to vector<16xf32>
      %get3A_345 = arith.index_cast %scan3A_34 : i32 to index
      %get3A_346 = arith.constant 352 : index
      %get3A_347 = tpu.vector_load %arg7[%get3A_345, %get3A_346] {strides = array<i32>} : memref<32x1024xf32, #tpu.memory_space<vmem>>, vector<1x16xf32>,
      %get3A_348 = vector.shape_cast %get3A_347 : vector<1x16xf32> to vector<16xf32>
      %add3A_349 = arith.addf %get3A_344, %get3A_348 : vector<16xf32>
      %swap3A_350 = arith.index_cast %scan3A_34 : i32 to index
      %swap3A_351 = arith.constant 352 : index
      %swap3A_352 = tpu.vector_load %arg8[%swap3A_350, %swap3A_351] {strides = array<i32>} : memref<32x1024xf32, #tpu.memory_space<vmem>>, vector<1x16xf32>,
      %swap3A_353 = vector.shape_cast %swap3A_352 : vector<1x16xf32> to vector<16xf32>
      %swap3A_354 = vector.shape_cast %add3A_349 : vector<16xf32> to vector<1x16xf32>
      tpu.vector_store %arg8[%swap3A_350, %swap3A_351], %swap3A_354 {strides = array<i32>} : memref<32x1024xf32, #tpu.memory_space<vmem>>, vector<1x16xf32>,
      %get3A_355 = arith.index_cast %scan3A_34 : i32 to index
      %get3A_356 = arith.constant 368 : index
      %get3A_357 = tpu.vector_load %arg8[%get3A_355, %get3A_356] {strides = array<i32>} : memref<32x1024xf32, #tpu.memory_space<vmem>>, vector<1x16xf32>,
      %get3A_358 = vector.shape_cast %get3A_357 : vector<1x16xf32> to vector<16xf32>
      %get3A_359 = arith.index_cast %scan3A_34 : i32 to index
      %get3A_360 = arith.constant 368 : index
      %get3A_361 = tpu.vector_load %arg7[%get3A_359, %get3A_360] {strides = array<i32>} : memref<32x1024xf32, #tpu.memory_space<vmem>>, vector<1x16xf32>,
      %get3A_362 = vector.shape_cast %get3A_361 : vector<1x16xf32> to vector<16xf32>
      %add3A_363 = arith.addf %get3A_358, %get3A_362 : vector<16xf32>
      %swap3A_364 = arith.index_cast %scan3A_34 : i32 to index
      %swap3A_365 = arith.constant 368 : index
      %swap3A_366 = tpu.vector_load %arg8[%swap3A_364, %swap3A_365] {strides = array<i32>} : memref<32x1024xf32, #tpu.memory_space<vmem>>, vector<1x16xf32>,
      %swap3A_367 = vector.shape_cast %swap3A_366 : vector<1x16xf32> to vector<16xf32>
      %swap3A_368 = vector.shape_cast %add3A_363 : vector<16xf32> to vector<1x16xf32>
      tpu.vector_store %arg8[%swap3A_364, %swap3A_365], %swap3A_368 {strides = array<i32>} : memref<32x1024xf32, #tpu.memory_space<vmem>>, vector<1x16xf32>,
      %get3A_369 = arith.index_cast %scan3A_34 : i32 to index
      %get3A_370 = arith.constant 384 : index
      %get3A_371 = tpu.vector_load %arg8[%get3A_369, %get3A_370] {strides = array<i32>} : memref<32x1024xf32, #tpu.memory_space<vmem>>, vector<1x16xf32>,
      %get3A_372 = vector.shape_cast %get3A_371 : vector<1x16xf32> to vector<16xf32>
      %get3A_373 = arith.index_cast %scan3A_34 : i32 to index
      %get3A_374 = arith.constant 384 : index
      %get3A_375 = tpu.vector_load %arg7[%get3A_373, %get3A_374] {strides = array<i32>} : memref<32x1024xf32, #tpu.memory_space<vmem>>, vector<1x16xf32>,
      %get3A_376 = vector.shape_cast %get3A_375 : vector<1x16xf32> to vector<16xf32>
      %add3A_377 = arith.addf %get3A_372, %get3A_376 : vector<16xf32>
      %swap3A_378 = arith.index_cast %scan3A_34 : i32 to index
      %swap3A_379 = arith.constant 384 : index
      %swap3A_380 = tpu.vector_load %arg8[%swap3A_378, %swap3A_379] {strides = array<i32>} : memref<32x1024xf32, #tpu.memory_space<vmem>>, vector<1x16xf32>,
      %swap3A_381 = vector.shape_cast %swap3A_380 : vector<1x16xf32> to vector<16xf32>
      %swap3A_382 = vector.shape_cast %add3A_377 : vector<16xf32> to vector<1x16xf32>
      tpu.vector_store %arg8[%swap3A_378, %swap3A_379], %swap3A_382 {strides = array<i32>} : memref<32x1024xf32, #tpu.memory_space<vmem>>, vector<1x16xf32>,
      %get3A_383 = arith.index_cast %scan3A_34 : i32 to index
      %get3A_384 = arith.constant 400 : index
      %get3A_385 = tpu.vector_load %arg8[%get3A_383, %get3A_384] {strides = array<i32>} : memref<32x1024xf32, #tpu.memory_space<vmem>>, vector<1x16xf32>,
      %get3A_386 = vector.shape_cast %get3A_385 : vector<1x16xf32> to vector<16xf32>
      %get3A_387 = arith.index_cast %scan3A_34 : i32 to index
      %get3A_388 = arith.constant 400 : index
      %get3A_389 = tpu.vector_load %arg7[%get3A_387, %get3A_388] {strides = array<i32>} : memref<32x1024xf32, #tpu.memory_space<vmem>>, vector<1x16xf32>,
      %get3A_390 = vector.shape_cast %get3A_389 : vector<1x16xf32> to vector<16xf32>
      %add3A_391 = arith.addf %get3A_386, %get3A_390 : vector<16xf32>
      %swap3A_392 = arith.index_cast %scan3A_34 : i32 to index
      %swap3A_393 = arith.constant 400 : index
      %swap3A_394 = tpu.vector_load %arg8[%swap3A_392, %swap3A_393] {strides = array<i32>} : memref<32x1024xf32, #tpu.memory_space<vmem>>, vector<1x16xf32>,
      %swap3A_395 = vector.shape_cast %swap3A_394 : vector<1x16xf32> to vector<16xf32>
      %swap3A_396 = vector.shape_cast %add3A_391 : vector<16xf32> to vector<1x16xf32>
      tpu.vector_store %arg8[%swap3A_392, %swap3A_393], %swap3A_396 {strides = array<i32>} : memref<32x1024xf32, #tpu.memory_space<vmem>>, vector<1x16xf32>,
      %get3A_397 = arith.index_cast %scan3A_34 : i32 to index
      %get3A_398 = arith.constant 416 : index
      %get3A_399 = tpu.vector_load %arg8[%get3A_397, %get3A_398] {strides = array<i32>} : memref<32x1024xf32, #tpu.memory_space<vmem>>, vector<1x16xf32>,
      %get3A_400 = vector.shape_cast %get3A_399 : vector<1x16xf32> to vector<16xf32>
      %get3A_401 = arith.index_cast %scan3A_34 : i32 to index
      %get3A_402 = arith.constant 416 : index
      %get3A_403 = tpu.vector_load %arg7[%get3A_401, %get3A_402] {strides = array<i32>} : memref<32x1024xf32, #tpu.memory_space<vmem>>, vector<1x16xf32>,
      %get3A_404 = vector.shape_cast %get3A_403 : vector<1x16xf32> to vector<16xf32>
      %add3A_405 = arith.addf %get3A_400, %get3A_404 : vector<16xf32>
      %swap3A_406 = arith.index_cast %scan3A_34 : i32 to index
      %swap3A_407 = arith.constant 416 : index
      %swap3A_408 = tpu.vector_load %arg8[%swap3A_406, %swap3A_407] {strides = array<i32>} : memref<32x1024xf32, #tpu.memory_space<vmem>>, vector<1x16xf32>,
      %swap3A_409 = vector.shape_cast %swap3A_408 : vector<1x16xf32> to vector<16xf32>
      %swap3A_410 = vector.shape_cast %add3A_405 : vector<16xf32> to vector<1x16xf32>
      tpu.vector_store %arg8[%swap3A_406, %swap3A_407], %swap3A_410 {strides = array<i32>} : memref<32x1024xf32, #tpu.memory_space<vmem>>, vector<1x16xf32>,
      %get3A_411 = arith.index_cast %scan3A_34 : i32 to index
      %get3A_412 = arith.constant 432 : index
      %get3A_413 = tpu.vector_load %arg8[%get3A_411, %get3A_412] {strides = array<i32>} : memref<32x1024xf32, #tpu.memory_space<vmem>>, vector<1x16xf32>,
      %get3A_414 = vector.shape_cast %get3A_413 : vector<1x16xf32> to vector<16xf32>
      %get3A_415 = arith.index_cast %scan3A_34 : i32 to index
      %get3A_416 = arith.constant 432 : index
      %get3A_417 = tpu.vector_load %arg7[%get3A_415, %get3A_416] {strides = array<i32>} : memref<32x1024xf32, #tpu.memory_space<vmem>>, vector<1x16xf32>,
      %get3A_418 = vector.shape_cast %get3A_417 : vector<1x16xf32> to vector<16xf32>
      %add3A_419 = arith.addf %get3A_414, %get3A_418 : vector<16xf32>
      %swap3A_420 = arith.index_cast %scan3A_34 : i32 to index
      %swap3A_421 = arith.constant 432 : index
      %swap3A_422 = tpu.vector_load %arg8[%swap3A_420, %swap3A_421] {strides = array<i32>} : memref<32x1024xf32, #tpu.memory_space<vmem>>, vector<1x16xf32>,
      %swap3A_423 = vector.shape_cast %swap3A_422 : vector<1x16xf32> to vector<16xf32>
      %swap3A_424 = vector.shape_cast %add3A_419 : vector<16xf32> to vector<1x16xf32>
      tpu.vector_store %arg8[%swap3A_420, %swap3A_421], %swap3A_424 {strides = array<i32>} : memref<32x1024xf32, #tpu.memory_space<vmem>>, vector<1x16xf32>,
      %get3A_425 = arith.index_cast %scan3A_34 : i32 to index
      %get3A_426 = arith.constant 448 : index
      %get3A_427 = tpu.vector_load %arg8[%get3A_425, %get3A_426] {strides = array<i32>} : memref<32x1024xf32, #tpu.memory_space<vmem>>, vector<1x16xf32>,
      %get3A_428 = vector.shape_cast %get3A_427 : vector<1x16xf32> to vector<16xf32>
      %get3A_429 = arith.index_cast %scan3A_34 : i32 to index
      %get3A_430 = arith.constant 448 : index
      %get3A_431 = tpu.vector_load %arg7[%get3A_429, %get3A_430] {strides = array<i32>} : memref<32x1024xf32, #tpu.memory_space<vmem>>, vector<1x16xf32>,
      %get3A_432 = vector.shape_cast %get3A_431 : vector<1x16xf32> to vector<16xf32>
      %add3A_433 = arith.addf %get3A_428, %get3A_432 : vector<16xf32>
      %swap3A_434 = arith.index_cast %scan3A_34 : i32 to index
      %swap3A_435 = arith.constant 448 : index
      %swap3A_436 = tpu.vector_load %arg8[%swap3A_434, %swap3A_435] {strides = array<i32>} : memref<32x1024xf32, #tpu.memory_space<vmem>>, vector<1x16xf32>,
      %swap3A_437 = vector.shape_cast %swap3A_436 : vector<1x16xf32> to vector<16xf32>
      %swap3A_438 = vector.shape_cast %add3A_433 : vector<16xf32> to vector<1x16xf32>
      tpu.vector_store %arg8[%swap3A_434, %swap3A_435], %swap3A_438 {strides = array<i32>} : memref<32x1024xf32, #tpu.memory_space<vmem>>, vector<1x16xf32>,
      %get3A_439 = arith.index_cast %scan3A_34 : i32 to index
      %get3A_440 = arith.constant 464 : index
      %get3A_441 = tpu.vector_load %arg8[%get3A_439, %get3A_440] {strides = array<i32>} : memref<32x1024xf32, #tpu.memory_space<vmem>>, vector<1x16xf32>,
      %get3A_442 = vector.shape_cast %get3A_441 : vector<1x16xf32> to vector<16xf32>
      %get3A_443 = arith.index_cast %scan3A_34 : i32 to index
      %get3A_444 = arith.constant 464 : index
      %get3A_445 = tpu.vector_load %arg7[%get3A_443, %get3A_444] {strides = array<i32>} : memref<32x1024xf32, #tpu.memory_space<vmem>>, vector<1x16xf32>,
      %get3A_446 = vector.shape_cast %get3A_445 : vector<1x16xf32> to vector<16xf32>
      %add3A_447 = arith.addf %get3A_442, %get3A_446 : vector<16xf32>
      %swap3A_448 = arith.index_cast %scan3A_34 : i32 to index
      %swap3A_449 = arith.constant 464 : index
      %swap3A_450 = tpu.vector_load %arg8[%swap3A_448, %swap3A_449] {strides = array<i32>} : memref<32x1024xf32, #tpu.memory_space<vmem>>, vector<1x16xf32>,
      %swap3A_451 = vector.shape_cast %swap3A_450 : vector<1x16xf32> to vector<16xf32>
      %swap3A_452 = vector.shape_cast %add3A_447 : vector<16xf32> to vector<1x16xf32>
      tpu.vector_store %arg8[%swap3A_448, %swap3A_449], %swap3A_452 {strides = array<i32>} : memref<32x1024xf32, #tpu.memory_space<vmem>>, vector<1x16xf32>,
      %get3A_453 = arith.index_cast %scan3A_34 : i32 to index
      %get3A_454 = arith.constant 480 : index
      %get3A_455 = tpu.vector_load %arg8[%get3A_453, %get3A_454] {strides = array<i32>} : memref<32x1024xf32, #tpu.memory_space<vmem>>, vector<1x16xf32>,
      %get3A_456 = vector.shape_cast %get3A_455 : vector<1x16xf32> to vector<16xf32>
      %get3A_457 = arith.index_cast %scan3A_34 : i32 to index
      %get3A_458 = arith.constant 480 : index
      %get3A_459 = tpu.vector_load %arg7[%get3A_457, %get3A_458] {strides = array<i32>} : memref<32x1024xf32, #tpu.memory_space<vmem>>, vector<1x16xf32>,
      %get3A_460 = vector.shape_cast %get3A_459 : vector<1x16xf32> to vector<16xf32>
      %add3A_461 = arith.addf %get3A_456, %get3A_460 : vector<16xf32>
      %swap3A_462 = arith.index_cast %scan3A_34 : i32 to index
      %swap3A_463 = arith.constant 480 : index
      %swap3A_464 = tpu.vector_load %arg8[%swap3A_462, %swap3A_463] {strides = array<i32>} : memref<32x1024xf32, #tpu.memory_space<vmem>>, vector<1x16xf32>,
      %swap3A_465 = vector.shape_cast %swap3A_464 : vector<1x16xf32> to vector<16xf32>
      %swap3A_466 = vector.shape_cast %add3A_461 : vector<16xf32> to vector<1x16xf32>
      tpu.vector_store %arg8[%swap3A_462, %swap3A_463], %swap3A_466 {strides = array<i32>} : memref<32x1024xf32, #tpu.memory_space<vmem>>, vector<1x16xf32>,
      %get3A_467 = arith.index_cast %scan3A_34 : i32 to index
      %get3A_468 = arith.constant 496 : index
      %get3A_469 = tpu.vector_load %arg8[%get3A_467, %get3A_468] {strides = array<i32>} : memref<32x1024xf32, #tpu.memory_space<vmem>>, vector<1x16xf32>,
      %get3A_470 = vector.shape_cast %get3A_469 : vector<1x16xf32> to vector<16xf32>
      %get3A_471 = arith.index_cast %scan3A_34 : i32 to index
      %get3A_472 = arith.constant 496 : index
      %get3A_473 = tpu.vector_load %arg7[%get3A_471, %get3A_472] {strides = array<i32>} : memref<32x1024xf32, #tpu.memory_space<vmem>>, vector<1x16xf32>,
      %get3A_474 = vector.shape_cast %get3A_473 : vector<1x16xf32> to vector<16xf32>
      %add3A_475 = arith.addf %get3A_470, %get3A_474 : vector<16xf32>
      %swap3A_476 = arith.index_cast %scan3A_34 : i32 to index
      %swap3A_477 = arith.constant 496 : index
      %swap3A_478 = tpu.vector_load %arg8[%swap3A_476, %swap3A_477] {strides = array<i32>} : memref<32x1024xf32, #tpu.memory_space<vmem>>, vector<1x16xf32>,
      %swap3A_479 = vector.shape_cast %swap3A_478 : vector<1x16xf32> to vector<16xf32>
      %swap3A_480 = vector.shape_cast %add3A_475 : vector<16xf32> to vector<1x16xf32>
      tpu.vector_store %arg8[%swap3A_476, %swap3A_477], %swap3A_480 {strides = array<i32>} : memref<32x1024xf32, #tpu.memory_space<vmem>>, vector<1x16xf32>,
      %get3A_481 = arith.index_cast %scan3A_34 : i32 to index
      %get3A_482 = arith.constant 512 : index
      %get3A_483 = tpu.vector_load %arg8[%get3A_481, %get3A_482] {strides = array<i32>} : memref<32x1024xf32, #tpu.memory_space<vmem>>, vector<1x16xf32>,
      %get3A_484 = vector.shape_cast %get3A_483 : vector<1x16xf32> to vector<16xf32>
      %get3A_485 = arith.index_cast %scan3A_34 : i32 to index
      %get3A_486 = arith.constant 512 : index
      %get3A_487 = tpu.vector_load %arg7[%get3A_485, %get3A_486] {strides = array<i32>} : memref<32x1024xf32, #tpu.memory_space<vmem>>, vector<1x16xf32>,
      %get3A_488 = vector.shape_cast %get3A_487 : vector<1x16xf32> to vector<16xf32>
      %add3A_489 = arith.addf %get3A_484, %get3A_488 : vector<16xf32>
      %swap3A_490 = arith.index_cast %scan3A_34 : i32 to index
      %swap3A_491 = arith.constant 512 : index
      %swap3A_492 = tpu.vector_load %arg8[%swap3A_490, %swap3A_491] {strides = array<i32>} : memref<32x1024xf32, #tpu.memory_space<vmem>>, vector<1x16xf32>,
      %swap3A_493 = vector.shape_cast %swap3A_492 : vector<1x16xf32> to vector<16xf32>
      %swap3A_494 = vector.shape_cast %add3A_489 : vector<16xf32> to vector<1x16xf32>
      tpu.vector_store %arg8[%swap3A_490, %swap3A_491], %swap3A_494 {strides = array<i32>} : memref<32x1024xf32, #tpu.memory_space<vmem>>, vector<1x16xf32>,
      %get3A_495 = arith.index_cast %scan3A_34 : i32 to index
      %get3A_496 = arith.constant 528 : index
      %get3A_497 = tpu.vector_load %arg8[%get3A_495, %get3A_496] {strides = array<i32>} : memref<32x1024xf32, #tpu.memory_space<vmem>>, vector<1x16xf32>,
      %get3A_498 = vector.shape_cast %get3A_497 : vector<1x16xf32> to vector<16xf32>
      %get3A_499 = arith.index_cast %scan3A_34 : i32 to index
      %get3A_500 = arith.constant 528 : index
      %get3A_501 = tpu.vector_load %arg7[%get3A_499, %get3A_500] {strides = array<i32>} : memref<32x1024xf32, #tpu.memory_space<vmem>>, vector<1x16xf32>,
      %get3A_502 = vector.shape_cast %get3A_501 : vector<1x16xf32> to vector<16xf32>
      %add3A_503 = arith.addf %get3A_498, %get3A_502 : vector<16xf32>
      %swap3A_504 = arith.index_cast %scan3A_34 : i32 to index
      %swap3A_505 = arith.constant 528 : index
      %swap3A_506 = tpu.vector_load %arg8[%swap3A_504, %swap3A_505] {strides = array<i32>} : memref<32x1024xf32, #tpu.memory_space<vmem>>, vector<1x16xf32>,
      %swap3A_507 = vector.shape_cast %swap3A_506 : vector<1x16xf32> to vector<16xf32>
      %swap3A_508 = vector.shape_cast %add3A_503 : vector<16xf32> to vector<1x16xf32>
      tpu.vector_store %arg8[%swap3A_504, %swap3A_505], %swap3A_508 {strides = array<i32>} : memref<32x1024xf32, #tpu.memory_space<vmem>>, vector<1x16xf32>,
      %get3A_509 = arith.index_cast %scan3A_34 : i32 to index
      %get3A_510 = arith.constant 544 : index
      %get3A_511 = tpu.vector_load %arg8[%get3A_509, %get3A_510] {strides = array<i32>} : memref<32x1024xf32, #tpu.memory_space<vmem>>, vector<1x16xf32>,
      %get3A_512 = vector.shape_cast %get3A_511 : vector<1x16xf32> to vector<16xf32>
      %get3A_513 = arith.index_cast %scan3A_34 : i32 to index
      %get3A_514 = arith.constant 544 : index
      %get3A_515 = tpu.vector_load %arg7[%get3A_513, %get3A_514] {strides = array<i32>} : memref<32x1024xf32, #tpu.memory_space<vmem>>, vector<1x16xf32>,
      %get3A_516 = vector.shape_cast %get3A_515 : vector<1x16xf32> to vector<16xf32>
      %add3A_517 = arith.addf %get3A_512, %get3A_516 : vector<16xf32>
      %swap3A_518 = arith.index_cast %scan3A_34 : i32 to index
      %swap3A_519 = arith.constant 544 : index
      %swap3A_520 = tpu.vector_load %arg8[%swap3A_518, %swap3A_519] {strides = array<i32>} : memref<32x1024xf32, #tpu.memory_space<vmem>>, vector<1x16xf32>,
      %swap3A_521 = vector.shape_cast %swap3A_520 : vector<1x16xf32> to vector<16xf32>
      %swap3A_522 = vector.shape_cast %add3A_517 : vector<16xf32> to vector<1x16xf32>
      tpu.vector_store %arg8[%swap3A_518, %swap3A_519], %swap3A_522 {strides = array<i32>} : memref<32x1024xf32, #tpu.memory_space<vmem>>, vector<1x16xf32>,
      %get3A_523 = arith.index_cast %scan3A_34 : i32 to index
      %get3A_524 = arith.constant 560 : index
      %get3A_525 = tpu.vector_load %arg8[%get3A_523, %get3A_524] {strides = array<i32>} : memref<32x1024xf32, #tpu.memory_space<vmem>>, vector<1x16xf32>,
      %get3A_526 = vector.shape_cast %get3A_525 : vector<1x16xf32> to vector<16xf32>
      %get3A_527 = arith.index_cast %scan3A_34 : i32 to index
      %get3A_528 = arith.constant 560 : index
      %get3A_529 = tpu.vector_load %arg7[%get3A_527, %get3A_528] {strides = array<i32>} : memref<32x1024xf32, #tpu.memory_space<vmem>>, vector<1x16xf32>,
      %get3A_530 = vector.shape_cast %get3A_529 : vector<1x16xf32> to vector<16xf32>
      %add3A_531 = arith.addf %get3A_526, %get3A_530 : vector<16xf32>
      %swap3A_532 = arith.index_cast %scan3A_34 : i32 to index
      %swap3A_533 = arith.constant 560 : index
      %swap3A_534 = tpu.vector_load %arg8[%swap3A_532, %swap3A_533] {strides = array<i32>} : memref<32x1024xf32, #tpu.memory_space<vmem>>, vector<1x16xf32>,
      %swap3A_535 = vector.shape_cast %swap3A_534 : vector<1x16xf32> to vector<16xf32>
      %swap3A_536 = vector.shape_cast %add3A_531 : vector<16xf32> to vector<1x16xf32>
      tpu.vector_store %arg8[%swap3A_532, %swap3A_533], %swap3A_536 {strides = array<i32>} : memref<32x1024xf32, #tpu.memory_space<vmem>>, vector<1x16xf32>,
      %get3A_537 = arith.index_cast %scan3A_34 : i32 to index
      %get3A_538 = arith.constant 576 : index
      %get3A_539 = tpu.vector_load %arg8[%get3A_537, %get3A_538] {strides = array<i32>} : memref<32x1024xf32, #tpu.memory_space<vmem>>, vector<1x16xf32>,
      %get3A_540 = vector.shape_cast %get3A_539 : vector<1x16xf32> to vector<16xf32>
      %get3A_541 = arith.index_cast %scan3A_34 : i32 to index
      %get3A_542 = arith.constant 576 : index
      %get3A_543 = tpu.vector_load %arg7[%get3A_541, %get3A_542] {strides = array<i32>} : memref<32x1024xf32, #tpu.memory_space<vmem>>, vector<1x16xf32>,
      %get3A_544 = vector.shape_cast %get3A_543 : vector<1x16xf32> to vector<16xf32>
      %add3A_545 = arith.addf %get3A_540, %get3A_544 : vector<16xf32>
      %swap3A_546 = arith.index_cast %scan3A_34 : i32 to index
      %swap3A_547 = arith.constant 576 : index
      %swap3A_548 = tpu.vector_load %arg8[%swap3A_546, %swap3A_547] {strides = array<i32>} : memref<32x1024xf32, #tpu.memory_space<vmem>>, vector<1x16xf32>,
      %swap3A_549 = vector.shape_cast %swap3A_548 : vector<1x16xf32> to vector<16xf32>
      %swap3A_550 = vector.shape_cast %add3A_545 : vector<16xf32> to vector<1x16xf32>
      tpu.vector_store %arg8[%swap3A_546, %swap3A_547], %swap3A_550 {strides = array<i32>} : memref<32x1024xf32, #tpu.memory_space<vmem>>, vector<1x16xf32>,
      %get3A_551 = arith.index_cast %scan3A_34 : i32 to index
      %get3A_552 = arith.constant 592 : index
      %get3A_553 = tpu.vector_load %arg8[%get3A_551, %get3A_552] {strides = array<i32>} : memref<32x1024xf32, #tpu.memory_space<vmem>>, vector<1x16xf32>,
      %get3A_554 = vector.shape_cast %get3A_553 : vector<1x16xf32> to vector<16xf32>
      %get3A_555 = arith.index_cast %scan3A_34 : i32 to index
      %get3A_556 = arith.constant 592 : index
      %get3A_557 = tpu.vector_load %arg7[%get3A_555, %get3A_556] {strides = array<i32>} : memref<32x1024xf32, #tpu.memory_space<vmem>>, vector<1x16xf32>,
      %get3A_558 = vector.shape_cast %get3A_557 : vector<1x16xf32> to vector<16xf32>
      %add3A_559 = arith.addf %get3A_554, %get3A_558 : vector<16xf32>
      %swap3A_560 = arith.index_cast %scan3A_34 : i32 to index
      %swap3A_561 = arith.constant 592 : index
      %swap3A_562 = tpu.vector_load %arg8[%swap3A_560, %swap3A_561] {strides = array<i32>} : memref<32x1024xf32, #tpu.memory_space<vmem>>, vector<1x16xf32>,
      %swap3A_563 = vector.shape_cast %swap3A_562 : vector<1x16xf32> to vector<16xf32>
      %swap3A_564 = vector.shape_cast %add3A_559 : vector<16xf32> to vector<1x16xf32>
      tpu.vector_store %arg8[%swap3A_560, %swap3A_561], %swap3A_564 {strides = array<i32>} : memref<32x1024xf32, #tpu.memory_space<vmem>>, vector<1x16xf32>,
      %get3A_565 = arith.index_cast %scan3A_34 : i32 to index
      %get3A_566 = arith.constant 608 : index
      %get3A_567 = tpu.vector_load %arg8[%get3A_565, %get3A_566] {strides = array<i32>} : memref<32x1024xf32, #tpu.memory_space<vmem>>, vector<1x16xf32>,
      %get3A_568 = vector.shape_cast %get3A_567 : vector<1x16xf32> to vector<16xf32>
      %get3A_569 = arith.index_cast %scan3A_34 : i32 to index
      %get3A_570 = arith.constant 608 : index
      %get3A_571 = tpu.vector_load %arg7[%get3A_569, %get3A_570] {strides = array<i32>} : memref<32x1024xf32, #tpu.memory_space<vmem>>, vector<1x16xf32>,
      %get3A_572 = vector.shape_cast %get3A_571 : vector<1x16xf32> to vector<16xf32>
      %add3A_573 = arith.addf %get3A_568, %get3A_572 : vector<16xf32>
      %swap3A_574 = arith.index_cast %scan3A_34 : i32 to index
      %swap3A_575 = arith.constant 608 : index
      %swap3A_576 = tpu.vector_load %arg8[%swap3A_574, %swap3A_575] {strides = array<i32>} : memref<32x1024xf32, #tpu.memory_space<vmem>>, vector<1x16xf32>,
      %swap3A_577 = vector.shape_cast %swap3A_576 : vector<1x16xf32> to vector<16xf32>
      %swap3A_578 = vector.shape_cast %add3A_573 : vector<16xf32> to vector<1x16xf32>
      tpu.vector_store %arg8[%swap3A_574, %swap3A_575], %swap3A_578 {strides = array<i32>} : memref<32x1024xf32, #tpu.memory_space<vmem>>, vector<1x16xf32>,
      %get3A_579 = arith.index_cast %scan3A_34 : i32 to index
      %get3A_580 = arith.constant 624 : index
      %get3A_581 = tpu.vector_load %arg8[%get3A_579, %get3A_580] {strides = array<i32>} : memref<32x1024xf32, #tpu.memory_space<vmem>>, vector<1x16xf32>,
      %get3A_582 = vector.shape_cast %get3A_581 : vector<1x16xf32> to vector<16xf32>
      %get3A_583 = arith.index_cast %scan3A_34 : i32 to index
      %get3A_584 = arith.constant 624 : index
      %get3A_585 = tpu.vector_load %arg7[%get3A_583, %get3A_584] {strides = array<i32>} : memref<32x1024xf32, #tpu.memory_space<vmem>>, vector<1x16xf32>,
      %get3A_586 = vector.shape_cast %get3A_585 : vector<1x16xf32> to vector<16xf32>
      %add3A_587 = arith.addf %get3A_582, %get3A_586 : vector<16xf32>
      %swap3A_588 = arith.index_cast %scan3A_34 : i32 to index
      %swap3A_589 = arith.constant 624 : index
      %swap3A_590 = tpu.vector_load %arg8[%swap3A_588, %swap3A_589] {strides = array<i32>} : memref<32x1024xf32, #tpu.memory_space<vmem>>, vector<1x16xf32>,
      %swap3A_591 = vector.shape_cast %swap3A_590 : vector<1x16xf32> to vector<16xf32>
      %swap3A_592 = vector.shape_cast %add3A_587 : vector<16xf32> to vector<1x16xf32>
      tpu.vector_store %arg8[%swap3A_588, %swap3A_589], %swap3A_592 {strides = array<i32>} : memref<32x1024xf32, #tpu.memory_space<vmem>>, vector<1x16xf32>,
      %get3A_593 = arith.index_cast %scan3A_34 : i32 to index
      %get3A_594 = arith.constant 640 : index
      %get3A_595 = tpu.vector_load %arg8[%get3A_593, %get3A_594] {strides = array<i32>} : memref<32x1024xf32, #tpu.memory_space<vmem>>, vector<1x16xf32>,
      %get3A_596 = vector.shape_cast %get3A_595 : vector<1x16xf32> to vector<16xf32>
      %get3A_597 = arith.index_cast %scan3A_34 : i32 to index
      %get3A_598 = arith.constant 640 : index
      %get3A_599 = tpu.vector_load %arg7[%get3A_597, %get3A_598] {strides = array<i32>} : memref<32x1024xf32, #tpu.memory_space<vmem>>, vector<1x16xf32>,
      %get3A_600 = vector.shape_cast %get3A_599 : vector<1x16xf32> to vector<16xf32>
      %add3A_601 = arith.addf %get3A_596, %get3A_600 : vector<16xf32>
      %swap3A_602 = arith.index_cast %scan3A_34 : i32 to index
      %swap3A_603 = arith.constant 640 : index
      %swap3A_604 = tpu.vector_load %arg8[%swap3A_602, %swap3A_603] {strides = array<i32>} : memref<32x1024xf32, #tpu.memory_space<vmem>>, vector<1x16xf32>,
      %swap3A_605 = vector.shape_cast %swap3A_604 : vector<1x16xf32> to vector<16xf32>
      %swap3A_606 = vector.shape_cast %add3A_601 : vector<16xf32> to vector<1x16xf32>
      tpu.vector_store %arg8[%swap3A_602, %swap3A_603], %swap3A_606 {strides = array<i32>} : memref<32x1024xf32, #tpu.memory_space<vmem>>, vector<1x16xf32>,
      %get3A_607 = arith.index_cast %scan3A_34 : i32 to index
      %get3A_608 = arith.constant 656 : index
      %get3A_609 = tpu.vector_load %arg8[%get3A_607, %get3A_608] {strides = array<i32>} : memref<32x1024xf32, #tpu.memory_space<vmem>>, vector<1x16xf32>,
      %get3A_610 = vector.shape_cast %get3A_609 : vector<1x16xf32> to vector<16xf32>
      %get3A_611 = arith.index_cast %scan3A_34 : i32 to index
      %get3A_612 = arith.constant 656 : index
      %get3A_613 = tpu.vector_load %arg7[%get3A_611, %get3A_612] {strides = array<i32>} : memref<32x1024xf32, #tpu.memory_space<vmem>>, vector<1x16xf32>,
      %get3A_614 = vector.shape_cast %get3A_613 : vector<1x16xf32> to vector<16xf32>
      %add3A_615 = arith.addf %get3A_610, %get3A_614 : vector<16xf32>
      %swap3A_616 = arith.index_cast %scan3A_34 : i32 to index
      %swap3A_617 = arith.constant 656 : index
      %swap3A_618 = tpu.vector_load %arg8[%swap3A_616, %swap3A_617] {strides = array<i32>} : memref<32x1024xf32, #tpu.memory_space<vmem>>, vector<1x16xf32>,
      %swap3A_619 = vector.shape_cast %swap3A_618 : vector<1x16xf32> to vector<16xf32>
      %swap3A_620 = vector.shape_cast %add3A_615 : vector<16xf32> to vector<1x16xf32>
      tpu.vector_store %arg8[%swap3A_616, %swap3A_617], %swap3A_620 {strides = array<i32>} : memref<32x1024xf32, #tpu.memory_space<vmem>>, vector<1x16xf32>,
      %get3A_621 = arith.index_cast %scan3A_34 : i32 to index
      %get3A_622 = arith.constant 672 : index
      %get3A_623 = tpu.vector_load %arg8[%get3A_621, %get3A_622] {strides = array<i32>} : memref<32x1024xf32, #tpu.memory_space<vmem>>, vector<1x16xf32>,
      %get3A_624 = vector.shape_cast %get3A_623 : vector<1x16xf32> to vector<16xf32>
      %get3A_625 = arith.index_cast %scan3A_34 : i32 to index
      %get3A_626 = arith.constant 672 : index
      %get3A_627 = tpu.vector_load %arg7[%get3A_625, %get3A_626] {strides = array<i32>} : memref<32x1024xf32, #tpu.memory_space<vmem>>, vector<1x16xf32>,
      %get3A_628 = vector.shape_cast %get3A_627 : vector<1x16xf32> to vector<16xf32>
      %add3A_629 = arith.addf %get3A_624, %get3A_628 : vector<16xf32>
      %swap3A_630 = arith.index_cast %scan3A_34 : i32 to index
      %swap3A_631 = arith.constant 672 : index
      %swap3A_632 = tpu.vector_load %arg8[%swap3A_630, %swap3A_631] {strides = array<i32>} : memref<32x1024xf32, #tpu.memory_space<vmem>>, vector<1x16xf32>,
      %swap3A_633 = vector.shape_cast %swap3A_632 : vector<1x16xf32> to vector<16xf32>
      %swap3A_634 = vector.shape_cast %add3A_629 : vector<16xf32> to vector<1x16xf32>
      tpu.vector_store %arg8[%swap3A_630, %swap3A_631], %swap3A_634 {strides = array<i32>} : memref<32x1024xf32, #tpu.memory_space<vmem>>, vector<1x16xf32>,
      %get3A_635 = arith.index_cast %scan3A_34 : i32 to index
      %get3A_636 = arith.constant 688 : index
      %get3A_637 = tpu.vector_load %arg8[%get3A_635, %get3A_636] {strides = array<i32>} : memref<32x1024xf32, #tpu.memory_space<vmem>>, vector<1x16xf32>,
      %get3A_638 = vector.shape_cast %get3A_637 : vector<1x16xf32> to vector<16xf32>
      %get3A_639 = arith.index_cast %scan3A_34 : i32 to index
      %get3A_640 = arith.constant 688 : index
      %get3A_641 = tpu.vector_load %arg7[%get3A_639, %get3A_640] {strides = array<i32>} : memref<32x1024xf32, #tpu.memory_space<vmem>>, vector<1x16xf32>,
      %get3A_642 = vector.shape_cast %get3A_641 : vector<1x16xf32> to vector<16xf32>
      %add3A_643 = arith.addf %get3A_638, %get3A_642 : vector<16xf32>
      %swap3A_644 = arith.index_cast %scan3A_34 : i32 to index
      %swap3A_645 = arith.constant 688 : index
      %swap3A_646 = tpu.vector_load %arg8[%swap3A_644, %swap3A_645] {strides = array<i32>} : memref<32x1024xf32, #tpu.memory_space<vmem>>, vector<1x16xf32>,
      %swap3A_647 = vector.shape_cast %swap3A_646 : vector<1x16xf32> to vector<16xf32>
      %swap3A_648 = vector.shape_cast %add3A_643 : vector<16xf32> to vector<1x16xf32>
      tpu.vector_store %arg8[%swap3A_644, %swap3A_645], %swap3A_648 {strides = array<i32>} : memref<32x1024xf32, #tpu.memory_space<vmem>>, vector<1x16xf32>,
      %get3A_649 = arith.index_cast %scan3A_34 : i32 to index
      %get3A_650 = arith.constant 704 : index
      %get3A_651 = tpu.vector_load %arg8[%get3A_649, %get3A_650] {strides = array<i32>} : memref<32x1024xf32, #tpu.memory_space<vmem>>, vector<1x16xf32>,
      %get3A_652 = vector.shape_cast %get3A_651 : vector<1x16xf32> to vector<16xf32>
      %get3A_653 = arith.index_cast %scan3A_34 : i32 to index
      %get3A_654 = arith.constant 704 : index
      %get3A_655 = tpu.vector_load %arg7[%get3A_653, %get3A_654] {strides = array<i32>} : memref<32x1024xf32, #tpu.memory_space<vmem>>, vector<1x16xf32>,
      %get3A_656 = vector.shape_cast %get3A_655 : vector<1x16xf32> to vector<16xf32>
      %add3A_657 = arith.addf %get3A_652, %get3A_656 : vector<16xf32>
      %swap3A_658 = arith.index_cast %scan3A_34 : i32 to index
      %swap3A_659 = arith.constant 704 : index
      %swap3A_660 = tpu.vector_load %arg8[%swap3A_658, %swap3A_659] {strides = array<i32>} : memref<32x1024xf32, #tpu.memory_space<vmem>>, vector<1x16xf32>,
      %swap3A_661 = vector.shape_cast %swap3A_660 : vector<1x16xf32> to vector<16xf32>
      %swap3A_662 = vector.shape_cast %add3A_657 : vector<16xf32> to vector<1x16xf32>
      tpu.vector_store %arg8[%swap3A_658, %swap3A_659], %swap3A_662 {strides = array<i32>} : memref<32x1024xf32, #tpu.memory_space<vmem>>, vector<1x16xf32>,
      %get3A_663 = arith.index_cast %scan3A_34 : i32 to index
      %get3A_664 = arith.constant 720 : index
      %get3A_665 = tpu.vector_load %arg8[%get3A_663, %get3A_664] {strides = array<i32>} : memref<32x1024xf32, #tpu.memory_space<vmem>>, vector<1x16xf32>,
      %get3A_666 = vector.shape_cast %get3A_665 : vector<1x16xf32> to vector<16xf32>
      %get3A_667 = arith.index_cast %scan3A_34 : i32 to index
      %get3A_668 = arith.constant 720 : index
      %get3A_669 = tpu.vector_load %arg7[%get3A_667, %get3A_668] {strides = array<i32>} : memref<32x1024xf32, #tpu.memory_space<vmem>>, vector<1x16xf32>,
      %get3A_670 = vector.shape_cast %get3A_669 : vector<1x16xf32> to vector<16xf32>
      %add3A_671 = arith.addf %get3A_666, %get3A_670 : vector<16xf32>
      %swap3A_672 = arith.index_cast %scan3A_34 : i32 to index
      %swap3A_673 = arith.constant 720 : index
      %swap3A_674 = tpu.vector_load %arg8[%swap3A_672, %swap3A_673] {strides = array<i32>} : memref<32x1024xf32, #tpu.memory_space<vmem>>, vector<1x16xf32>,
      %swap3A_675 = vector.shape_cast %swap3A_674 : vector<1x16xf32> to vector<16xf32>
      %swap3A_676 = vector.shape_cast %add3A_671 : vector<16xf32> to vector<1x16xf32>
      tpu.vector_store %arg8[%swap3A_672, %swap3A_673], %swap3A_676 {strides = array<i32>} : memref<32x1024xf32, #tpu.memory_space<vmem>>, vector<1x16xf32>,
      %get3A_677 = arith.index_cast %scan3A_34 : i32 to index
      %get3A_678 = arith.constant 736 : index
      %get3A_679 = tpu.vector_load %arg8[%get3A_677, %get3A_678] {strides = array<i32>} : memref<32x1024xf32, #tpu.memory_space<vmem>>, vector<1x16xf32>,
      %get3A_680 = vector.shape_cast %get3A_679 : vector<1x16xf32> to vector<16xf32>
      %get3A_681 = arith.index_cast %scan3A_34 : i32 to index
      %get3A_682 = arith.constant 736 : index
      %get3A_683 = tpu.vector_load %arg7[%get3A_681, %get3A_682] {strides = array<i32>} : memref<32x1024xf32, #tpu.memory_space<vmem>>, vector<1x16xf32>,
      %get3A_684 = vector.shape_cast %get3A_683 : vector<1x16xf32> to vector<16xf32>
      %add3A_685 = arith.addf %get3A_680, %get3A_684 : vector<16xf32>
      %swap3A_686 = arith.index_cast %scan3A_34 : i32 to index
      %swap3A_687 = arith.constant 736 : index
      %swap3A_688 = tpu.vector_load %arg8[%swap3A_686, %swap3A_687] {strides = array<i32>} : memref<32x1024xf32, #tpu.memory_space<vmem>>, vector<1x16xf32>,
      %swap3A_689 = vector.shape_cast %swap3A_688 : vector<1x16xf32> to vector<16xf32>
      %swap3A_690 = vector.shape_cast %add3A_685 : vector<16xf32> to vector<1x16xf32>
      tpu.vector_store %arg8[%swap3A_686, %swap3A_687], %swap3A_690 {strides = array<i32>} : memref<32x1024xf32, #tpu.memory_space<vmem>>, vector<1x16xf32>,
      %get3A_691 = arith.index_cast %scan3A_34 : i32 to index
      %get3A_692 = arith.constant 752 : index
      %get3A_693 = tpu.vector_load %arg8[%get3A_691, %get3A_692] {strides = array<i32>} : memref<32x1024xf32, #tpu.memory_space<vmem>>, vector<1x16xf32>,
      %get3A_694 = vector.shape_cast %get3A_693 : vector<1x16xf32> to vector<16xf32>
      %get3A_695 = arith.index_cast %scan3A_34 : i32 to index
      %get3A_696 = arith.constant 752 : index
      %get3A_697 = tpu.vector_load %arg7[%get3A_695, %get3A_696] {strides = array<i32>} : memref<32x1024xf32, #tpu.memory_space<vmem>>, vector<1x16xf32>,
      %get3A_698 = vector.shape_cast %get3A_697 : vector<1x16xf32> to vector<16xf32>
      %add3A_699 = arith.addf %get3A_694, %get3A_698 : vector<16xf32>
      %swap3A_700 = arith.index_cast %scan3A_34 : i32 to index
      %swap3A_701 = arith.constant 752 : index
      %swap3A_702 = tpu.vector_load %arg8[%swap3A_700, %swap3A_701] {strides = array<i32>} : memref<32x1024xf32, #tpu.memory_space<vmem>>, vector<1x16xf32>,
      %swap3A_703 = vector.shape_cast %swap3A_702 : vector<1x16xf32> to vector<16xf32>
      %swap3A_704 = vector.shape_cast %add3A_699 : vector<16xf32> to vector<1x16xf32>
      tpu.vector_store %arg8[%swap3A_700, %swap3A_701], %swap3A_704 {strides = array<i32>} : memref<32x1024xf32, #tpu.memory_space<vmem>>, vector<1x16xf32>,
      %get3A_705 = arith.index_cast %scan3A_34 : i32 to index
      %get3A_706 = arith.constant 768 : index
      %get3A_707 = tpu.vector_load %arg8[%get3A_705, %get3A_706] {strides = array<i32>} : memref<32x1024xf32, #tpu.memory_space<vmem>>, vector<1x16xf32>,
      %get3A_708 = vector.shape_cast %get3A_707 : vector<1x16xf32> to vector<16xf32>
      %get3A_709 = arith.index_cast %scan3A_34 : i32 to index
      %get3A_710 = arith.constant 768 : index
      %get3A_711 = tpu.vector_load %arg7[%get3A_709, %get3A_710] {strides = array<i32>} : memref<32x1024xf32, #tpu.memory_space<vmem>>, vector<1x16xf32>,
      %get3A_712 = vector.shape_cast %get3A_711 : vector<1x16xf32> to vector<16xf32>
      %add3A_713 = arith.addf %get3A_708, %get3A_712 : vector<16xf32>
      %swap3A_714 = arith.index_cast %scan3A_34 : i32 to index
      %swap3A_715 = arith.constant 768 : index
      %swap3A_716 = tpu.vector_load %arg8[%swap3A_714, %swap3A_715] {strides = array<i32>} : memref<32x1024xf32, #tpu.memory_space<vmem>>, vector<1x16xf32>,
      %swap3A_717 = vector.shape_cast %swap3A_716 : vector<1x16xf32> to vector<16xf32>
      %swap3A_718 = vector.shape_cast %add3A_713 : vector<16xf32> to vector<1x16xf32>
      tpu.vector_store %arg8[%swap3A_714, %swap3A_715], %swap3A_718 {strides = array<i32>} : memref<32x1024xf32, #tpu.memory_space<vmem>>, vector<1x16xf32>,
      %get3A_719 = arith.index_cast %scan3A_34 : i32 to index
      %get3A_720 = arith.constant 784 : index
      %get3A_721 = tpu.vector_load %arg8[%get3A_719, %get3A_720] {strides = array<i32>} : memref<32x1024xf32, #tpu.memory_space<vmem>>, vector<1x16xf32>,
      %get3A_722 = vector.shape_cast %get3A_721 : vector<1x16xf32> to vector<16xf32>
      %get3A_723 = arith.index_cast %scan3A_34 : i32 to index
      %get3A_724 = arith.constant 784 : index
      %get3A_725 = tpu.vector_load %arg7[%get3A_723, %get3A_724] {strides = array<i32>} : memref<32x1024xf32, #tpu.memory_space<vmem>>, vector<1x16xf32>,
      %get3A_726 = vector.shape_cast %get3A_725 : vector<1x16xf32> to vector<16xf32>
      %add3A_727 = arith.addf %get3A_722, %get3A_726 : vector<16xf32>
      %swap3A_728 = arith.index_cast %scan3A_34 : i32 to index
      %swap3A_729 = arith.constant 784 : index
      %swap3A_730 = tpu.vector_load %arg8[%swap3A_728, %swap3A_729] {strides = array<i32>} : memref<32x1024xf32, #tpu.memory_space<vmem>>, vector<1x16xf32>,
      %swap3A_731 = vector.shape_cast %swap3A_730 : vector<1x16xf32> to vector<16xf32>
      %swap3A_732 = vector.shape_cast %add3A_727 : vector<16xf32> to vector<1x16xf32>
      tpu.vector_store %arg8[%swap3A_728, %swap3A_729], %swap3A_732 {strides = array<i32>} : memref<32x1024xf32, #tpu.memory_space<vmem>>, vector<1x16xf32>,
      %get3A_733 = arith.index_cast %scan3A_34 : i32 to index
      %get3A_734 = arith.constant 800 : index
      %get3A_735 = tpu.vector_load %arg8[%get3A_733, %get3A_734] {strides = array<i32>} : memref<32x1024xf32, #tpu.memory_space<vmem>>, vector<1x16xf32>,
      %get3A_736 = vector.shape_cast %get3A_735 : vector<1x16xf32> to vector<16xf32>
      %get3A_737 = arith.index_cast %scan3A_34 : i32 to index
      %get3A_738 = arith.constant 800 : index
      %get3A_739 = tpu.vector_load %arg7[%get3A_737, %get3A_738] {strides = array<i32>} : memref<32x1024xf32, #tpu.memory_space<vmem>>, vector<1x16xf32>,
      %get3A_740 = vector.shape_cast %get3A_739 : vector<1x16xf32> to vector<16xf32>
      %add3A_741 = arith.addf %get3A_736, %get3A_740 : vector<16xf32>
      %swap3A_742 = arith.index_cast %scan3A_34 : i32 to index
      %swap3A_743 = arith.constant 800 : index
      %swap3A_744 = tpu.vector_load %arg8[%swap3A_742, %swap3A_743] {strides = array<i32>} : memref<32x1024xf32, #tpu.memory_space<vmem>>, vector<1x16xf32>,
      %swap3A_745 = vector.shape_cast %swap3A_744 : vector<1x16xf32> to vector<16xf32>
      %swap3A_746 = vector.shape_cast %add3A_741 : vector<16xf32> to vector<1x16xf32>
      tpu.vector_store %arg8[%swap3A_742, %swap3A_743], %swap3A_746 {strides = array<i32>} : memref<32x1024xf32, #tpu.memory_space<vmem>>, vector<1x16xf32>,
      %get3A_747 = arith.index_cast %scan3A_34 : i32 to index
      %get3A_748 = arith.constant 816 : index
      %get3A_749 = tpu.vector_load %arg8[%get3A_747, %get3A_748] {strides = array<i32>} : memref<32x1024xf32, #tpu.memory_space<vmem>>, vector<1x16xf32>,
      %get3A_750 = vector.shape_cast %get3A_749 : vector<1x16xf32> to vector<16xf32>
      %get3A_751 = arith.index_cast %scan3A_34 : i32 to index
      %get3A_752 = arith.constant 816 : index
      %get3A_753 = tpu.vector_load %arg7[%get3A_751, %get3A_752] {strides = array<i32>} : memref<32x1024xf32, #tpu.memory_space<vmem>>, vector<1x16xf32>,
      %get3A_754 = vector.shape_cast %get3A_753 : vector<1x16xf32> to vector<16xf32>
      %add3A_755 = arith.addf %get3A_750, %get3A_754 : vector<16xf32>
      %swap3A_756 = arith.index_cast %scan3A_34 : i32 to index
      %swap3A_757 = arith.constant 816 : index
      %swap3A_758 = tpu.vector_load %arg8[%swap3A_756, %swap3A_757] {strides = array<i32>} : memref<32x1024xf32, #tpu.memory_space<vmem>>, vector<1x16xf32>,
      %swap3A_759 = vector.shape_cast %swap3A_758 : vector<1x16xf32> to vector<16xf32>
      %swap3A_760 = vector.shape_cast %add3A_755 : vector<16xf32> to vector<1x16xf32>
      tpu.vector_store %arg8[%swap3A_756, %swap3A_757], %swap3A_760 {strides = array<i32>} : memref<32x1024xf32, #tpu.memory_space<vmem>>, vector<1x16xf32>,
      %get3A_761 = arith.index_cast %scan3A_34 : i32 to index
      %get3A_762 = arith.constant 832 : index
      %get3A_763 = tpu.vector_load %arg8[%get3A_761, %get3A_762] {strides = array<i32>} : memref<32x1024xf32, #tpu.memory_space<vmem>>, vector<1x16xf32>,
      %get3A_764 = vector.shape_cast %get3A_763 : vector<1x16xf32> to vector<16xf32>
      %get3A_765 = arith.index_cast %scan3A_34 : i32 to index
      %get3A_766 = arith.constant 832 : index
      %get3A_767 = tpu.vector_load %arg7[%get3A_765, %get3A_766] {strides = array<i32>} : memref<32x1024xf32, #tpu.memory_space<vmem>>, vector<1x16xf32>,
      %get3A_768 = vector.shape_cast %get3A_767 : vector<1x16xf32> to vector<16xf32>
      %add3A_769 = arith.addf %get3A_764, %get3A_768 : vector<16xf32>
      %swap3A_770 = arith.index_cast %scan3A_34 : i32 to index
      %swap3A_771 = arith.constant 832 : index
      %swap3A_772 = tpu.vector_load %arg8[%swap3A_770, %swap3A_771] {strides = array<i32>} : memref<32x1024xf32, #tpu.memory_space<vmem>>, vector<1x16xf32>,
      %swap3A_773 = vector.shape_cast %swap3A_772 : vector<1x16xf32> to vector<16xf32>
      %swap3A_774 = vector.shape_cast %add3A_769 : vector<16xf32> to vector<1x16xf32>
      tpu.vector_store %arg8[%swap3A_770, %swap3A_771], %swap3A_774 {strides = array<i32>} : memref<32x1024xf32, #tpu.memory_space<vmem>>, vector<1x16xf32>,
      %get3A_775 = arith.index_cast %scan3A_34 : i32 to index
      %get3A_776 = arith.constant 848 : index
      %get3A_777 = tpu.vector_load %arg8[%get3A_775, %get3A_776] {strides = array<i32>} : memref<32x1024xf32, #tpu.memory_space<vmem>>, vector<1x16xf32>,
      %get3A_778 = vector.shape_cast %get3A_777 : vector<1x16xf32> to vector<16xf32>
      %get3A_779 = arith.index_cast %scan3A_34 : i32 to index
      %get3A_780 = arith.constant 848 : index
      %get3A_781 = tpu.vector_load %arg7[%get3A_779, %get3A_780] {strides = array<i32>} : memref<32x1024xf32, #tpu.memory_space<vmem>>, vector<1x16xf32>,
      %get3A_782 = vector.shape_cast %get3A_781 : vector<1x16xf32> to vector<16xf32>
      %add3A_783 = arith.addf %get3A_778, %get3A_782 : vector<16xf32>
      %swap3A_784 = arith.index_cast %scan3A_34 : i32 to index
      %swap3A_785 = arith.constant 848 : index
      %swap3A_786 = tpu.vector_load %arg8[%swap3A_784, %swap3A_785] {strides = array<i32>} : memref<32x1024xf32, #tpu.memory_space<vmem>>, vector<1x16xf32>,
      %swap3A_787 = vector.shape_cast %swap3A_786 : vector<1x16xf32> to vector<16xf32>
      %swap3A_788 = vector.shape_cast %add3A_783 : vector<16xf32> to vector<1x16xf32>
      tpu.vector_store %arg8[%swap3A_784, %swap3A_785], %swap3A_788 {strides = array<i32>} : memref<32x1024xf32, #tpu.memory_space<vmem>>, vector<1x16xf32>,
      %get3A_789 = arith.index_cast %scan3A_34 : i32 to index
      %get3A_790 = arith.constant 864 : index
      %get3A_791 = tpu.vector_load %arg8[%get3A_789, %get3A_790] {strides = array<i32>} : memref<32x1024xf32, #tpu.memory_space<vmem>>, vector<1x16xf32>,
      %get3A_792 = vector.shape_cast %get3A_791 : vector<1x16xf32> to vector<16xf32>
      %get3A_793 = arith.index_cast %scan3A_34 : i32 to index
      %get3A_794 = arith.constant 864 : index
      %get3A_795 = tpu.vector_load %arg7[%get3A_793, %get3A_794] {strides = array<i32>} : memref<32x1024xf32, #tpu.memory_space<vmem>>, vector<1x16xf32>,
      %get3A_796 = vector.shape_cast %get3A_795 : vector<1x16xf32> to vector<16xf32>
      %add3A_797 = arith.addf %get3A_792, %get3A_796 : vector<16xf32>
      %swap3A_798 = arith.index_cast %scan3A_34 : i32 to index
      %swap3A_799 = arith.constant 864 : index
      %swap3A_800 = tpu.vector_load %arg8[%swap3A_798, %swap3A_799] {strides = array<i32>} : memref<32x1024xf32, #tpu.memory_space<vmem>>, vector<1x16xf32>,
      %swap3A_801 = vector.shape_cast %swap3A_800 : vector<1x16xf32> to vector<16xf32>
      %swap3A_802 = vector.shape_cast %add3A_797 : vector<16xf32> to vector<1x16xf32>
      tpu.vector_store %arg8[%swap3A_798, %swap3A_799], %swap3A_802 {strides = array<i32>} : memref<32x1024xf32, #tpu.memory_space<vmem>>, vector<1x16xf32>,
      %get3A_803 = arith.index_cast %scan3A_34 : i32 to index
      %get3A_804 = arith.constant 880 : index
      %get3A_805 = tpu.vector_load %arg8[%get3A_803, %get3A_804] {strides = array<i32>} : memref<32x1024xf32, #tpu.memory_space<vmem>>, vector<1x16xf32>,
      %get3A_806 = vector.shape_cast %get3A_805 : vector<1x16xf32> to vector<16xf32>
      %get3A_807 = arith.index_cast %scan3A_34 : i32 to index
      %get3A_808 = arith.constant 880 : index
      %get3A_809 = tpu.vector_load %arg7[%get3A_807, %get3A_808] {strides = array<i32>} : memref<32x1024xf32, #tpu.memory_space<vmem>>, vector<1x16xf32>,
      %get3A_810 = vector.shape_cast %get3A_809 : vector<1x16xf32> to vector<16xf32>
      %add3A_811 = arith.addf %get3A_806, %get3A_810 : vector<16xf32>
      %swap3A_812 = arith.index_cast %scan3A_34 : i32 to index
      %swap3A_813 = arith.constant 880 : index
      %swap3A_814 = tpu.vector_load %arg8[%swap3A_812, %swap3A_813] {strides = array<i32>} : memref<32x1024xf32, #tpu.memory_space<vmem>>, vector<1x16xf32>,
      %swap3A_815 = vector.shape_cast %swap3A_814 : vector<1x16xf32> to vector<16xf32>
      %swap3A_816 = vector.shape_cast %add3A_811 : vector<16xf32> to vector<1x16xf32>
      tpu.vector_store %arg8[%swap3A_812, %swap3A_813], %swap3A_816 {strides = array<i32>} : memref<32x1024xf32, #tpu.memory_space<vmem>>, vector<1x16xf32>,
      %get3A_817 = arith.index_cast %scan3A_34 : i32 to index
      %get3A_818 = arith.constant 896 : index
      %get3A_819 = tpu.vector_load %arg8[%get3A_817, %get3A_818] {strides = array<i32>} : memref<32x1024xf32, #tpu.memory_space<vmem>>, vector<1x16xf32>,
      %get3A_820 = vector.shape_cast %get3A_819 : vector<1x16xf32> to vector<16xf32>
      %get3A_821 = arith.index_cast %scan3A_34 : i32 to index
      %get3A_822 = arith.constant 896 : index
      %get3A_823 = tpu.vector_load %arg7[%get3A_821, %get3A_822] {strides = array<i32>} : memref<32x1024xf32, #tpu.memory_space<vmem>>, vector<1x16xf32>,
      %get3A_824 = vector.shape_cast %get3A_823 : vector<1x16xf32> to vector<16xf32>
      %add3A_825 = arith.addf %get3A_820, %get3A_824 : vector<16xf32>
      %swap3A_826 = arith.index_cast %scan3A_34 : i32 to index
      %swap3A_827 = arith.constant 896 : index
      %swap3A_828 = tpu.vector_load %arg8[%swap3A_826, %swap3A_827] {strides = array<i32>} : memref<32x1024xf32, #tpu.memory_space<vmem>>, vector<1x16xf32>,
      %swap3A_829 = vector.shape_cast %swap3A_828 : vector<1x16xf32> to vector<16xf32>
      %swap3A_830 = vector.shape_cast %add3A_825 : vector<16xf32> to vector<1x16xf32>
      tpu.vector_store %arg8[%swap3A_826, %swap3A_827], %swap3A_830 {strides = array<i32>} : memref<32x1024xf32, #tpu.memory_space<vmem>>, vector<1x16xf32>,
      %get3A_831 = arith.index_cast %scan3A_34 : i32 to index
      %get3A_832 = arith.constant 912 : index
      %get3A_833 = tpu.vector_load %arg8[%get3A_831, %get3A_832] {strides = array<i32>} : memref<32x1024xf32, #tpu.memory_space<vmem>>, vector<1x16xf32>,
      %get3A_834 = vector.shape_cast %get3A_833 : vector<1x16xf32> to vector<16xf32>
      %get3A_835 = arith.index_cast %scan3A_34 : i32 to index
      %get3A_836 = arith.constant 912 : index
      %get3A_837 = tpu.vector_load %arg7[%get3A_835, %get3A_836] {strides = array<i32>} : memref<32x1024xf32, #tpu.memory_space<vmem>>, vector<1x16xf32>,
      %get3A_838 = vector.shape_cast %get3A_837 : vector<1x16xf32> to vector<16xf32>
      %add3A_839 = arith.addf %get3A_834, %get3A_838 : vector<16xf32>
      %swap3A_840 = arith.index_cast %scan3A_34 : i32 to index
      %swap3A_841 = arith.constant 912 : index
      %swap3A_842 = tpu.vector_load %arg8[%swap3A_840, %swap3A_841] {strides = array<i32>} : memref<32x1024xf32, #tpu.memory_space<vmem>>, vector<1x16xf32>,
      %swap3A_843 = vector.shape_cast %swap3A_842 : vector<1x16xf32> to vector<16xf32>
      %swap3A_844 = vector.shape_cast %add3A_839 : vector<16xf32> to vector<1x16xf32>
      tpu.vector_store %arg8[%swap3A_840, %swap3A_841], %swap3A_844 {strides = array<i32>} : memref<32x1024xf32, #tpu.memory_space<vmem>>, vector<1x16xf32>,
      %get3A_845 = arith.index_cast %scan3A_34 : i32 to index
      %get3A_846 = arith.constant 928 : index
      %get3A_847 = tpu.vector_load %arg8[%get3A_845, %get3A_846] {strides = array<i32>} : memref<32x1024xf32, #tpu.memory_space<vmem>>, vector<1x16xf32>,
      %get3A_848 = vector.shape_cast %get3A_847 : vector<1x16xf32> to vector<16xf32>
      %get3A_849 = arith.index_cast %scan3A_34 : i32 to index
      %get3A_850 = arith.constant 928 : index
      %get3A_851 = tpu.vector_load %arg7[%get3A_849, %get3A_850] {strides = array<i32>} : memref<32x1024xf32, #tpu.memory_space<vmem>>, vector<1x16xf32>,
      %get3A_852 = vector.shape_cast %get3A_851 : vector<1x16xf32> to vector<16xf32>
      %add3A_853 = arith.addf %get3A_848, %get3A_852 : vector<16xf32>
      %swap3A_854 = arith.index_cast %scan3A_34 : i32 to index
      %swap3A_855 = arith.constant 928 : index
      %swap3A_856 = tpu.vector_load %arg8[%swap3A_854, %swap3A_855] {strides = array<i32>} : memref<32x1024xf32, #tpu.memory_space<vmem>>, vector<1x16xf32>,
      %swap3A_857 = vector.shape_cast %swap3A_856 : vector<1x16xf32> to vector<16xf32>
      %swap3A_858 = vector.shape_cast %add3A_853 : vector<16xf32> to vector<1x16xf32>
      tpu.vector_store %arg8[%swap3A_854, %swap3A_855], %swap3A_858 {strides = array<i32>} : memref<32x1024xf32, #tpu.memory_space<vmem>>, vector<1x16xf32>,
      %get3A_859 = arith.index_cast %scan3A_34 : i32 to index
      %get3A_860 = arith.constant 944 : index
      %get3A_861 = tpu.vector_load %arg8[%get3A_859, %get3A_860] {strides = array<i32>} : memref<32x1024xf32, #tpu.memory_space<vmem>>, vector<1x16xf32>,
      %get3A_862 = vector.shape_cast %get3A_861 : vector<1x16xf32> to vector<16xf32>
      %get3A_863 = arith.index_cast %scan3A_34 : i32 to index
      %get3A_864 = arith.constant 944 : index
      %get3A_865 = tpu.vector_load %arg7[%get3A_863, %get3A_864] {strides = array<i32>} : memref<32x1024xf32, #tpu.memory_space<vmem>>, vector<1x16xf32>,
      %get3A_866 = vector.shape_cast %get3A_865 : vector<1x16xf32> to vector<16xf32>
      %add3A_867 = arith.addf %get3A_862, %get3A_866 : vector<16xf32>
      %swap3A_868 = arith.index_cast %scan3A_34 : i32 to index
      %swap3A_869 = arith.constant 944 : index
      %swap3A_870 = tpu.vector_load %arg8[%swap3A_868, %swap3A_869] {strides = array<i32>} : memref<32x1024xf32, #tpu.memory_space<vmem>>, vector<1x16xf32>,
      %swap3A_871 = vector.shape_cast %swap3A_870 : vector<1x16xf32> to vector<16xf32>
      %swap3A_872 = vector.shape_cast %add3A_867 : vector<16xf32> to vector<1x16xf32>
      tpu.vector_store %arg8[%swap3A_868, %swap3A_869], %swap3A_872 {strides = array<i32>} : memref<32x1024xf32, #tpu.memory_space<vmem>>, vector<1x16xf32>,
      %get3A_873 = arith.index_cast %scan3A_34 : i32 to index
      %get3A_874 = arith.constant 960 : index
      %get3A_875 = tpu.vector_load %arg8[%get3A_873, %get3A_874] {strides = array<i32>} : memref<32x1024xf32, #tpu.memory_space<vmem>>, vector<1x16xf32>,
      %get3A_876 = vector.shape_cast %get3A_875 : vector<1x16xf32> to vector<16xf32>
      %get3A_877 = arith.index_cast %scan3A_34 : i32 to index
      %get3A_878 = arith.constant 960 : index
      %get3A_879 = tpu.vector_load %arg7[%get3A_877, %get3A_878] {strides = array<i32>} : memref<32x1024xf32, #tpu.memory_space<vmem>>, vector<1x16xf32>,
      %get3A_880 = vector.shape_cast %get3A_879 : vector<1x16xf32> to vector<16xf32>
      %add3A_881 = arith.addf %get3A_876, %get3A_880 : vector<16xf32>
      %swap3A_882 = arith.index_cast %scan3A_34 : i32 to index
      %swap3A_883 = arith.constant 960 : index
      %swap3A_884 = tpu.vector_load %arg8[%swap3A_882, %swap3A_883] {strides = array<i32>} : memref<32x1024xf32, #tpu.memory_space<vmem>>, vector<1x16xf32>,
      %swap3A_885 = vector.shape_cast %swap3A_884 : vector<1x16xf32> to vector<16xf32>
      %swap3A_886 = vector.shape_cast %add3A_881 : vector<16xf32> to vector<1x16xf32>
      tpu.vector_store %arg8[%swap3A_882, %swap3A_883], %swap3A_886 {strides = array<i32>} : memref<32x1024xf32, #tpu.memory_space<vmem>>, vector<1x16xf32>,
      %get3A_887 = arith.index_cast %scan3A_34 : i32 to index
      %get3A_888 = arith.constant 976 : index
      %get3A_889 = tpu.vector_load %arg8[%get3A_887, %get3A_888] {strides = array<i32>} : memref<32x1024xf32, #tpu.memory_space<vmem>>, vector<1x16xf32>,
      %get3A_890 = vector.shape_cast %get3A_889 : vector<1x16xf32> to vector<16xf32>
      %get3A_891 = arith.index_cast %scan3A_34 : i32 to index
      %get3A_892 = arith.constant 976 : index
      %get3A_893 = tpu.vector_load %arg7[%get3A_891, %get3A_892] {strides = array<i32>} : memref<32x1024xf32, #tpu.memory_space<vmem>>, vector<1x16xf32>,
      %get3A_894 = vector.shape_cast %get3A_893 : vector<1x16xf32> to vector<16xf32>
      %add3A_895 = arith.addf %get3A_890, %get3A_894 : vector<16xf32>
      %swap3A_896 = arith.index_cast %scan3A_34 : i32 to index
      %swap3A_897 = arith.constant 976 : index
      %swap3A_898 = tpu.vector_load %arg8[%swap3A_896, %swap3A_897] {strides = array<i32>} : memref<32x1024xf32, #tpu.memory_space<vmem>>, vector<1x16xf32>,
      %swap3A_899 = vector.shape_cast %swap3A_898 : vector<1x16xf32> to vector<16xf32>
      %swap3A_900 = vector.shape_cast %add3A_895 : vector<16xf32> to vector<1x16xf32>
      tpu.vector_store %arg8[%swap3A_896, %swap3A_897], %swap3A_900 {strides = array<i32>} : memref<32x1024xf32, #tpu.memory_space<vmem>>, vector<1x16xf32>,
      %get3A_901 = arith.index_cast %scan3A_34 : i32 to index
      %get3A_902 = arith.constant 992 : index
      %get3A_903 = tpu.vector_load %arg8[%get3A_901, %get3A_902] {strides = array<i32>} : memref<32x1024xf32, #tpu.memory_space<vmem>>, vector<1x16xf32>,
      %get3A_904 = vector.shape_cast %get3A_903 : vector<1x16xf32> to vector<16xf32>
      %get3A_905 = arith.index_cast %scan3A_34 : i32 to index
      %get3A_906 = arith.constant 992 : index
      %get3A_907 = tpu.vector_load %arg7[%get3A_905, %get3A_906] {strides = array<i32>} : memref<32x1024xf32, #tpu.memory_space<vmem>>, vector<1x16xf32>,
      %get3A_908 = vector.shape_cast %get3A_907 : vector<1x16xf32> to vector<16xf32>
      %add3A_909 = arith.addf %get3A_904, %get3A_908 : vector<16xf32>
      %swap3A_910 = arith.index_cast %scan3A_34 : i32 to index
      %swap3A_911 = arith.constant 992 : index
      %swap3A_912 = tpu.vector_load %arg8[%swap3A_910, %swap3A_911] {strides = array<i32>} : memref<32x1024xf32, #tpu.memory_space<vmem>>, vector<1x16xf32>,
      %swap3A_913 = vector.shape_cast %swap3A_912 : vector<1x16xf32> to vector<16xf32>
      %swap3A_914 = vector.shape_cast %add3A_909 : vector<16xf32> to vector<1x16xf32>
      tpu.vector_store %arg8[%swap3A_910, %swap3A_911], %swap3A_914 {strides = array<i32>} : memref<32x1024xf32, #tpu.memory_space<vmem>>, vector<1x16xf32>,
      %get3A_915 = arith.index_cast %scan3A_34 : i32 to index
      %get3A_916 = arith.constant 1008 : index
      %get3A_917 = tpu.vector_load %arg8[%get3A_915, %get3A_916] {strides = array<i32>} : memref<32x1024xf32, #tpu.memory_space<vmem>>, vector<1x16xf32>,
      %get3A_918 = vector.shape_cast %get3A_917 : vector<1x16xf32> to vector<16xf32>
      %get3A_919 = arith.index_cast %scan3A_34 : i32 to index
      %get3A_920 = arith.constant 1008 : index
      %get3A_921 = tpu.vector_load %arg7[%get3A_919, %get3A_920] {strides = array<i32>} : memref<32x1024xf32, #tpu.memory_space<vmem>>, vector<1x16xf32>,
      %get3A_922 = vector.shape_cast %get3A_921 : vector<1x16xf32> to vector<16xf32>
      %add3A_923 = arith.addf %get3A_918, %get3A_922 : vector<16xf32>
      %swap3A_924 = arith.index_cast %scan3A_34 : i32 to index
      %swap3A_925 = arith.constant 1008 : index
      %swap3A_926 = tpu.vector_load %arg8[%swap3A_924, %swap3A_925] {strides = array<i32>} : memref<32x1024xf32, #tpu.memory_space<vmem>>, vector<1x16xf32>,
      %swap3A_927 = vector.shape_cast %swap3A_926 : vector<1x16xf32> to vector<16xf32>
      %swap3A_928 = vector.shape_cast %add3A_923 : vector<16xf32> to vector<1x16xf32>
      tpu.vector_store %arg8[%swap3A_924, %swap3A_925], %swap3A_928 {strides = array<i32>} : memref<32x1024xf32, #tpu.memory_space<vmem>>, vector<1x16xf32>,
    }
    %scan3A_33 = arith.constant 32 : i32
    "tpu.region"() ({
      %run_scoped3A = tpu.sem_alloc : memref<!tpu.dma_semaphore, #tpu.memory_space<semaphore_mem>>
      %dma_start3A_34 = arith.constant 0 : i32
      %dma_start3A_35 = tpu.memref_slice %arg5[%add3A_21, %dma_start3A_34] : memref<2048x1024xf32, #tpu.memory_space<hbm>> -> memref<32x1024xf32, #tpu.memory_space<hbm>>
      %dma_start3A_36 = arith.constant 0 : i32
      %dma_start3A_37 = tpu.memref_slice %arg5[%add3A_21, %dma_start3A_36] : memref<2048x1024xf32, #tpu.memory_space<hbm>> -> memref<32x1024xf32, #tpu.memory_space<hbm>>
      tpu.enqueue_dma source(%arg8 : memref<32x1024xf32, #tpu.memory_space<vmem>>) target(%dma_start3A_37 : memref<32x1024xf32, #tpu.memory_space<hbm>>) target_semaphore(%run_scoped3A : memref<!tpu.dma_semaphore, #tpu.memory_space<semaphore_mem>>)
      %dma_wait3A_38 = arith.constant 0 : i32
      %dma_wait3A_39 = tpu.memref_slice %arg5[%add3A_21, %dma_wait3A_38] : memref<2048x1024xf32, #tpu.memory_space<hbm>> -> memref<32x1024xf32, #tpu.memory_space<hbm>>
      %dma_wait3A_40 = arith.constant 0 : i32
      %dma_wait3A_41 = tpu.memref_slice %arg5[%add3A_21, %dma_wait3A_40] : memref<2048x1024xf32, #tpu.memory_space<hbm>> -> memref<32x1024xf32, #tpu.memory_space<hbm>>
      tpu.wait_dma2 semaphore(%run_scoped3A : memref<!tpu.dma_semaphore, #tpu.memory_space<semaphore_mem>>) src(%arg8 : memref<32x1024xf32, #tpu.memory_space<vmem>>) dst(%dma_wait3A_41 : memref<32x1024xf32, #tpu.memory_space<hbm>>)
      tpu.yield
    }) : () -> ()
    return
  }
}

#map = affine_map<(d0, d1) -> (0, 0)>
#map1 = affine_map<(d0, d1) -> (0)>
module attributes {stable_mosaic.version = 14 : i64} {
  func.func @_sc_permute(%arg0: i32, %arg1: i32, %arg2: memref<2048x1024xf32, #tpu.memory_space<hbm>>, %arg3: memref<2048xi32, #tpu.memory_space<hbm>>, %arg4: memref<2048x1024xf32, #tpu.memory_space<hbm>>, %arg5: memref<64xi32, #tpu.memory_space<vmem>>, %arg6: memref<64x1024xf32, #tpu.memory_space<vmem>>, %arg7: memref<!tpu.dma_semaphore, #tpu.memory_space<semaphore_mem>>) attributes {dimension_semantics = [#tpu.dimension_semantics<core_parallel>, #tpu.dimension_semantics<subcore_parallel>], iteration_bounds = array<i64: 2, 16>, scalar_prefetch = 0 : i64, scratch_operands = 3 : i64, tpu.core_type = #tpu.core_type<sc_vector_subcore>, window_params = [{transform_indices = #map}, {transform_indices = #map1}, {transform_indices = #map}]} {
    %mul3A = arith.constant 2 : i32
    %mul3A_0 = arith.muli %arg1, %mul3A : i32
    %add3A = arith.addi %mul3A_0, %arg0 : i32
    %mul3A_1 = arith.constant 64 : i32
    %mul3A_2 = arith.muli %add3A, %mul3A_1 : i32
    "tpu.region"() ({
      %run_scoped3A = tpu.sem_alloc : memref<!tpu.dma_semaphore, #tpu.memory_space<semaphore_mem>>
      %dma_start3A_7 = tpu.memref_slice %arg3[%mul3A_2] : memref<2048xi32, #tpu.memory_space<hbm>> -> memref<64xi32, #tpu.memory_space<hbm>>
      %dma_start3A_8 = tpu.memref_slice %arg3[%mul3A_2] : memref<2048xi32, #tpu.memory_space<hbm>> -> memref<64xi32, #tpu.memory_space<hbm>>
      tpu.enqueue_dma source(%dma_start3A_8 : memref<64xi32, #tpu.memory_space<hbm>>) target(%arg5 : memref<64xi32, #tpu.memory_space<vmem>>) target_semaphore(%run_scoped3A : memref<!tpu.dma_semaphore, #tpu.memory_space<semaphore_mem>>)
      %dma_wait3A_9 = tpu.memref_slice %arg3[%mul3A_2] : memref<2048xi32, #tpu.memory_space<hbm>> -> memref<64xi32, #tpu.memory_space<hbm>>
      %dma_wait3A_10 = tpu.memref_slice %arg3[%mul3A_2] : memref<2048xi32, #tpu.memory_space<hbm>> -> memref<64xi32, #tpu.memory_space<hbm>>
      tpu.wait_dma2 semaphore(%run_scoped3A : memref<!tpu.dma_semaphore, #tpu.memory_space<semaphore_mem>>) src(%dma_wait3A_10 : memref<64xi32, #tpu.memory_space<hbm>>) dst(%arg5 : memref<64xi32, #tpu.memory_space<vmem>>)
      tpu.yield
    }) : () -> ()
    "tpu.region"() ({
      %run_scoped3A = tpu.sem_alloc : memref<!tpu.dma_semaphore, #tpu.memory_space<semaphore_mem>>
      %dma_start3A_7 = arith.constant 0 : i32
      %dma_start3A_8 = tpu.memref_slice %arg2[%mul3A_2, %dma_start3A_7] : memref<2048x1024xf32, #tpu.memory_space<hbm>> -> memref<64x1024xf32, #tpu.memory_space<hbm>>
      %dma_start3A_9 = arith.constant 0 : i32
      %dma_start3A_10 = tpu.memref_slice %arg2[%mul3A_2, %dma_start3A_9] : memref<2048x1024xf32, #tpu.memory_space<hbm>> -> memref<64x1024xf32, #tpu.memory_space<hbm>>
      tpu.enqueue_dma source(%dma_start3A_10 : memref<64x1024xf32, #tpu.memory_space<hbm>>) target(%arg6 : memref<64x1024xf32, #tpu.memory_space<vmem>>) target_semaphore(%run_scoped3A : memref<!tpu.dma_semaphore, #tpu.memory_space<semaphore_mem>>)
      %dma_wait3A_11 = arith.constant 0 : i32
      %dma_wait3A_12 = tpu.memref_slice %arg2[%mul3A_2, %dma_wait3A_11] : memref<2048x1024xf32, #tpu.memory_space<hbm>> -> memref<64x1024xf32, #tpu.memory_space<hbm>>
      %dma_wait3A_13 = arith.constant 0 : i32
      %dma_wait3A_14 = tpu.memref_slice %arg2[%mul3A_2, %dma_wait3A_13] : memref<2048x1024xf32, #tpu.memory_space<hbm>> -> memref<64x1024xf32, #tpu.memory_space<hbm>>
      tpu.wait_dma2 semaphore(%run_scoped3A : memref<!tpu.dma_semaphore, #tpu.memory_space<semaphore_mem>>) src(%dma_wait3A_14 : memref<64x1024xf32, #tpu.memory_space<hbm>>) dst(%arg6 : memref<64x1024xf32, #tpu.memory_space<vmem>>)
      tpu.yield
    }) : () -> ()
    %dma_start3A = arith.constant 0 : i32
    %dma_start3A_3 = arith.constant 0 : i32
    %dma_start3A_4 = tpu.memref_slice %arg4[%dma_start3A, %dma_start3A_3] : memref<2048x1024xf32, #tpu.memory_space<hbm>> -> memref<2048x1024xf32, #tpu.memory_space<hbm>>
    tpu.enqueue_indirect_dma source(%arg6 : memref<64x1024xf32, #tpu.memory_space<vmem>>) target(%dma_start3A_4 : memref<2048x1024xf32, #tpu.memory_space<hbm>>) offsets(%arg5 : memref<64xi32, #tpu.memory_space<vmem>>) semaphore(%arg7 : memref<!tpu.dma_semaphore, #tpu.memory_space<semaphore_mem>>)
    %dma_wait3A = arith.constant 0 : i32
    %dma_wait3A_5 = arith.constant 0 : i32
    %dma_wait3A_6 = tpu.memref_slice %arg4[%dma_wait3A, %dma_wait3A_5] : memref<2048x1024xf32, #tpu.memory_space<hbm>> -> memref<2048x1024xf32, #tpu.memory_space<hbm>>
    tpu.wait_indirect_dma semaphore(%arg7 : memref<!tpu.dma_semaphore, #tpu.memory_space<semaphore_mem>>) src(%arg6 : memref<64x1024xf32, #tpu.memory_space<vmem>>) dst(%dma_wait3A_6 : memref<2048x1024xf32, #tpu.memory_space<hbm>>)
    return
  }
}

module attributes {stable_mosaic.version = 14 : i64} {
  func.func @_pos_body(%arg0: i32, %arg1: memref<16x128xi32, #tpu.memory_space<vmem>>, %arg2: memref<16x128xi32, #tpu.memory_space<vmem>>, %arg3: memref<128x1xi32, #tpu.memory_space<vmem>>) attributes {dimension_semantics = [#tpu.dimension_semantics<arbitrary>], iteration_bounds = array<i64: 1>, scalar_prefetch = 0 : i64, scratch_operands = 0 : i64, tpu.core_type = #tpu.core_type<tc>, window_params = [{pipeline_mode = #tpu.pipeline_mode<synchronous>, transform_indices = @transform_0, window_bounds = array<i64: 16, 128>}, {pipeline_mode = #tpu.pipeline_mode<synchronous>, transform_indices = @transform_1, window_bounds = array<i64: 16, 128>}, {pipeline_mode = #tpu.pipeline_mode<synchronous>, transform_indices = @transform_2, window_bounds = array<i64: 128, 1>}]} {
    %get3A = arith.constant 0 : index
    %get3A_0 = arith.constant 0 : index
    %get3A_1 = vector.load %arg1[%get3A, %get3A_0] : memref<16x128xi32, #tpu.memory_space<vmem>>, vector<16x128xi32>
    %concatenate3A = tpu.concatenate %get3A_1, %get3A_1, %get3A_1, %get3A_1, %get3A_1, %get3A_1, %get3A_1, %get3A_1 in 0 : vector<16x128xi32>, vector<16x128xi32>, vector<16x128xi32>, vector<16x128xi32>, vector<16x128xi32>, vector<16x128xi32>, vector<16x128xi32>, vector<16x128xi32> -> vector<128x128xi32>
    %iota3A = tpu.iota {dimensions = array<i32: 0>} : vector<128x128xi32>
    %jit3A = arith.constant 16 : i32
    %div3A = vector.broadcast %jit3A : i32 to vector<128x128xi32>
    %div3A_2 = arith.divsi %iota3A, %div3A : vector<128x128xi32>
    %sign3A = arith.constant 0 : i32
    %sign3A_3 = vector.broadcast %sign3A : i32 to vector<128x128xi32>
    %sign3A_4 = arith.cmpi sgt, %iota3A, %sign3A_3 : vector<128x128xi32>
    %sign3A_5 = arith.extui %sign3A_4 : vector<128x128xi1> to vector<128x128xi32>
    %sign3A_6 = arith.constant 0 : i32
    %sign3A_7 = vector.broadcast %sign3A_6 : i32 to vector<128x128xi32>
    %sign3A_8 = arith.cmpi slt, %iota3A, %sign3A_7 : vector<128x128xi32>
    %sign3A_9 = arith.extui %sign3A_8 : vector<128x128xi1> to vector<128x128xi32>
    %sign3A_10 = arith.subi %sign3A_5, %sign3A_9 : vector<128x128xi32>
    %sign3A_11 = arith.constant 0 : i32
    %sign3A_12 = arith.cmpi sgt, %jit3A, %sign3A_11 : i32
    %sign3A_13 = arith.extui %sign3A_12 : i1 to i32
    %sign3A_14 = arith.constant 0 : i32
    %sign3A_15 = arith.cmpi slt, %jit3A, %sign3A_14 : i32
    %sign3A_16 = arith.extui %sign3A_15 : i1 to i32
    %sign3A_17 = arith.subi %sign3A_13, %sign3A_16 : i32
    %ne3A = vector.broadcast %sign3A_17 : i32 to vector<128x128xi32>
    %ne3A_18 = arith.cmpi ne, %sign3A_10, %ne3A : vector<128x128xi32>
    %rem3A = vector.broadcast %jit3A : i32 to vector<128x128xi32>
    %rem3A_19 = arith.remsi %iota3A, %rem3A : vector<128x128xi32>
    %ne3A_20 = arith.constant 0 : i32
    %ne3A_21 = vector.broadcast %ne3A_20 : i32 to vector<128x128xi32>
    %ne3A_22 = arith.cmpi ne, %rem3A_19, %ne3A_21 : vector<128x128xi32>
    %and3A = arith.andi %ne3A_18, %ne3A_22 : vector<128x128xi1>
    %sub3A = arith.constant 1 : i32
    %sub3A_23 = vector.broadcast %sub3A : i32 to vector<128x128xi32>
    %sub3A_24 = arith.subi %div3A_2, %sub3A_23 : vector<128x128xi32>
    %select_n3A = arith.select %and3A, %sub3A_24, %div3A_2 : vector<128x128xi1>, vector<128x128xi32>
    %eq3A = arith.cmpi eq, %concatenate3A, %select_n3A : vector<128x128xi32>
    %convert_element_type3A = arith.extui %eq3A : vector<128x128xi1> to vector<128x128xi32>
    %convert_element_type3A_25 = arith.sitofp %convert_element_type3A : vector<128x128xi32> to vector<128x128xf32>
    %convert_element_type3A_26 = arith.truncf %convert_element_type3A_25 : vector<128x128xf32> to vector<128x128xbf16>
    %iota3A_27 = tpu.iota {dimensions = array<i32: 0>} : vector<128x128xi32>
    %iota3A_28 = tpu.iota {dimensions = array<i32: 1>} : vector<128x128xi32>
    %le3A = arith.cmpi sle, %iota3A_27, %iota3A_28 : vector<128x128xi32>
    %convert_element_type3A_29 = arith.extui %le3A : vector<128x128xi1> to vector<128x128xi32>
    %convert_element_type3A_30 = arith.sitofp %convert_element_type3A_29 : vector<128x128xi32> to vector<128x128xf32>
    %convert_element_type3A_31 = arith.truncf %convert_element_type3A_30 : vector<128x128xf32> to vector<128x128xbf16>
    %dot_general3A = arith.constant dense<0.000000e+00> : vector<128x128xf32>
    %dot_general3A_32 = tpu.matmul %convert_element_type3A_26, %convert_element_type3A_31, %dot_general3A {dimension_numbers = #tpu.dot_dimension_numbers<[1], [0], [0], [1], [0, 0, 1, 1], [], []>, transpose_lhs_hint = false} : vector<128x128xbf16>, vector<128x128xbf16>, vector<128x128xf32> -> vector<128x128xf32>
    %slice3A = vector.extract_strided_slice %dot_general3A_32 {offsets = [0, 127], sizes = [128, 1], strides = [1, 1]} : vector<128x128xf32> to vector<128x1xf32>
    %iota3A_33 = tpu.iota {dimensions = array<i32: 0>} : vector<128x128xi32>
    %iota3A_34 = tpu.iota {dimensions = array<i32: 1>} : vector<128x128xi32>
    %jit3A_35 = arith.constant 16 : i32
    %div3A_36 = vector.broadcast %jit3A_35 : i32 to vector<128x128xi32>
    %div3A_37 = arith.divsi %iota3A_33, %div3A_36 : vector<128x128xi32>
    %sign3A_38 = arith.constant 0 : i32
    %sign3A_39 = vector.broadcast %sign3A_38 : i32 to vector<128x128xi32>
    %sign3A_40 = arith.cmpi sgt, %iota3A_33, %sign3A_39 : vector<128x128xi32>
    %sign3A_41 = arith.extui %sign3A_40 : vector<128x128xi1> to vector<128x128xi32>
    %sign3A_42 = arith.constant 0 : i32
    %sign3A_43 = vector.broadcast %sign3A_42 : i32 to vector<128x128xi32>
    %sign3A_44 = arith.cmpi slt, %iota3A_33, %sign3A_43 : vector<128x128xi32>
    %sign3A_45 = arith.extui %sign3A_44 : vector<128x128xi1> to vector<128x128xi32>
    %sign3A_46 = arith.subi %sign3A_41, %sign3A_45 : vector<128x128xi32>
    %sign3A_47 = arith.constant 0 : i32
    %sign3A_48 = arith.cmpi sgt, %jit3A_35, %sign3A_47 : i32
    %sign3A_49 = arith.extui %sign3A_48 : i1 to i32
    %sign3A_50 = arith.constant 0 : i32
    %sign3A_51 = arith.cmpi slt, %jit3A_35, %sign3A_50 : i32
    %sign3A_52 = arith.extui %sign3A_51 : i1 to i32
    %sign3A_53 = arith.subi %sign3A_49, %sign3A_52 : i32
    %ne3A_54 = vector.broadcast %sign3A_53 : i32 to vector<128x128xi32>
    %ne3A_55 = arith.cmpi ne, %sign3A_46, %ne3A_54 : vector<128x128xi32>
    %rem3A_56 = vector.broadcast %jit3A_35 : i32 to vector<128x128xi32>
    %rem3A_57 = arith.remsi %iota3A_33, %rem3A_56 : vector<128x128xi32>
    %ne3A_58 = arith.constant 0 : i32
    %ne3A_59 = vector.broadcast %ne3A_58 : i32 to vector<128x128xi32>
    %ne3A_60 = arith.cmpi ne, %rem3A_57, %ne3A_59 : vector<128x128xi32>
    %and3A_61 = arith.andi %ne3A_55, %ne3A_60 : vector<128x128xi1>
    %sub3A_62 = arith.constant 1 : i32
    %sub3A_63 = vector.broadcast %sub3A_62 : i32 to vector<128x128xi32>
    %sub3A_64 = arith.subi %div3A_37, %sub3A_63 : vector<128x128xi32>
    %select_n3A_65 = arith.select %and3A_61, %sub3A_64, %div3A_37 : vector<128x128xi1>, vector<128x128xi32>
    %jit3A_66 = arith.constant 16 : i32
    %div3A_67 = vector.broadcast %jit3A_66 : i32 to vector<128x128xi32>
    %div3A_68 = arith.divsi %iota3A_34, %div3A_67 : vector<128x128xi32>
    %sign3A_69 = arith.constant 0 : i32
    %sign3A_70 = vector.broadcast %sign3A_69 : i32 to vector<128x128xi32>
    %sign3A_71 = arith.cmpi sgt, %iota3A_34, %sign3A_70 : vector<128x128xi32>
    %sign3A_72 = arith.extui %sign3A_71 : vector<128x128xi1> to vector<128x128xi32>
    %sign3A_73 = arith.constant 0 : i32
    %sign3A_74 = vector.broadcast %sign3A_73 : i32 to vector<128x128xi32>
    %sign3A_75 = arith.cmpi slt, %iota3A_34, %sign3A_74 : vector<128x128xi32>
    %sign3A_76 = arith.extui %sign3A_75 : vector<128x128xi1> to vector<128x128xi32>
    %sign3A_77 = arith.subi %sign3A_72, %sign3A_76 : vector<128x128xi32>
    %sign3A_78 = arith.constant 0 : i32
    %sign3A_79 = arith.cmpi sgt, %jit3A_66, %sign3A_78 : i32
    %sign3A_80 = arith.extui %sign3A_79 : i1 to i32
    %sign3A_81 = arith.constant 0 : i32
    %sign3A_82 = arith.cmpi slt, %jit3A_66, %sign3A_81 : i32
    %sign3A_83 = arith.extui %sign3A_82 : i1 to i32
    %sign3A_84 = arith.subi %sign3A_80, %sign3A_83 : i32
    %ne3A_85 = vector.broadcast %sign3A_84 : i32 to vector<128x128xi32>
    %ne3A_86 = arith.cmpi ne, %sign3A_77, %ne3A_85 : vector<128x128xi32>
    %rem3A_87 = vector.broadcast %jit3A_66 : i32 to vector<128x128xi32>
    %rem3A_88 = arith.remsi %iota3A_34, %rem3A_87 : vector<128x128xi32>
    %ne3A_89 = arith.constant 0 : i32
    %ne3A_90 = vector.broadcast %ne3A_89 : i32 to vector<128x128xi32>
    %ne3A_91 = arith.cmpi ne, %rem3A_88, %ne3A_90 : vector<128x128xi32>
    %and3A_92 = arith.andi %ne3A_86, %ne3A_91 : vector<128x128xi1>
    %sub3A_93 = arith.constant 1 : i32
    %sub3A_94 = vector.broadcast %sub3A_93 : i32 to vector<128x128xi32>
    %sub3A_95 = arith.subi %div3A_68, %sub3A_94 : vector<128x128xi32>
    %select_n3A_96 = arith.select %and3A_92, %sub3A_95, %div3A_68 : vector<128x128xi1>, vector<128x128xi32>
    %eq3A_97 = arith.cmpi eq, %select_n3A_65, %select_n3A_96 : vector<128x128xi32>
    %lt3A = arith.cmpi slt, %iota3A_34, %iota3A_33 : vector<128x128xi32>
    %and3A_98 = arith.andi %eq3A_97, %lt3A : vector<128x128xi1>
    %convert_element_type3A_99 = arith.extui %and3A_98 : vector<128x128xi1> to vector<128x128xi32>
    %convert_element_type3A_100 = arith.sitofp %convert_element_type3A_99 : vector<128x128xi32> to vector<128x128xf32>
    %jit3A_101 = arith.constant 16 : i32
    %div3A_102 = vector.broadcast %jit3A_101 : i32 to vector<128x128xi32>
    %div3A_103 = arith.divsi %iota3A_34, %div3A_102 : vector<128x128xi32>
    %sign3A_104 = arith.constant 0 : i32
    %sign3A_105 = vector.broadcast %sign3A_104 : i32 to vector<128x128xi32>
    %sign3A_106 = arith.cmpi sgt, %iota3A_34, %sign3A_105 : vector<128x128xi32>
    %sign3A_107 = arith.extui %sign3A_106 : vector<128x128xi1> to vector<128x128xi32>
    %sign3A_108 = arith.constant 0 : i32
    %sign3A_109 = vector.broadcast %sign3A_108 : i32 to vector<128x128xi32>
    %sign3A_110 = arith.cmpi slt, %iota3A_34, %sign3A_109 : vector<128x128xi32>
    %sign3A_111 = arith.extui %sign3A_110 : vector<128x128xi1> to vector<128x128xi32>
    %sign3A_112 = arith.subi %sign3A_107, %sign3A_111 : vector<128x128xi32>
    %sign3A_113 = arith.constant 0 : i32
    %sign3A_114 = arith.cmpi sgt, %jit3A_101, %sign3A_113 : i32
    %sign3A_115 = arith.extui %sign3A_114 : i1 to i32
    %sign3A_116 = arith.constant 0 : i32
    %sign3A_117 = arith.cmpi slt, %jit3A_101, %sign3A_116 : i32
    %sign3A_118 = arith.extui %sign3A_117 : i1 to i32
    %sign3A_119 = arith.subi %sign3A_115, %sign3A_118 : i32
    %ne3A_120 = vector.broadcast %sign3A_119 : i32 to vector<128x128xi32>
    %ne3A_121 = arith.cmpi ne, %sign3A_112, %ne3A_120 : vector<128x128xi32>
    %rem3A_122 = vector.broadcast %jit3A_101 : i32 to vector<128x128xi32>
    %rem3A_123 = arith.remsi %iota3A_34, %rem3A_122 : vector<128x128xi32>
    %ne3A_124 = arith.constant 0 : i32
    %ne3A_125 = vector.broadcast %ne3A_124 : i32 to vector<128x128xi32>
    %ne3A_126 = arith.cmpi ne, %rem3A_123, %ne3A_125 : vector<128x128xi32>
    %and3A_127 = arith.andi %ne3A_121, %ne3A_126 : vector<128x128xi1>
    %sub3A_128 = arith.constant 1 : i32
    %sub3A_129 = vector.broadcast %sub3A_128 : i32 to vector<128x128xi32>
    %sub3A_130 = arith.subi %div3A_103, %sub3A_129 : vector<128x128xi32>
    %select_n3A_131 = arith.select %and3A_127, %sub3A_130, %div3A_103 : vector<128x128xi1>, vector<128x128xi32>
    %jit3A_132 = arith.constant 16 : i32
    %div3A_133 = vector.broadcast %jit3A_132 : i32 to vector<128x128xi32>
    %div3A_134 = arith.divsi %iota3A_33, %div3A_133 : vector<128x128xi32>
    %sign3A_135 = arith.constant 0 : i32
    %sign3A_136 = vector.broadcast %sign3A_135 : i32 to vector<128x128xi32>
    %sign3A_137 = arith.cmpi sgt, %iota3A_33, %sign3A_136 : vector<128x128xi32>
    %sign3A_138 = arith.extui %sign3A_137 : vector<128x128xi1> to vector<128x128xi32>
    %sign3A_139 = arith.constant 0 : i32
    %sign3A_140 = vector.broadcast %sign3A_139 : i32 to vector<128x128xi32>
    %sign3A_141 = arith.cmpi slt, %iota3A_33, %sign3A_140 : vector<128x128xi32>
    %sign3A_142 = arith.extui %sign3A_141 : vector<128x128xi1> to vector<128x128xi32>
    %sign3A_143 = arith.subi %sign3A_138, %sign3A_142 : vector<128x128xi32>
    %sign3A_144 = arith.constant 0 : i32
    %sign3A_145 = arith.cmpi sgt, %jit3A_132, %sign3A_144 : i32
    %sign3A_146 = arith.extui %sign3A_145 : i1 to i32
    %sign3A_147 = arith.constant 0 : i32
    %sign3A_148 = arith.cmpi slt, %jit3A_132, %sign3A_147 : i32
    %sign3A_149 = arith.extui %sign3A_148 : i1 to i32
    %sign3A_150 = arith.subi %sign3A_146, %sign3A_149 : i32
    %ne3A_151 = vector.broadcast %sign3A_150 : i32 to vector<128x128xi32>
    %ne3A_152 = arith.cmpi ne, %sign3A_143, %ne3A_151 : vector<128x128xi32>
    %rem3A_153 = vector.broadcast %jit3A_132 : i32 to vector<128x128xi32>
    %rem3A_154 = arith.remsi %iota3A_33, %rem3A_153 : vector<128x128xi32>
    %ne3A_155 = arith.constant 0 : i32
    %ne3A_156 = vector.broadcast %ne3A_155 : i32 to vector<128x128xi32>
    %ne3A_157 = arith.cmpi ne, %rem3A_154, %ne3A_156 : vector<128x128xi32>
    %and3A_158 = arith.andi %ne3A_152, %ne3A_157 : vector<128x128xi1>
    %sub3A_159 = arith.constant 1 : i32
    %sub3A_160 = vector.broadcast %sub3A_159 : i32 to vector<128x128xi32>
    %sub3A_161 = arith.subi %div3A_134, %sub3A_160 : vector<128x128xi32>
    %select_n3A_162 = arith.select %and3A_158, %sub3A_161, %div3A_134 : vector<128x128xi1>, vector<128x128xi32>
    %lt3A_163 = arith.cmpi slt, %select_n3A_131, %select_n3A_162 : vector<128x128xi32>
    %convert_element_type3A_164 = arith.extui %lt3A_163 : vector<128x128xi1> to vector<128x128xi32>
    %convert_element_type3A_165 = arith.sitofp %convert_element_type3A_164 : vector<128x128xi32> to vector<128x128xf32>
    %dot_general3A_166 = arith.constant dense<0.000000e+00> : vector<128x1xf32>
    %dot_general3A_167 = tpu.matmul %convert_element_type3A_100, %slice3A, %dot_general3A_166 {dimension_numbers = #tpu.dot_dimension_numbers<[1], [0], [0], [1], [0, 0, 1, 1], [], []>, transpose_lhs_hint = false} : vector<128x128xf32>, vector<128x1xf32>, vector<128x1xf32> -> vector<128x1xf32>
    %dot_general3A_168 = arith.constant dense<0.000000e+00> : vector<128x1xf32>
    %dot_general3A_169 = tpu.matmul %convert_element_type3A_165, %slice3A, %dot_general3A_168 {dimension_numbers = #tpu.dot_dimension_numbers<[1], [0], [0], [1], [0, 0, 1, 1], [], []>, transpose_lhs_hint = false} : vector<128x128xf32>, vector<128x1xf32>, vector<128x1xf32> -> vector<128x1xf32>
    %convert_element_type3A_170 = arith.extf %convert_element_type3A_26 : vector<128x128xbf16> to vector<128x128xf32>
    %add3A = vector.broadcast %dot_general3A_167 : vector<128x1xf32> to vector<128x128xf32>
    %add3A_171 = arith.addf %dot_general3A_32, %add3A : vector<128x128xf32>
    %add3A_172 = vector.broadcast %dot_general3A_169 : vector<128x1xf32> to vector<128x128xf32>
    %add3A_173 = arith.addf %add3A_171, %add3A_172 : vector<128x128xf32>
    %sub3A_174 = arith.constant 1.000000e+00 : f32
    %sub3A_175 = vector.broadcast %sub3A_174 : f32 to vector<128x128xf32>
    %sub3A_176 = arith.subf %add3A_173, %sub3A_175 : vector<128x128xf32>
    %mul3A = arith.mulf %convert_element_type3A_170, %sub3A_176 : vector<128x128xf32>
    %slice3A_177 = vector.extract_strided_slice %mul3A {offsets = [0, 0], sizes = [16, 128], strides = [1, 1]} : vector<128x128xf32> to vector<16x128xf32>
    %slice3A_178 = vector.extract_strided_slice %mul3A {offsets = [16, 0], sizes = [16, 128], strides = [1, 1]} : vector<128x128xf32> to vector<16x128xf32>
    %add3A_179 = arith.addf %slice3A_177, %slice3A_178 : vector<16x128xf32>
    %slice3A_180 = vector.extract_strided_slice %mul3A {offsets = [32, 0], sizes = [16, 128], strides = [1, 1]} : vector<128x128xf32> to vector<16x128xf32>
    %add3A_181 = arith.addf %add3A_179, %slice3A_180 : vector<16x128xf32>
    %slice3A_182 = vector.extract_strided_slice %mul3A {offsets = [48, 0], sizes = [16, 128], strides = [1, 1]} : vector<128x128xf32> to vector<16x128xf32>
    %add3A_183 = arith.addf %add3A_181, %slice3A_182 : vector<16x128xf32>
    %slice3A_184 = vector.extract_strided_slice %mul3A {offsets = [64, 0], sizes = [16, 128], strides = [1, 1]} : vector<128x128xf32> to vector<16x128xf32>
    %add3A_185 = arith.addf %add3A_183, %slice3A_184 : vector<16x128xf32>
    %slice3A_186 = vector.extract_strided_slice %mul3A {offsets = [80, 0], sizes = [16, 128], strides = [1, 1]} : vector<128x128xf32> to vector<16x128xf32>
    %add3A_187 = arith.addf %add3A_185, %slice3A_186 : vector<16x128xf32>
    %slice3A_188 = vector.extract_strided_slice %mul3A {offsets = [96, 0], sizes = [16, 128], strides = [1, 1]} : vector<128x128xf32> to vector<16x128xf32>
    %add3A_189 = arith.addf %add3A_187, %slice3A_188 : vector<16x128xf32>
    %slice3A_190 = vector.extract_strided_slice %mul3A {offsets = [112, 0], sizes = [16, 128], strides = [1, 1]} : vector<128x128xf32> to vector<16x128xf32>
    %add3A_191 = arith.addf %add3A_189, %slice3A_190 : vector<16x128xf32>
    %convert_element_type3A_192 = arith.fptosi %add3A_191 : vector<16x128xf32> to vector<16x128xi32>
    %swap3A = arith.constant 0 : index
    %swap3A_193 = arith.constant 0 : index
    %swap3A_194 = vector.load %arg2[%swap3A, %swap3A_193] : memref<16x128xi32, #tpu.memory_space<vmem>>, vector<16x128xi32>
    tpu.vector_store %arg2[%swap3A, %swap3A_193], %convert_element_type3A_192 {strides = array<i32>} : memref<16x128xi32, #tpu.memory_space<vmem>>, vector<16x128xi32>,
    %add3A_195 = arith.addf %dot_general3A_167, %slice3A : vector<128x1xf32>
    %convert_element_type3A_196 = arith.fptosi %add3A_195 : vector<128x1xf32> to vector<128x1xi32>
    %swap3A_197 = arith.constant 0 : index
    %swap3A_198 = arith.constant 0 : index
    %swap3A_199 = vector.load %arg3[%swap3A_197, %swap3A_198] : memref<128x1xi32, #tpu.memory_space<vmem>>, vector<128x1xi32>
    tpu.vector_store %arg3[%swap3A_197, %swap3A_198], %convert_element_type3A_196 {strides = array<i32>} : memref<128x1xi32, #tpu.memory_space<vmem>>, vector<128x1xi32>,
    return
  }
  func.func @transform_0(%arg0: i32) -> (i32, i32) {
    %c0_i32 = arith.constant 0 : i32
    %c0_i32_0 = arith.constant 0 : i32
    %c0_i32_1 = arith.constant 0 : i32
    return %c0_i32, %c0_i32_0 : i32, i32
  }
  func.func @transform_1(%arg0: i32) -> (i32, i32) {
    %c0_i32 = arith.constant 0 : i32
    %c0_i32_0 = arith.constant 0 : i32
    %c0_i32_1 = arith.constant 0 : i32
    return %c0_i32, %c0_i32_0 : i32, i32
  }
  func.func @transform_2(%arg0: i32) -> (i32, i32) {
    %c0_i32 = arith.constant 0 : i32
    %c0_i32_0 = arith.constant 0 : i32
    %c0_i32_1 = arith.constant 0 : i32
    return %c0_i32, %c0_i32_0 : i32, i32
  }
}

module attributes {stable_mosaic.version = 14 : i64} {
  func.func @_base_body(%arg0: i32, %arg1: memref<2048x1024xf32, #tpu.memory_space<vmem>>, %arg2: memref<1024x512xf32, #tpu.memory_space<vmem>>, %arg3: memref<1024x512xf32, #tpu.memory_space<vmem>>, %arg4: memref<512x1024xf32, #tpu.memory_space<vmem>>, %arg5: memref<2048x1024xf32, #tpu.memory_space<vmem>>) attributes {dimension_semantics = [#tpu.dimension_semantics<arbitrary>], iteration_bounds = array<i64: 8>, scalar_prefetch = 0 : i64, scratch_operands = 0 : i64, tpu.core_type = #tpu.core_type<tc>, window_params = [{pipeline_mode = #tpu.pipeline_mode<synchronous>, transform_indices = @transform_0, window_bounds = array<i64: 2048, 1024>}, {transform_indices = @transform_1, window_bounds = array<i64: 1024, 512>}, {transform_indices = @transform_2, window_bounds = array<i64: 1024, 512>}, {transform_indices = @transform_3, window_bounds = array<i64: 512, 1024>}, {pipeline_mode = #tpu.pipeline_mode<synchronous>, transform_indices = @transform_4, window_bounds = array<i64: 2048, 1024>}]} {
    %get3A = arith.constant 0 : index
    %get3A_0 = arith.constant 0 : index
    %get3A_1 = vector.load %arg1[%get3A, %get3A_0] : memref<2048x1024xf32, #tpu.memory_space<vmem>>, vector<2048x1024xf32>
    %convert_element_type3A = arith.truncf %get3A_1 : vector<2048x1024xf32> to vector<2048x1024xbf16>
    %get3A_2 = arith.constant 0 : index
    %get3A_3 = arith.constant 0 : index
    %get3A_4 = vector.load %arg2[%get3A_2, %get3A_3] : memref<1024x512xf32, #tpu.memory_space<vmem>>, vector<1024x512xf32>
    %convert_element_type3A_5 = arith.truncf %get3A_4 : vector<1024x512xf32> to vector<1024x512xbf16>
    %get3A_6 = arith.constant 0 : index
    %get3A_7 = arith.constant 0 : index
    %get3A_8 = vector.load %arg3[%get3A_6, %get3A_7] : memref<1024x512xf32, #tpu.memory_space<vmem>>, vector<1024x512xf32>
    %convert_element_type3A_9 = arith.truncf %get3A_8 : vector<1024x512xf32> to vector<1024x512xbf16>
    %get3A_10 = arith.constant 0 : index
    %get3A_11 = arith.constant 0 : index
    %get3A_12 = vector.load %arg4[%get3A_10, %get3A_11] : memref<512x1024xf32, #tpu.memory_space<vmem>>, vector<512x1024xf32>
    %convert_element_type3A_13 = arith.truncf %get3A_12 : vector<512x1024xf32> to vector<512x1024xbf16>
    %dot_general3A = arith.constant dense<0.000000e+00> : vector<2048x512xf32>
    %dot_general3A_14 = tpu.matmul %convert_element_type3A, %convert_element_type3A_5, %dot_general3A {dimension_numbers = #tpu.dot_dimension_numbers<[1], [0], [0], [1], [0, 0, 1, 1], [], []>, transpose_lhs_hint = false} : vector<2048x1024xbf16>, vector<1024x512xbf16>, vector<2048x512xf32> -> vector<2048x512xf32>
    %dot_general3A_15 = arith.constant dense<0.000000e+00> : vector<2048x512xf32>
    %dot_general3A_16 = tpu.matmul %convert_element_type3A, %convert_element_type3A_9, %dot_general3A_15 {dimension_numbers = #tpu.dot_dimension_numbers<[1], [0], [0], [1], [0, 0, 1, 1], [], []>, transpose_lhs_hint = false} : vector<2048x1024xbf16>, vector<1024x512xbf16>, vector<2048x512xf32> -> vector<2048x512xf32>
    %neg3A = arith.constant 0.000000e+00 : f32
    %neg3A_17 = vector.broadcast %neg3A : f32 to vector<2048x512xf32>
    %neg3A_18 = arith.subf %neg3A_17, %dot_general3A_14 : vector<2048x512xf32>
    %exp3A = math.exp %neg3A_18 : vector<2048x512xf32>
    %add3A = arith.constant 1.000000e+00 : f32
    %add3A_19 = vector.broadcast %add3A : f32 to vector<2048x512xf32>
    %add3A_20 = arith.addf %add3A_19, %exp3A : vector<2048x512xf32>
    %div3A = arith.constant 1.000000e+00 : f32
    %div3A_21 = vector.broadcast %div3A : f32 to vector<2048x512xf32>
    %div3A_22 = arith.divf %div3A_21, %add3A_20 : vector<2048x512xf32>
    %mul3A = arith.mulf %dot_general3A_14, %div3A_22 : vector<2048x512xf32>
    %mul3A_23 = arith.mulf %mul3A, %dot_general3A_16 : vector<2048x512xf32>
    %convert_element_type3A_24 = arith.truncf %mul3A_23 : vector<2048x512xf32> to vector<2048x512xbf16>
    %dot_general3A_25 = arith.constant dense<0.000000e+00> : vector<2048x1024xf32>
    %dot_general3A_26 = tpu.matmul %convert_element_type3A_24, %convert_element_type3A_13, %dot_general3A_25 {dimension_numbers = #tpu.dot_dimension_numbers<[1], [0], [0], [1], [0, 0, 1, 1], [], []>, transpose_lhs_hint = false} : vector<2048x512xbf16>, vector<512x1024xbf16>, vector<2048x1024xf32> -> vector<2048x1024xf32>
    %eq3A = arith.constant 0 : i32
    %eq3A_27 = arith.cmpi eq, %arg0, %eq3A : i32
    %convert_element_type3A_28 = arith.extui %eq3A_27 : i1 to i32
    %cond3A = arith.constant 0 : i32
    %cond3A_29 = arith.cmpi ne, %convert_element_type3A_28, %cond3A : i32
    scf.if %cond3A_29 {
      %swap3A = arith.constant 0 : index
      %swap3A_34 = arith.constant 0 : index
      %swap3A_35 = vector.load %arg5[%swap3A, %swap3A_34] : memref<2048x1024xf32, #tpu.memory_space<vmem>>, vector<2048x1024xf32>
      tpu.vector_store %arg5[%swap3A, %swap3A_34], %dot_general3A_26 {strides = array<i32>} : memref<2048x1024xf32, #tpu.memory_space<vmem>>, vector<2048x1024xf32>,
    } else {
    }
    %gt3A = arith.constant 0 : i32
    %gt3A_30 = arith.cmpi sgt, %arg0, %gt3A : i32
    %convert_element_type3A_31 = arith.extui %gt3A_30 : i1 to i32
    %cond3A_32 = arith.constant 0 : i32
    %cond3A_33 = arith.cmpi ne, %convert_element_type3A_31, %cond3A_32 : i32
    scf.if %cond3A_33 {
      %get3A_34 = arith.constant 0 : index
      %get3A_35 = arith.constant 0 : index
      %get3A_36 = vector.load %arg5[%get3A_34, %get3A_35] : memref<2048x1024xf32, #tpu.memory_space<vmem>>, vector<2048x1024xf32>
      %add3A_37 = arith.addf %get3A_36, %dot_general3A_26 : vector<2048x1024xf32>
      %swap3A = arith.constant 0 : index
      %swap3A_38 = arith.constant 0 : index
      %swap3A_39 = vector.load %arg5[%swap3A, %swap3A_38] : memref<2048x1024xf32, #tpu.memory_space<vmem>>, vector<2048x1024xf32>
      tpu.vector_store %arg5[%swap3A, %swap3A_38], %add3A_37 {strides = array<i32>} : memref<2048x1024xf32, #tpu.memory_space<vmem>>, vector<2048x1024xf32>,
    } else {
    }
    return
  }
  func.func @transform_0(%arg0: i32) -> (i32, i32) {
    %c0_i32 = arith.constant 0 : i32
    %c0_i32_0 = arith.constant 0 : i32
    %c0_i32_1 = arith.constant 0 : i32
    return %c0_i32, %c0_i32_0 : i32, i32
  }
  func.func @transform_1(%arg0: i32) -> (i32, i32) {
    %c0_i32 = arith.constant 0 : i32
    %c0_i32_0 = arith.constant 0 : i32
    return %c0_i32, %arg0 : i32, i32
  }
  func.func @transform_2(%arg0: i32) -> (i32, i32) {
    %add3A = arith.constant 8 : i32
    %add3A_0 = arith.addi %arg0, %add3A : i32
    %c0_i32 = arith.constant 0 : i32
    %c0_i32_1 = arith.constant 0 : i32
    return %c0_i32, %add3A_0 : i32, i32
  }
  func.func @transform_3(%arg0: i32) -> (i32, i32) {
    %c0_i32 = arith.constant 0 : i32
    %c0_i32_0 = arith.constant 0 : i32
    return %arg0, %c0_i32 : i32, i32
  }
  func.func @transform_4(%arg0: i32) -> (i32, i32) {
    %c0_i32 = arith.constant 0 : i32
    %c0_i32_0 = arith.constant 0 : i32
    %c0_i32_1 = arith.constant 0 : i32
    return %c0_i32, %c0_i32_0 : i32, i32
  }
}

module attributes {stable_mosaic.version = 14 : i64} {
  func.func @_adapter_body(%arg0: i32, %arg1: memref<5x15xi32, #tpu.memory_space<smem>>, %arg2: memref<256x1024xf32, #tpu.memory_space<vmem>>, %arg3: memref<1x128x1024xf32, #tpu.memory_space<vmem>>, %arg4: memref<1x128x1024xf32, #tpu.memory_space<vmem>>, %arg5: memref<1x128x1024xf32, #tpu.memory_space<vmem>>, %arg6: memref<1x128x1024xf32, #tpu.memory_space<vmem>>, %arg7: memref<1x1024x128xf32, #tpu.memory_space<vmem>>, %arg8: memref<1x1024x128xf32, #tpu.memory_space<vmem>>, %arg9: memref<1x1x256xf32, #tpu.memory_space<vmem>>, %arg10: memref<256x1024xf32, #tpu.memory_space<vmem>>) attributes {dimension_semantics = [#tpu.dimension_semantics<arbitrary>], iteration_bounds = array<i64: 15>, scalar_prefetch = 1 : i64, scratch_operands = 0 : i64, tpu.core_type = #tpu.core_type<tc>, window_params = [{transform_indices = @transform_0, window_bounds = array<i64: 256, 1024>}, {transform_indices = @transform_1, window_bounds = array<i64: 1, 128, 1024>}, {transform_indices = @transform_2, window_bounds = array<i64: 1, 128, 1024>}, {transform_indices = @transform_3, window_bounds = array<i64: 1, 128, 1024>}, {transform_indices = @transform_4, window_bounds = array<i64: 1, 128, 1024>}, {transform_indices = @transform_5, window_bounds = array<i64: 1, 1024, 128>}, {transform_indices = @transform_6, window_bounds = array<i64: 1, 1024, 128>}, {transform_indices = @transform_7, window_bounds = array<i64: 1, 1, 256>}, {transform_indices = @transform_8, window_bounds = array<i64: 256, 1024>}]} {
    %get3A = arith.constant 0 : index
    %get3A_0 = arith.constant 0 : index
    %get3A_1 = vector.load %arg2[%get3A, %get3A_0] : memref<256x1024xf32, #tpu.memory_space<vmem>>, vector<256x1024xf32>
    %convert_element_type3A = arith.truncf %get3A_1 : vector<256x1024xf32> to vector<256x1024xbf16>
    %iota3A = tpu.iota {dimensions = array<i32: 0>} : vector<256x1xi32>
    %get3A_2 = arith.constant 0 : index
    %get3A_3 = arith.index_cast %arg0 : i32 to index
    %get3A_4 = memref.load %arg1[%get3A_2, %get3A_3] : memref<5x15xi32, #tpu.memory_space<smem>>
    %mul3A = arith.constant 256 : i32
    %mul3A_5 = arith.muli %get3A_4, %mul3A : i32
    %add3A = vector.broadcast %mul3A_5 : i32 to vector<256x1xi32>
    %add3A_6 = arith.addi %iota3A, %add3A : vector<256x1xi32>
    %get3A_7 = arith.constant 3 : index
    %get3A_8 = arith.index_cast %arg0 : i32 to index
    %get3A_9 = memref.load %arg1[%get3A_7, %get3A_8] : memref<5x15xi32, #tpu.memory_space<smem>>
    %ge3A = vector.broadcast %get3A_9 : i32 to vector<256x1xi32>
    %ge3A_10 = arith.cmpi sge, %add3A_6, %ge3A : vector<256x1xi32>
    %get3A_11 = arith.constant 4 : index
    %get3A_12 = arith.index_cast %arg0 : i32 to index
    %get3A_13 = memref.load %arg1[%get3A_11, %get3A_12] : memref<5x15xi32, #tpu.memory_space<smem>>
    %lt3A = vector.broadcast %get3A_13 : i32 to vector<256x1xi32>
    %lt3A_14 = arith.cmpi slt, %add3A_6, %lt3A : vector<256x1xi32>
    %and3A = arith.andi %ge3A_10, %lt3A_14 : vector<256x1xi1>
    %get3A_15 = arith.constant 0 : index
    %get3A_16 = arith.constant 0 : index
    %get3A_17 = arith.constant 0 : index
    %get3A_18 = vector.load %arg9[%get3A_15, %get3A_16, %get3A_17] : memref<1x1x256xf32, #tpu.memory_space<vmem>>, vector<1x1x256xf32>
    %get3A_19 = vector.shape_cast %get3A_18 : vector<1x1x256xf32> to vector<1x256xf32>
    %get3A_20 = arith.constant 0 : index
    %get3A_21 = arith.constant 0 : index
    %get3A_22 = arith.constant 0 : index
    %get3A_23 = vector.load %arg3[%get3A_20, %get3A_21, %get3A_22] : memref<1x128x1024xf32, #tpu.memory_space<vmem>>, vector<1x128x1024xf32>
    %get3A_24 = vector.shape_cast %get3A_23 : vector<1x128x1024xf32> to vector<128x1024xf32>
    %convert_element_type3A_25 = arith.truncf %get3A_24 : vector<128x1024xf32> to vector<128x1024xbf16>
    %dot_general3A = arith.constant dense<0.000000e+00> : vector<256x128xf32>
    %dot_general3A_26 = tpu.matmul %convert_element_type3A, %convert_element_type3A_25, %dot_general3A {dimension_numbers = #tpu.dot_dimension_numbers<[1], [1], [0], [0], [0, 0, 1, 0], [], []>, transpose_lhs_hint = false} : vector<256x1024xbf16>, vector<128x1024xbf16>, vector<256x128xf32> -> vector<256x128xf32>
    %get3A_27 = arith.constant 0 : index
    %get3A_28 = arith.constant 0 : index
    %get3A_29 = arith.constant 0 : index
    %get3A_30 = vector.load %arg5[%get3A_27, %get3A_28, %get3A_29] : memref<1x128x1024xf32, #tpu.memory_space<vmem>>, vector<1x128x1024xf32>
    %get3A_31 = vector.shape_cast %get3A_30 : vector<1x128x1024xf32> to vector<128x1024xf32>
    %convert_element_type3A_32 = arith.truncf %get3A_31 : vector<128x1024xf32> to vector<128x1024xbf16>
    %dot_general3A_33 = arith.constant dense<0.000000e+00> : vector<256x128xf32>
    %dot_general3A_34 = tpu.matmul %convert_element_type3A, %convert_element_type3A_32, %dot_general3A_33 {dimension_numbers = #tpu.dot_dimension_numbers<[1], [1], [0], [0], [0, 0, 1, 0], [], []>, transpose_lhs_hint = false} : vector<256x1024xbf16>, vector<128x1024xbf16>, vector<256x128xf32> -> vector<256x128xf32>
    %neg3A = arith.constant 0.000000e+00 : f32
    %neg3A_35 = vector.broadcast %neg3A : f32 to vector<256x128xf32>
    %neg3A_36 = arith.subf %neg3A_35, %dot_general3A_26 : vector<256x128xf32>
    %exp3A = math.exp %neg3A_36 : vector<256x128xf32>
    %add3A_37 = arith.constant 1.000000e+00 : f32
    %add3A_38 = vector.broadcast %add3A_37 : f32 to vector<256x128xf32>
    %add3A_39 = arith.addf %add3A_38, %exp3A : vector<256x128xf32>
    %div3A = arith.constant 1.000000e+00 : f32
    %div3A_40 = vector.broadcast %div3A : f32 to vector<256x128xf32>
    %div3A_41 = arith.divf %div3A_40, %add3A_39 : vector<256x128xf32>
    %mul3A_42 = arith.mulf %dot_general3A_26, %div3A_41 : vector<256x128xf32>
    %mul3A_43 = arith.mulf %mul3A_42, %dot_general3A_34 : vector<256x128xf32>
    %slice3A = vector.extract_strided_slice %get3A_19 {offsets = [0, 0], sizes = [1, 128], strides = [1, 1]} : vector<1x256xf32> to vector<1x128xf32>
    %mul3A_44 = vector.broadcast %slice3A : vector<1x128xf32> to vector<256x128xf32>
    %mul3A_45 = arith.mulf %mul3A_43, %mul3A_44 : vector<256x128xf32>
    %jit3A = arith.constant 0.000000e+00 : f32
    %broadcast_in_dim3A = vector.shape_cast %and3A : vector<256x1xi1> to vector<256x1xi1>
    %broadcast_in_dim3A_46 = vector.broadcast %broadcast_in_dim3A : vector<256x1xi1> to vector<256x128xi1>
    %broadcast_in_dim3A_47 = vector.broadcast %jit3A : f32 to vector<256x128xf32>
    %select_n3A = arith.select %broadcast_in_dim3A_46, %mul3A_45, %broadcast_in_dim3A_47 : vector<256x128xi1>, vector<256x128xf32>
    %convert_element_type3A_48 = arith.truncf %select_n3A : vector<256x128xf32> to vector<256x128xbf16>
    %get3A_49 = arith.constant 0 : index
    %get3A_50 = arith.constant 0 : index
    %get3A_51 = arith.constant 0 : index
    %get3A_52 = vector.load %arg4[%get3A_49, %get3A_50, %get3A_51] : memref<1x128x1024xf32, #tpu.memory_space<vmem>>, vector<1x128x1024xf32>
    %get3A_53 = vector.shape_cast %get3A_52 : vector<1x128x1024xf32> to vector<128x1024xf32>
    %convert_element_type3A_54 = arith.truncf %get3A_53 : vector<128x1024xf32> to vector<128x1024xbf16>
    %dot_general3A_55 = arith.constant dense<0.000000e+00> : vector<256x128xf32>
    %dot_general3A_56 = tpu.matmul %convert_element_type3A, %convert_element_type3A_54, %dot_general3A_55 {dimension_numbers = #tpu.dot_dimension_numbers<[1], [1], [0], [0], [0, 0, 1, 0], [], []>, transpose_lhs_hint = false} : vector<256x1024xbf16>, vector<128x1024xbf16>, vector<256x128xf32> -> vector<256x128xf32>
    %get3A_57 = arith.constant 0 : index
    %get3A_58 = arith.constant 0 : index
    %get3A_59 = arith.constant 0 : index
    %get3A_60 = vector.load %arg6[%get3A_57, %get3A_58, %get3A_59] : memref<1x128x1024xf32, #tpu.memory_space<vmem>>, vector<1x128x1024xf32>
    %get3A_61 = vector.shape_cast %get3A_60 : vector<1x128x1024xf32> to vector<128x1024xf32>
    %convert_element_type3A_62 = arith.truncf %get3A_61 : vector<128x1024xf32> to vector<128x1024xbf16>
    %dot_general3A_63 = arith.constant dense<0.000000e+00> : vector<256x128xf32>
    %dot_general3A_64 = tpu.matmul %convert_element_type3A, %convert_element_type3A_62, %dot_general3A_63 {dimension_numbers = #tpu.dot_dimension_numbers<[1], [1], [0], [0], [0, 0, 1, 0], [], []>, transpose_lhs_hint = false} : vector<256x1024xbf16>, vector<128x1024xbf16>, vector<256x128xf32> -> vector<256x128xf32>
    %neg3A_65 = arith.constant 0.000000e+00 : f32
    %neg3A_66 = vector.broadcast %neg3A_65 : f32 to vector<256x128xf32>
    %neg3A_67 = arith.subf %neg3A_66, %dot_general3A_56 : vector<256x128xf32>
    %exp3A_68 = math.exp %neg3A_67 : vector<256x128xf32>
    %add3A_69 = arith.constant 1.000000e+00 : f32
    %add3A_70 = vector.broadcast %add3A_69 : f32 to vector<256x128xf32>
    %add3A_71 = arith.addf %add3A_70, %exp3A_68 : vector<256x128xf32>
    %div3A_72 = arith.constant 1.000000e+00 : f32
    %div3A_73 = vector.broadcast %div3A_72 : f32 to vector<256x128xf32>
    %div3A_74 = arith.divf %div3A_73, %add3A_71 : vector<256x128xf32>
    %mul3A_75 = arith.mulf %dot_general3A_56, %div3A_74 : vector<256x128xf32>
    %mul3A_76 = arith.mulf %mul3A_75, %dot_general3A_64 : vector<256x128xf32>
    %slice3A_77 = vector.extract_strided_slice %get3A_19 {offsets = [0, 128], sizes = [1, 128], strides = [1, 1]} : vector<1x256xf32> to vector<1x128xf32>
    %mul3A_78 = vector.broadcast %slice3A_77 : vector<1x128xf32> to vector<256x128xf32>
    %mul3A_79 = arith.mulf %mul3A_76, %mul3A_78 : vector<256x128xf32>
    %jit3A_80 = arith.constant 0.000000e+00 : f32
    %broadcast_in_dim3A_81 = vector.shape_cast %and3A : vector<256x1xi1> to vector<256x1xi1>
    %broadcast_in_dim3A_82 = vector.broadcast %broadcast_in_dim3A_81 : vector<256x1xi1> to vector<256x128xi1>
    %broadcast_in_dim3A_83 = vector.broadcast %jit3A_80 : f32 to vector<256x128xf32>
    %select_n3A_84 = arith.select %broadcast_in_dim3A_82, %mul3A_79, %broadcast_in_dim3A_83 : vector<256x128xi1>, vector<256x128xf32>
    %convert_element_type3A_85 = arith.truncf %select_n3A_84 : vector<256x128xf32> to vector<256x128xbf16>
    %get3A_86 = arith.constant 0 : index
    %get3A_87 = arith.constant 0 : index
    %get3A_88 = arith.constant 0 : index
    %get3A_89 = vector.load %arg7[%get3A_86, %get3A_87, %get3A_88] : memref<1x1024x128xf32, #tpu.memory_space<vmem>>, vector<1x1024x128xf32>
    %get3A_90 = vector.shape_cast %get3A_89 : vector<1x1024x128xf32> to vector<1024x128xf32>
    %convert_element_type3A_91 = arith.truncf %get3A_90 : vector<1024x128xf32> to vector<1024x128xbf16>
    %dot_general3A_92 = arith.constant dense<0.000000e+00> : vector<256x1024xf32>
    %dot_general3A_93 = tpu.matmul %convert_element_type3A_48, %convert_element_type3A_91, %dot_general3A_92 {dimension_numbers = #tpu.dot_dimension_numbers<[1], [1], [0], [0], [0, 0, 1, 0], [], []>, transpose_lhs_hint = false} : vector<256x128xbf16>, vector<1024x128xbf16>, vector<256x1024xf32> -> vector<256x1024xf32>
    %get3A_94 = arith.constant 0 : index
    %get3A_95 = arith.constant 0 : index
    %get3A_96 = arith.constant 0 : index
    %get3A_97 = vector.load %arg8[%get3A_94, %get3A_95, %get3A_96] : memref<1x1024x128xf32, #tpu.memory_space<vmem>>, vector<1x1024x128xf32>
    %get3A_98 = vector.shape_cast %get3A_97 : vector<1x1024x128xf32> to vector<1024x128xf32>
    %convert_element_type3A_99 = arith.truncf %get3A_98 : vector<1024x128xf32> to vector<1024x128xbf16>
    %dot_general3A_100 = arith.constant dense<0.000000e+00> : vector<256x1024xf32>
    %dot_general3A_101 = tpu.matmul %convert_element_type3A_85, %convert_element_type3A_99, %dot_general3A_100 {dimension_numbers = #tpu.dot_dimension_numbers<[1], [1], [0], [0], [0, 0, 1, 0], [], []>, transpose_lhs_hint = false} : vector<256x128xbf16>, vector<1024x128xbf16>, vector<256x1024xf32> -> vector<256x1024xf32>
    %add3A_102 = arith.addf %dot_general3A_93, %dot_general3A_101 : vector<256x1024xf32>
    %get3A_103 = arith.constant 2 : index
    %get3A_104 = arith.index_cast %arg0 : i32 to index
    %get3A_105 = memref.load %arg1[%get3A_103, %get3A_104] : memref<5x15xi32, #tpu.memory_space<smem>>
    %eq3A = arith.constant 1 : i32
    %eq3A_106 = arith.cmpi eq, %get3A_105, %eq3A : i32
    %convert_element_type3A_107 = arith.extui %eq3A_106 : i1 to i32
    %cond3A = arith.constant 0 : i32
    %cond3A_108 = arith.cmpi ne, %convert_element_type3A_107, %cond3A : i32
    scf.if %cond3A_108 {
      %swap3A = arith.constant 0 : index
      %swap3A_117 = arith.constant 0 : index
      %swap3A_118 = vector.load %arg10[%swap3A, %swap3A_117] : memref<256x1024xf32, #tpu.memory_space<vmem>>, vector<256x1024xf32>
      tpu.vector_store %arg10[%swap3A, %swap3A_117], %add3A_102 {strides = array<i32>} : memref<256x1024xf32, #tpu.memory_space<vmem>>, vector<256x1024xf32>,
    } else {
    }
    %get3A_109 = arith.constant 2 : index
    %get3A_110 = arith.index_cast %arg0 : i32 to index
    %get3A_111 = memref.load %arg1[%get3A_109, %get3A_110] : memref<5x15xi32, #tpu.memory_space<smem>>
    %eq3A_112 = arith.constant 0 : i32
    %eq3A_113 = arith.cmpi eq, %get3A_111, %eq3A_112 : i32
    %convert_element_type3A_114 = arith.extui %eq3A_113 : i1 to i32
    %cond3A_115 = arith.constant 0 : i32
    %cond3A_116 = arith.cmpi ne, %convert_element_type3A_114, %cond3A_115 : i32
    scf.if %cond3A_116 {
      %get3A_117 = arith.constant 0 : index
      %get3A_118 = arith.constant 0 : index
      %get3A_119 = vector.load %arg10[%get3A_117, %get3A_118] : memref<256x1024xf32, #tpu.memory_space<vmem>>, vector<256x1024xf32>
      %add3A_120 = arith.addf %get3A_119, %add3A_102 : vector<256x1024xf32>
      %swap3A = arith.constant 0 : index
      %swap3A_121 = arith.constant 0 : index
      %swap3A_122 = vector.load %arg10[%swap3A, %swap3A_121] : memref<256x1024xf32, #tpu.memory_space<vmem>>, vector<256x1024xf32>
      tpu.vector_store %arg10[%swap3A, %swap3A_121], %add3A_120 {strides = array<i32>} : memref<256x1024xf32, #tpu.memory_space<vmem>>, vector<256x1024xf32>,
    } else {
    }
    return
  }
  func.func @transform_0(%arg0: i32, %arg1: memref<5x15xi32, #tpu.memory_space<smem>>) -> (i32, i32) {
    %get3A = arith.constant 0 : index
    %get3A_0 = arith.index_cast %arg0 : i32 to index
    %get3A_1 = memref.load %arg1[%get3A, %get3A_0] : memref<5x15xi32, #tpu.memory_space<smem>>
    %c0_i32 = arith.constant 0 : i32
    %c0_i32_2 = arith.constant 0 : i32
    return %get3A_1, %c0_i32 : i32, i32
  }
  func.func @transform_1(%arg0: i32, %arg1: memref<5x15xi32, #tpu.memory_space<smem>>) -> (i32, i32, i32) {
    %get3A = arith.constant 1 : index
    %get3A_0 = arith.index_cast %arg0 : i32 to index
    %get3A_1 = memref.load %arg1[%get3A, %get3A_0] : memref<5x15xi32, #tpu.memory_space<smem>>
    %c0_i32 = arith.constant 0 : i32
    %c0_i32_2 = arith.constant 0 : i32
    %c0_i32_3 = arith.constant 0 : i32
    return %get3A_1, %c0_i32, %c0_i32_2 : i32, i32, i32
  }
  func.func @transform_2(%arg0: i32, %arg1: memref<5x15xi32, #tpu.memory_space<smem>>) -> (i32, i32, i32) {
    %get3A = arith.constant 1 : index
    %get3A_0 = arith.index_cast %arg0 : i32 to index
    %get3A_1 = memref.load %arg1[%get3A, %get3A_0] : memref<5x15xi32, #tpu.memory_space<smem>>
    %c0_i32 = arith.constant 0 : i32
    %c0_i32_2 = arith.constant 0 : i32
    %c0_i32_3 = arith.constant 0 : i32
    return %get3A_1, %c0_i32, %c0_i32_2 : i32, i32, i32
  }
  func.func @transform_3(%arg0: i32, %arg1: memref<5x15xi32, #tpu.memory_space<smem>>) -> (i32, i32, i32) {
    %get3A = arith.constant 1 : index
    %get3A_0 = arith.index_cast %arg0 : i32 to index
    %get3A_1 = memref.load %arg1[%get3A, %get3A_0] : memref<5x15xi32, #tpu.memory_space<smem>>
    %c0_i32 = arith.constant 0 : i32
    %c0_i32_2 = arith.constant 0 : i32
    %c0_i32_3 = arith.constant 0 : i32
    return %get3A_1, %c0_i32, %c0_i32_2 : i32, i32, i32
  }
  func.func @transform_4(%arg0: i32, %arg1: memref<5x15xi32, #tpu.memory_space<smem>>) -> (i32, i32, i32) {
    %get3A = arith.constant 1 : index
    %get3A_0 = arith.index_cast %arg0 : i32 to index
    %get3A_1 = memref.load %arg1[%get3A, %get3A_0] : memref<5x15xi32, #tpu.memory_space<smem>>
    %c0_i32 = arith.constant 0 : i32
    %c0_i32_2 = arith.constant 0 : i32
    %c0_i32_3 = arith.constant 0 : i32
    return %get3A_1, %c0_i32, %c0_i32_2 : i32, i32, i32
  }
  func.func @transform_5(%arg0: i32, %arg1: memref<5x15xi32, #tpu.memory_space<smem>>) -> (i32, i32, i32) {
    %get3A = arith.constant 1 : index
    %get3A_0 = arith.index_cast %arg0 : i32 to index
    %get3A_1 = memref.load %arg1[%get3A, %get3A_0] : memref<5x15xi32, #tpu.memory_space<smem>>
    %c0_i32 = arith.constant 0 : i32
    %c0_i32_2 = arith.constant 0 : i32
    %c0_i32_3 = arith.constant 0 : i32
    return %get3A_1, %c0_i32, %c0_i32_2 : i32, i32, i32
  }
  func.func @transform_6(%arg0: i32, %arg1: memref<5x15xi32, #tpu.memory_space<smem>>) -> (i32, i32, i32) {
    %get3A = arith.constant 1 : index
    %get3A_0 = arith.index_cast %arg0 : i32 to index
    %get3A_1 = memref.load %arg1[%get3A, %get3A_0] : memref<5x15xi32, #tpu.memory_space<smem>>
    %c0_i32 = arith.constant 0 : i32
    %c0_i32_2 = arith.constant 0 : i32
    %c0_i32_3 = arith.constant 0 : i32
    return %get3A_1, %c0_i32, %c0_i32_2 : i32, i32, i32
  }
  func.func @transform_7(%arg0: i32, %arg1: memref<5x15xi32, #tpu.memory_space<smem>>) -> (i32, i32, i32) {
    %get3A = arith.constant 1 : index
    %get3A_0 = arith.index_cast %arg0 : i32 to index
    %get3A_1 = memref.load %arg1[%get3A, %get3A_0] : memref<5x15xi32, #tpu.memory_space<smem>>
    %c0_i32 = arith.constant 0 : i32
    %c0_i32_2 = arith.constant 0 : i32
    %c0_i32_3 = arith.constant 0 : i32
    return %get3A_1, %c0_i32, %c0_i32_2 : i32, i32, i32
  }
  func.func @transform_8(%arg0: i32, %arg1: memref<5x15xi32, #tpu.memory_space<smem>>) -> (i32, i32) {
    %get3A = arith.constant 0 : index
    %get3A_0 = arith.index_cast %arg0 : i32 to index
    %get3A_1 = memref.load %arg1[%get3A, %get3A_0] : memref<5x15xi32, #tpu.memory_space<smem>>
    %c0_i32 = arith.constant 0 : i32
    %c0_i32_2 = arith.constant 0 : i32
    return %get3A_1, %c0_i32 : i32, i32
  }
}

</mosaic_0001>

<sc_bundles>
// kernel: kernel.10.cloned.1.call-start
scs
__scs_entry_jumppad:
0x0: {  	(pc) =	sbr.rel $0x88, $3  }
0x1: {  	(tag) =	ssettag $0x0;
	lr =	simm.s32 $0x1  }
0x2: {  	[smem:$0x3F96] =	sst lr;
	_ =	strace $0xD0000000  }
0x3: {  	_ = 	snop  }
0x4: {  	_ = 	snop  }
0x5: {  	_ = 	snop  }
0x6: {  	_ = 	snop  }
0x7: {  	_ = 	snop  }
__scs_overlays_trampoline_lowered:
0x8: {  	[smem:$0x3FA5] =	sst s0  }
0x9: {  	[smem:$0x3FA6] =	sst s1  }
0xa: {  	[smem:$0x3FA7] =	sst s2  }
0xb: {  	[smem:$0x3FA8] =	sst s3  }
0xc: {  	[smem:$0x3FA9] =	sst s4  }
0xd: {  	[smem:$0x3FAA] =	sst s5  }
0xe: {  	[smem:$0x3FAB] =	sst s6  }
0xf: {  	[smem:$0x3FAC] =	sst s7  }
0x10: {  	[smem:$0x3FAD] =	sst s8  }
0x11: {  	[smem:$0x3FAE] =	sst s9;
	s0 =	simm.s32 @!p0 $0x0  }
0x12: {  	s1 =	sld [smem:$0x3F94];
	s0 =	simm.s32 @p0 $0x1  }
0x13: {  	[smem:$0x3FAF] =	sst s0;
	s0 =	simm.s32 @!p1 $0x0  }
0x14: {  	s2 =	sld [smem:$0x3F93];
	s0 =	simm.s32 @p1 $0x1  }
0x15: {  	[smem:$0x3FB0] =	sst s0;
	s0 =	simm.s32 @!p2 $0x0  }
0x16: {  	s3 =	sld [smem:$0x3FDB];
	s0 =	simm.s32 @p2 $0x1  }
0x17: {  	s4 =	simm.s32 $0x1BF5;
	[smem:$0x3FB2] =	sst s0  }
0x18: {  	s0 =	sld [smem:$0x3F95];
	_ =	swait.ge [sflag:s4], $0x0  }
0x19: {  	s7 =	sld [smem:$0x3F96]  }
0x1a: {  	s8 =	sadd.s32 $0xFFFFE003, lr  }
0x1b: {  	s9 =	sadd.s32 $0xFFFFFEF7, lr;
	s5 =	simm.s32 $0xFFFFFFFF;
	p2 =	slt.u32 s8, $0xFFFFF086  }
0x1c: {  	p1 =	slt.u32 s9, $0xF7A;
	s5 =	simm.s32 @!p2 $0x0  }
0x1d: {  	s5 =	simm.s32 @p1 $0x1;
	p0 =	seq.s32 s7, s2  }
0x1e: {  	s7 =	smul.u32 @!p0 $0xF7A, s2;
	p2 =	seq.s32 @!p0 s5, $0x0  }
0x1f: {  	s9 =	smul.u32 $0xF7A, s1;
	s8 =	simm.s32 @!p0 $0x1BF5;
	p2 =	por !p2, p0  }
0x20: {  	[sflag:s8] =	ssyncset.s32 @!p0 $0xFFFFF086;
	s6 =	sadd.s32 @!p0 s3, s7;
	s7 =	simm.s32 @!p0 $0x108  }
0x21: {  	s3 =	sadd.s32 s3, s9;
	s6 =	sadd.s32 @!p0 $0x88, s6;
	s7 =	simm.s32 @p2 $0x1082  }
0x22: {  	[simem:s7], [sflag:s8] =	dma.local @!p0 [hbm:s6], $0xF7A  }
0x23: {  	s9 =	sor.u32 $0xD0000000, s2;
	s6 =	simm.s32 $0x108;
	_ =	swait.ge @!p0 [sflag:s8], $0x0  }
0x24: {  	s3 =	sadd.s32 $0x88, s3;
	s6 =	simm.s32 @!p1 $0x1082;
	[sflag:s4] =	ssyncset.s32 $0xFFFFF086  }
0x25: {  	[simem:s6], [sflag:s4] =	dma.local [hbm:s3], $0xF7A  }
0x26: {  	[smem:$0x3F96] =	sst s1;
	(tag) =	ssettag s2;
	_ =	strace s9  }
0x27: {  	s1 =	sld [smem:$0x3FA6]  }
0x28: {  	s2 =	sld [smem:$0x3FA7]  }
0x29: {  	s4 =	sld [smem:$0x3FA9]  }
0x2a: {  	p0 =	seq.s32 s5, $0x0;
	s5 =	sld [smem:$0x3FAA]  }
0x2b: {  	s6 =	sld [smem:$0x3FAB]  }
0x2c: {  	s7 =	sld [smem:$0x3FAC]  }
0x2d: {  	s3 =	simm.s32 $0x108;
	s8 =	sld [smem:$0x3FAD]  }
0x2e: {  	s3 =	simm.s32 @!p0 $0x1082;
	s9 =	sld [smem:$0x3FAE]  }
0x2f: {  	lr =	sadd.s32 s0, s3;
	s0 =	sld [smem:$0x3FA5]  }
0x30: {  	s3 =	sld [smem:$0x3FA8]  }
0x31: {  	[smem:$0x3FB1] =	sst s10  }
0x32: {  	s10 =	sld [smem:$0x3FAF];
	_ =	sdelay $0x3  }
0x33: {  	p0 =	seq.s32 s10, $0x1;
	s10 =	sld [smem:$0x3FB1];
	_ =	sdelay $0x3  }
0x34: {  	[smem:$0x3FB1] =	sst s10  }
0x35: {  	s10 =	sld [smem:$0x3FB0];
	_ =	sdelay $0x3  }
0x36: {  	p1 =	seq.s32 s10, $0x1;
	s10 =	sld [smem:$0x3FB1];
	_ =	sdelay $0x3  }
0x37: {  	[smem:$0x3FB1] =	sst s10  }
0x38: {  	s10 =	sld [smem:$0x3FB2]  }
0x39: {  	_ = 	snop;
	(pc) =	sbr.ind lr, $3  }
0x3a: {  	_ = 	snop  }
0x3b: {  	_ = 	snop  }
0x3c: {  	p2 =	seq.s32 s10, $0x1;
	s10 =	sld [smem:$0x3FB1]  }
0x3d: {  	_ =	shalt  }
0x3e: {  	_ =	shalt  }
0x3f: {  	_ =	shalt  }
0x40: {  	_ =	shalt  }
0x41: {  	_ =	shalt  }
0x42: {  	_ =	shalt  }
0x43: {  	_ =	shalt  }
0x44: {  	_ =	shalt  }
0x45: {  	_ =	shalt  }
0x46: {  	_ =	shalt  }
0x47: {  	_ =	shalt  }
0x48: {  	_ =	shalt  }
0x49: {  	_ =	shalt  }
0x4a: {  	_ =	shalt  }
0x4b: {  	_ =	shalt  }
0x4c: {  	_ =	shalt  }
0x4d: {  	_ =	shalt  }
0x4e: {  	_ =	shalt  }
0x4f: {  	_ =	shalt  }
0x50: {  	_ =	shalt  }
0x51: {  	_ =	shalt  }
0x52: {  	_ =	shalt  }
0x53: {  	_ =	shalt  }
0x54: {  	_ =	shalt  }
0x55: {  	_ =	shalt  }
0x56: {  	_ =	shalt  }
0x57: {  	_ =	shalt  }
0x58: {  	_ =	shalt  }
0x59: {  	_ =	shalt  }
0x5a: {  	_ =	shalt  }
0x5b: {  	_ =	shalt  }
0x5c: {  	_ =	shalt  }
0x5d: {  	_ =	shalt  }
0x5e: {  	_ =	shalt  }
0x5f: {  	_ =	shalt  }
0x60: {  	_ =	shalt  }
0x61: {  	_ =	shalt  }
0x62: {  	_ =	shalt  }
0x63: {  	_ =	shalt  }
0x64: {  	_ =	shalt  }
0x65: {  	_ =	shalt  }
0x66: {  	_ =	shalt  }
0x67: {  	_ =	shalt  }
0x68: {  	_ =	shalt  }
0x69: {  	_ =	shalt  }
0x6a: {  	_ =	shalt  }
0x6b: {  	_ =	shalt  }
0x6c: {  	_ =	shalt  }
0x6d: {  	_ =	shalt  }
0x6e: {  	_ =	shalt  }
0x6f: {  	_ =	shalt  }
0x70: {  	_ =	shalt  }
0x71: {  	_ =	shalt  }
0x72: {  	_ =	shalt  }
0x73: {  	_ =	shalt  }
0x74: {  	_ =	shalt  }
0x75: {  	_ =	shalt  }
0x76: {  	_ =	shalt  }
0x77: {  	_ =	shalt  }
0x78: {  	_ =	shalt  }
0x79: {  	_ =	shalt  }
0x7a: {  	_ =	shalt  }
0x7b: {  	_ =	shalt  }
0x7c: {  	_ =	shalt  }
0x7d: {  	_ =	shalt  }
0x7e: {  	_ =	shalt  }
0x7f: {  	_ =	shalt  }
0x80: {  	_ =	shalt  }
0x81: {  	_ =	shalt  }
0x82: {  	_ =	shalt  }
0x83: {  	_ =	shalt  }
0x84: {  	_ =	shalt  }
0x85: {  	_ =	shalt  }
0x86: {  	_ =	shalt  }
0x87: {  	_ =	shalt  }
.Lfunc_end0:
.L_simem_size_0:
called_computation.1_lowered:
.L_overlay_start_0:
0x88: {  	s2 =	sld [smem:$0x3FD9]  }
0x89: {  	s3 =	sld [smem:$0x3FFE];
	_ =	sdelay $0x1  }
0x8a: {  	s1 =	srdreg.scid  }
0x8b: {  	s0 =	sand.u32 $0x1, s1  }
0x8c: {  	s17 =	sshll.u32 s0, $0xA;
	s2 =	sadd.s32 s3, s2  }
0x8d: {  	s2 =	sadd.s32 s2, s17  }
0x8e: {  	[smem:$0x3FBD] =	sst s2  }
0x8f: {  	_ = 	snop  }
0x90: {  	s2 =	sld [smem:$0x3FD0];
	(tm) =	ssettm $0x1  }
0x91: {  	s18 =	sld [smem:$0x3FFB];
	_ =	sdelay $0x3  }
0x92: {  	_ =	strace s18  }
0x93: {  	s3 =	sld [smem:$0x3FFC];
	_ =	sdelay $0x3  }
0x94: {  	_ =	strace s3  }
0x95: {  	s3 =	sld [smem:$0x3FFD];
	_ =	sdelay $0x3  }
0x96: {  	_ =	strace s3  }
0x97: {  	_ =	strace $0x8FFFFFFF  }
0x98: {  	s19 =	sld [smem:$0x3FDB];
	_ =	sdelay $0x1  }
0x99: {  	s4 =	simm.s32 $_scs_section_size  }
0x9a: {  	s5 =	simm.s32 $_size__tile_overlayer_lowered;
	s6 =	simm.s32 $_tile_overlayer_lowered  }
0x9b: {  	s22 =	simm.s32 $0x1BFF;
	s21 =	sshll.u32 s6, $0x1;
	s3 =	sadd.s32 s4, s19  }
0x9c: {  	s7 =	simm.s32 $0x0;
	s20 =	sshll.u32 s5, $0x1;
	s5 =	sadd.s32 s21, s3  }
0x9d: {  	[timem:s7], [sflag:s22] =	dma.local [hbm:s5], s20  }
0x9e: {  	_ =	swait.ge [sflag:s22], s20  }
0x9f: {  	s4 =	ssub.s32 $0x0, s20;
	[sflag:s22] =	ssyncset.done $0x0  }
0xa0: {  	[sflag:s22] =	ssyncadd.s32 s4;
	_ =	sdelay $0x1  }
0xa1: {  	s23 =	simm.s32 $0x1B8B  }
0xa2: {  	_ =	swait.ge [sflag:s23], $0x1  }
0xa3: {  	[sflag:s23] =	ssyncset.done $0x0  }
0xa4: {  	s25 =	simm.s32 $0x1B8E;
	s24 =	sld [smem:$0x3FFE];
	[sflag:s23] =	ssyncadd.s32 $0xFFFFFFFF  }
0xa5: {  	s26 =	simm.s32 $execute0_lowered;
	[smem:$0x3FD2] =	sst s25  }
0xa6: {  	s5 =	sshll.u32 s26, $0x1;
	_ =	strace $0x80000049;
	[dreg:$0x1] =	wrdreg $0xFFFFFFFF  }
0xa7: {  	s28 =	simm.s32 $_size_execute0_lowered;
	s3 =	sadd.s32 s3, s5;
	[dreg:$0x0] =	wrdreg $0x0  }
0xa8: {  	s5 =	sshll.u32 s28, $0x1;
	[dreg:$0x2] =	wrdreg s3  }
0xa9: {  	[dreg:$0x3] =	wrdreg s5  }
0xaa: {  	[dreg:$0x4] =	wrdreg $0xC0  }
0xab: {  	_ =	task [dreg:s7], $0x5FFFF  }
0xac: {  	[dreg:$0x1] =	wrdreg $0xFFFFFFFF  }
0xad: {  	[dreg:$0x0] =	wrdreg $0x60  }
0xae: {  	[dreg:$0x2] =	wrdreg s24  }
0xaf: {  	[dreg:$0x3] =	wrdreg s2  }
0xb0: {  	[dreg:$0x4] =	wrdreg $0x9  }
0xb1: {  	_ =	task.clear_ibuf [dreg:s7], $0x5FFFF;
	_ =	strace $0x90000049  }
0xb2: {  	s29 =	simm.s32 $0x9;
	_ =	strace $0x8000004B  }
0xb3: {  	_ =	swait.ge [sflag:s29], $0x1  }
0xb4: {  	[sflag:s29] =	ssyncadd.s32 $0xFFFFFFFF  }
0xb5: {  	_ =	strace $0x9000004B  }
0xb6: {  	_ =	sfence  }
0xb7: {  	s30 =	sld [smem:$0x0];
	_ =	sdelay $0x2  }
0xb8: {  	s31 =	sshll.u32 s1, $0xD;
	s1 =	sshrl.u32 s1, $0x2  }
0xb9: {  	s3 =	sand.u32 $0x4000, s31;
	s1 =	sadd.s32 s1, s30  }
0xba: {  	s0 =	sor.u32 s3, s0;
	s1 =	sshll.u32 s1, $0x11  }
0xbb: {  	s0 =	sor.u32 s1, s0  }
0xbc: {  	s0 =	sadd.s32 $0x8F2B, s0  }
0xbd: {  	[sflag:s0] =	ssyncadd.remote.s32 $0x1  }
0xbe: {  	_ =	sfence.sel $0xFFFF  }
0xbf: {  	[dreg:$0x0] =	wrdreg $0xFFFFFFFF;
	(pc) =	sbr.abs _section_cstart, $3  }
0xc0: {  	[dreg:$0x1] =	wrdreg $0xFFFFFFFF  }
0xc1: {  	_ =	task.clear_ibuf [dreg:s7], $0x2FFFF;
	_ =	strace $0x9FFFFFFF  }
0xc2: {  	(tm) =	ssettm $0x7FFFFFFF  }
0xc3: {  	_ =	shalt  }
tec
execute0_lowered:
.L_overlay_start_1:
0x0: {  	(tag) =	ssettag $0x1  }
0x1: {  	s0 =	rddreg [dreg:$0x0]  }
0x2: {  	s1 =	rddreg [dreg:$0x1];
	s3 =	srdreg.scid;
	s2 =	simm.s32 $0x0  }
0x3: {  	s4 =	stileid.u32;
	s14 =	simm.s32 $0x2;
	s20 =	simm.s32 $0x2880  }
0x4: {  	s21 =	simm.s32 $0x3080;
	s22 =	simm.s32 $0x3880;
	s23 =	simm.s32 $0x4080  }
0x5: {  	s28 =	simm.s32 $0x6080;
	s29 =	simm.s32 $0x6880;
	s30 =	simm.s32 $0x7080  }
0x6: {  	s31 =	simm.s32 $0x7880;
	s3 =	sand.u32 $0x1, s3;
	[smem:$0x7FF] =	sst s2  }
0x7: {  	s4 =	sshll.u32 s4, $0x7;
	s8 =	sadd.s32 $0x400, s0;
	s5 =	sshll.u32 s3, $0x6  }
0x8: {  	_ =	strace $0x8000004A;
	s6 =	ssub.s32 $0x2, s3;
	s3 =	sadd.s32 $0x40400, s0  }
0x9: {  	s4 =	sor.u32 s5, s4;
	s24 =	sshrl.u32 s6, $0x1;
	s5 =	sadd.s32 $0x40500, s0  }
0xa: {  	s7 =	sshrl.u32 s4, $0x3;
	s13 =	ssub.s32 s6, s24;
	s6 =	sadd.s32 $0x40600, s0  }
0xb: {  	s9 =	sshll.u32 s4, $0x7;
	s4 =	sor.u32 $0x20, s4;
	s24 =	simm.s32 $0x4880  }
0xc: {  	s25 =	sadd.s32 s0, s7;
	s7 =	sadd.s32 $0x40700, s0;
	s10 =	sadd.s32 s8, s9  }
0xd: {  	s9 =	sadd.s32 s1, s9;
	s26 =	sshrl.u32 s4, $0x3;
	[dreg:$0x3] =	wrdreg s25  }
0xe: {  	s4 =	sshll.u32 s4, $0x7;
	s13 =	smax.u32 s13, $0x1;
	[dreg:$0x4] =	wrdreg s10  }
0xf: {  	v2 =	vlaneseq.u32;
	[dreg:$0x5] =	wrdreg s9;
	s10 =	sadd.s32 s0, s26;
	s11 =	sadd.s32 s8, s4  }
0x10: {  	vm0 =	vmmov $0xffff;
	v1 =	vshrl.u32 v2, $0x3;
	s12 =	sadd.s32 s1, s4;
	s25 =	simm.s32 $0x5080;
	s26 =	simm.s32 $0x5880  }
0x11: {  	v0 =	vand.u32 $0x7, v2;
	v2 =	vor.u32 $0x8, v2;
	v1 =	vmul.u32 $0x8, v1;
	s0 =	simm.s32 $0x1;
	s1 =	simm.s32 $0x8080;
	s4 =	simm.s32 $0x0  }
.LBB2_1:
0x12: {  	s8 =	rddreg [dreg:$0x3]  }
0x13: {  	[tilespmem:s2], [sflag:$0x2] =	stream.linear.gather [hbm4b:s8+s2], $0x20, $0x38;
	[tilespmem:$0x10080] =	vst v63  }
0x14: {  	_ =	swait.ge [sflag:s14], $0x20  }
0x15: {  	[sflag:s14] =	ssyncset.done $0x0  }
0x16: {  	[sflag:s14] =	ssyncadd.s32 $0xFFFFFFE0  }
0x17: {  	v3 =	vld [tilespmem:$0x0];
	_ =	sdelay $0x4  }
0x18: {  	v4 =	vshll.u32 v3, $0x3  }
0x19: {  	v3 =	vand.u32 $0x7, v3;
	v4 =	vand.u32 $0xFFFFFFC0, v4  }
0x1a: {  	v3 =	vor.u32 v3, v4  }
0x1b: {  	v4 =	vperm.xlane v3, v0;
	_ =	sdelay $0x1  }
0x1c: {  	v4 =	vadd.s32 v1, v4;
	_ =	sdelay $0x3  }
0x1d: {  	s9 =	simm.s32 $0x80  }
0x1e: {  	[tilespmem:s9], [sflag:$0x1] =	stream.indirect_vreg.gather [hbm4b:s3+s2], $0x80, v4, vm0, $0xb8;
	[tilespmem:$0x10080] =	vst v63  }
0x1f: {  	s15 =	simm.s32 $0x880;
	v3 =	vperm.xlane v3, v2  }
0x20: {  	[tilespmem:s15], [sflag:$0x1] =	stream.indirect_vreg.gather [hbm4b:s5+s2], $0x80, v4, vm0, $0xb8;
	[tilespmem:$0x10080] =	vst v63  }
0x21: {  	s16 =	simm.s32 $0x1080;
	v3 =	vadd.s32 v1, v3  }
0x22: {  	[tilespmem:s16], [sflag:$0x1] =	stream.indirect_vreg.gather [hbm4b:s6+s2], $0x80, v4, vm0, $0xb8;
	[tilespmem:$0x10080] =	vst v63  }
0x23: {  	s17 =	simm.s32 $0x1880  }
0x24: {  	[tilespmem:s17], [sflag:$0x1] =	stream.indirect_vreg.gather [hbm4b:s7+s2], $0x80, v4, vm0, $0xb8;
	[tilespmem:$0x10080] =	vst v63  }
0x25: {  	s18 =	simm.s32 $0x2080  }
0x26: {  	[tilespmem:s18], [sflag:$0x1] =	stream.indirect_vreg.gather [hbm4b:s3+s2], $0x80, v3, vm0, $0xb8;
	[tilespmem:$0x10080] =	vst v63  }
0x27: {  	_ = 	snop  }
0x28: {  	[tilespmem:s20], [sflag:$0x1] =	stream.indirect_vreg.gather [hbm4b:s5+s2], $0x80, v3, vm0, $0xb8;
	[tilespmem:$0x10080] =	vst v63  }
0x29: {  	_ = 	snop  }
0x2a: {  	[tilespmem:s21], [sflag:$0x1] =	stream.indirect_vreg.gather [hbm4b:s6+s2], $0x80, v3, vm0, $0xb8;
	[tilespmem:$0x10080] =	vst v63  }
0x2b: {  	_ = 	snop  }
0x2c: {  	[tilespmem:s22], [sflag:$0x1] =	stream.indirect_vreg.gather [hbm4b:s7+s2], $0x80, v3, vm0, $0xb8;
	[tilespmem:$0x10080] =	vst v63  }
0x2d: {  	v3 =	vld [tilespmem:$0x10];
	_ =	sdelay $0x4  }
0x2e: {  	v63 =	vshll.u32 v3, $0x3  }
0x2f: {  	v3 =	vand.u32 $0x7, v3;
	v4 =	vand.u32 $0xFFFFFFC0, v63  }
0x30: {  	v3 =	vor.u32 v3, v4  }
0x31: {  	v4 =	vperm.xlane v3, v0;
	_ =	sdelay $0x1  }
0x32: {  	v4 =	vadd.s32 v1, v4;
	_ =	sdelay $0x4  }
0x33: {  	[tilespmem:s23], [sflag:$0x1] =	stream.indirect_vreg.gather [hbm4b:s3+s2], $0x80, v4, vm0, $0xb8;
	[tilespmem:$0x10080] =	vst v63  }
0x34: {  	v3 =	vperm.xlane v3, v2  }
0x35: {  	[tilespmem:s24], [sflag:$0x1] =	stream.indirect_vreg.gather [hbm4b:s5+s2], $0x80, v4, vm0, $0xb8;
	[tilespmem:$0x10080] =	vst v63  }
0x36: {  	v3 =	vadd.s32 v1, v3  }
0x37: {  	[tilespmem:s25], [sflag:$0x1] =	stream.indirect_vreg.gather [hbm4b:s6+s2], $0x80, v4, vm0, $0xb8;
	[tilespmem:$0x10080] =	vst v63  }
0x38: {  	_ = 	snop  }
0x39: {  	[tilespmem:s26], [sflag:$0x1] =	stream.indirect_vreg.gather [hbm4b:s7+s2], $0x80, v4, vm0, $0xb8;
	[tilespmem:$0x10080] =	vst v63  }
0x3a: {  	_ = 	snop  }
0x3b: {  	[tilespmem:s28], [sflag:$0x1] =	stream.indirect_vreg.gather [hbm4b:s3+s2], $0x80, v3, vm0, $0xb8;
	[tilespmem:$0x10080] =	vst v63  }
0x3c: {  	_ = 	snop  }
0x3d: {  	[tilespmem:s29], [sflag:$0x1] =	stream.indirect_vreg.gather [hbm4b:s5+s2], $0x80, v3, vm0, $0xb8;
	[tilespmem:$0x10080] =	vst v63  }
0x3e: {  	_ = 	snop  }
0x3f: {  	[tilespmem:s30], [sflag:$0x1] =	stream.indirect_vreg.gather [hbm4b:s6+s2], $0x80, v3, vm0, $0xb8;
	[tilespmem:$0x10080] =	vst v63  }
0x40: {  	_ = 	snop  }
0x41: {  	[tilespmem:s31], [sflag:$0x1] =	stream.indirect_vreg.gather [hbm4b:s7+s2], $0x80, v3, vm0, $0xb8;
	[tilespmem:$0x10080] =	vst v63  }
0x42: {  	_ =	swait.ge [sflag:s0], $0x8000  }
0x43: {  	[sflag:s0] =	ssyncset.done $0x0  }
0x44: {  	s19 =	rddreg [dreg:$0x4];
	[sflag:s0] =	ssyncadd.s32 $0xFFFF8000  }
0x45: {  	[tilespmem:s1], [sflag:$0x2] =	stream.linear.gather [hbm4b:s19+s2], $0x8000, $0x38;
	[tilespmem:$0x10080] =	vst v63  }
0x46: {  	_ =	swait.ge [sflag:s14], $0x8000  }
0x47: {  	s8 =	simm.s32 $0x0;
	s15 =	simm.s32 $0xFFFF8000;
	[sflag:s14] =	ssyncset.done $0x0  }
0x48: {  	s16 =	simm.s32 $0x0;
	s17 =	simm.s32 $0x0;
	[sflag:s14] =	ssyncadd.s32 $0xFFFF8000  }
.LBB2_2:
0x49: {  	s18 =	sadd.s32 $0x8000, s15  }
0x4a: {  	s9 =	sand.u32 $0x380, s17;
	s18 =	sand.u32 $0x6000, s18  }
0x4b: {  	s18 =	sor.u32 s9, s18  }
0x4c: {  	v3 =	vld [tilespmem:s18+$0x8080]  }
0x4d: {  	v4 =	vld [tilespmem:s18+$0x80]  }
0x4e: {  	v5 =	vld [tilespmem:s18+$0x8090]  }
0x4f: {  	v6 =	vld [tilespmem:s18+$0x90]  }
0x50: {  	v7 =	vld [tilespmem:s18+$0x80A0]  }
0x51: {  	v8 =	vld [tilespmem:s18+$0xA0]  }
0x52: {  	v9 =	vld [tilespmem:s18+$0x80B0]  }
0x53: {  	v10 =	vld [tilespmem:s18+$0xB0]  }
0x54: {  	v11 =	vld [tilespmem:s18+$0x80C0]  }
0x55: {  	v12 =	vld [tilespmem:s18+$0xC0]  }
0x56: {  	v13 =	vld [tilespmem:s18+$0x80D0]  }
0x57: {  	v14 =	vld [tilespmem:s18+$0xD0]  }
0x58: {  	v15 =	vld [tilespmem:s18+$0x80E0]  }
0x59: {  	v16 =	vld [tilespmem:s18+$0xE0]  }
0x5a: {  	v17 =	vld [tilespmem:s18+$0x80F0]  }
0x5b: {  	v18 =	vld [tilespmem:s18+$0xF0]  }
0x5c: {  	v19 =	vld [tilespmem:s18+$0x8480]  }
0x5d: {  	v20 =	vld [tilespmem:s18+$0x480]  }
0x5e: {  	v21 =	vld [tilespmem:s18+$0x8490]  }
0x5f: {  	v22 =	vld [tilespmem:s18+$0x490]  }
0x60: {  	v23 =	vld [tilespmem:s18+$0x84A0]  }
0x61: {  	v24 =	vld [tilespmem:s18+$0x4A0]  }
0x62: {  	v25 =	vld [tilespmem:s18+$0x84B0]  }
0x63: {  	v26 =	vld [tilespmem:s18+$0x4B0]  }
0x64: {  	v27 =	vld [tilespmem:s18+$0x84C0]  }
0x65: {  	v28 =	vld [tilespmem:s18+$0x4C0]  }
0x66: {  	v29 =	vld [tilespmem:s18+$0x84D0]  }
0x67: {  	v30 =	vld [tilespmem:s18+$0x4D0]  }
0x68: {  	v31 =	vld [tilespmem:s18+$0x84E0]  }
0x69: {  	v32 =	vld [tilespmem:s18+$0x4E0]  }
0x6a: {  	v33 =	vld [tilespmem:s18+$0x84F0]  }
0x6b: {  	v34 =	vld [tilespmem:s18+$0x4F0]  }
0x6c: {  	v35 =	vld [tilespmem:s18+$0x8880]  }
0x6d: {  	v36 =	vld [tilespmem:s18+$0x880]  }
0x6e: {  	v37 =	vld [tilespmem:s18+$0x8890]  }
0x6f: {  	v38 =	vld [tilespmem:s18+$0x890]  }
0x70: {  	v39 =	vld [tilespmem:s18+$0x88A0]  }
0x71: {  	v40 =	vld [tilespmem:s18+$0x8A0]  }
0x72: {  	v41 =	vld [tilespmem:s18+$0x88B0]  }
0x73: {  	v42 =	vld [tilespmem:s18+$0x8B0]  }
0x74: {  	v43 =	vld [tilespmem:s18+$0x88C0]  }
0x75: {  	v44 =	vld [tilespmem:s18+$0x8C0]  }
0x76: {  	v45 =	vld [tilespmem:s18+$0x88D0]  }
0x77: {  	v46 =	vld [tilespmem:s18+$0x8D0]  }
0x78: {  	v47 =	vld [tilespmem:s18+$0x88E0]  }
0x79: {  	v48 =	vld [tilespmem:s18+$0x8E0]  }
0x7a: {  	v49 =	vld [tilespmem:s18+$0x88F0]  }
0x7b: {  	v50 =	vld [tilespmem:s18+$0x8F0]  }
0x7c: {  	v51 =	vld [tilespmem:s18+$0x8C80]  }
0x7d: {  	v52 =	vld [tilespmem:s18+$0xC80]  }
0x7e: {  	v53 =	vld [tilespmem:s18+$0x8C90]  }
0x7f: {  	v54 =	vld [tilespmem:s18+$0xC90]  }
0x80: {  	v55 =	vld [tilespmem:s18+$0x8CA0]  }
0x81: {  	v56 =	vld [tilespmem:s18+$0xCA0]  }
0x82: {  	v57 =	vld [tilespmem:s18+$0x8CB0]  }
0x83: {  	v58 =	vld [tilespmem:s18+$0xCB0]  }
0x84: {  	v59 =	vld [tilespmem:s18+$0x8CC0]  }
0x85: {  	v60 =	vld [tilespmem:s18+$0xCC0]  }
0x86: {  	v61 =	vld [tilespmem:s18+$0x8CD0]  }
0x87: {  	v62 =	vld [tilespmem:s18+$0xCD0]  }
0x88: {  	v63 =	vld [tilespmem:s18+$0x8CE0]  }
0x89: {  	v3 =	vadd.f32 v4, v3;
	v4 =	vld [tilespmem:s18+$0xCE0]  }
0x8a: {  	v5 =	vadd.f32 v6, v5;
	v6 =	vld [tilespmem:s18+$0x8CF0]  }
0x8b: {  	v14 =	vadd.f32 v14, v13;
	v13 =	vld [tilespmem:s18+$0x10A0];
	[tilespmem:s18+$0x8080] =	vst v3;
	v3 =	vadd.f32 v8, v7  }
0x8c: {  	v18 =	vadd.f32 v18, v17;
	v17 =	vld [tilespmem:s18+$0x10C0];
	[tilespmem:s18+$0x8090] =	vst v5  }
0x8d: {  	v22 =	vadd.f32 v22, v21;
	v21 =	vld [tilespmem:s18+$0x10E0];
	[tilespmem:s18+$0x80A0] =	vst v3;
	v3 =	vadd.f32 v12, v11  }
0x8e: {  	v7 =	vld [tilespmem:s18+$0xCF0];
	[tilespmem:s18+$0x80D0] =	vst v14  }
0x8f: {  	v8 =	vld [tilespmem:s18+$0x9080];
	[tilespmem:s18+$0x80C0] =	vst v3;
	v3 =	vadd.f32 v16, v15  }
0x90: {  	v5 =	vadd.f32 v10, v9;
	v9 =	vld [tilespmem:s18+$0x1080];
	[tilespmem:s18+$0x80F0] =	vst v18  }
0x91: {  	v10 =	vld [tilespmem:s18+$0x9090];
	[tilespmem:s18+$0x80E0] =	vst v3;
	v3 =	vadd.f32 v20, v19  }
0x92: {  	v26 =	vadd.f32 v26, v25;
	v14 =	vld [tilespmem:s18+$0x90B0];
	[tilespmem:s18+$0x8490] =	vst v22  }
0x93: {  	v18 =	vld [tilespmem:s18+$0x90D0];
	[tilespmem:s18+$0x8480] =	vst v3;
	v3 =	vadd.f32 v24, v23  }
0x94: {  	v30 =	vadd.f32 v30, v29;
	[tilespmem:s18+$0x84B0] =	vst v26;
	v22 =	vld [tilespmem:s18+$0x90F0]  }
0x95: {  	v19 =	vld [tilespmem:s18+$0x10D0];
	[tilespmem:s18+$0x84A0] =	vst v3;
	v3 =	vadd.f32 v28, v27  }
0x96: {  	v34 =	vadd.f32 v34, v33;
	[tilespmem:s18+$0x84D0] =	vst v30;
	v11 =	vld [tilespmem:s18+$0x1090]  }
0x97: {  	v12 =	vld [tilespmem:s18+$0x90A0];
	[tilespmem:s18+$0x84C0] =	vst v3;
	v3 =	vadd.f32 v32, v31  }
0x98: {  	[tilespmem:s18+$0x84F0] =	vst v34;
	v15 =	vld [tilespmem:s18+$0x10B0]  }
0x99: {  	v16 =	vld [tilespmem:s18+$0x90C0];
	[tilespmem:s18+$0x84E0] =	vst v3;
	v3 =	vadd.f32 v36, v35  }
0x9a: {  	[tilespmem:s18+$0x80B0] =	vst v5;
	v20 =	vld [tilespmem:s18+$0x90E0];
	v19 =	vadd.f32 v19, v18  }
0x9b: {  	v24 =	vld [tilespmem:s18+$0x9480];
	[tilespmem:s18+$0x8880] =	vst v3;
	v3 =	vadd.f32 v40, v39  }
0x9c: {  	[tilespmem:s18+$0x90D0] =	vst v19;
	v36 =	vadd.f32 v38, v37;
	v37 =	vld [tilespmem:s18+$0x10F0]  }
0x9d: {  	v38 =	vadd.f32 v42, v41;
	v41 =	vld [tilespmem:s18+$0x9490];
	[tilespmem:s18+$0x88A0] =	vst v3;
	v3 =	vadd.f32 v44, v43  }
0x9e: {  	v42 =	vld [tilespmem:s18+$0x1490];
	[tilespmem:s18+$0x8890] =	vst v36  }
0x9f: {  	v35 =	vld [tilespmem:s18+$0x9890];
	[tilespmem:s18+$0x88C0] =	vst v3;
	v3 =	vadd.f32 v48, v47  }
0xa0: {  	v39 =	vld [tilespmem:s18+$0x1480];
	[tilespmem:s18+$0x88B0] =	vst v38;
	v40 =	vadd.f32 v46, v45  }
0xa1: {  	v45 =	vld [tilespmem:s18+$0x14A0];
	[tilespmem:s18+$0x88E0] =	vst v3;
	v3 =	vadd.f32 v52, v51  }
0xa2: {  	v46 =	vadd.f32 v54, v53;
	v53 =	vld [tilespmem:s18+$0x94D0];
	[tilespmem:s18+$0x88D0] =	vst v40  }
0xa3: {  	v54 =	vld [tilespmem:s18+$0x14D0];
	[tilespmem:s18+$0x8C80] =	vst v3;
	v3 =	vadd.f32 v56, v55  }
0xa4: {  	v36 =	vld [tilespmem:s18+$0x1890];
	v43 =	vadd.f32 v50, v49;
	[tilespmem:s18+$0x8C90] =	vst v46  }
0xa5: {  	v38 =	vld [tilespmem:s18+$0x98A0];
	[tilespmem:s18+$0x8CA0] =	vst v3;
	v3 =	vadd.f32 v60, v59  }
0xa6: {  	v44 =	vld [tilespmem:s18+$0x94A0];
	v49 =	vadd.f32 v58, v57;
	[tilespmem:s18+$0x88F0] =	vst v43  }
0xa7: {  	v50 =	vld [tilespmem:s18+$0x94C0];
	[tilespmem:s18+$0x8CC0] =	vst v3;
	v3 =	vadd.f32 v4, v63  }
0xa8: {  	v57 =	vld [tilespmem:s18+$0x14E0];
	v58 =	vadd.f32 v11, v10;
	[tilespmem:s18+$0x8CB0] =	vst v49  }
0xa9: {  	v46 =	vld [tilespmem:s18+$0x18D0];
	[tilespmem:s18+$0x8CE0] =	vst v3;
	v3 =	vadd.f32 v9, v8  }
0xaa: {  	v37 =	vadd.f32 v37, v22;
	v40 =	vadd.f32 v42, v41;
	v41 =	vld [tilespmem:s18+$0x98B0];
	[tilespmem:s18+$0x9090] =	vst v58  }
0xab: {  	v42 =	vld [tilespmem:s18+$0x18B0];
	[tilespmem:s18+$0x9080] =	vst v3;
	v3 =	vadd.f32 v13, v12  }
0xac: {  	v47 =	vld [tilespmem:s18+$0x94B0];
	[tilespmem:s18+$0x90F0] =	vst v37  }
0xad: {  	v48 =	vld [tilespmem:s18+$0x14B0];
	[tilespmem:s18+$0x90A0] =	vst v3;
	v3 =	vadd.f32 v17, v16  }
0xae: {  	v49 =	vld [tilespmem:s18+$0x18E0];
	[tilespmem:s18+$0x9490] =	vst v40;
	v52 =	vadd.f32 v62, v61  }
0xaf: {  	v51 =	vld [tilespmem:s18+$0x14C0];
	[tilespmem:s18+$0x90C0] =	vst v3;
	v3 =	vadd.f32 v21, v20  }
0xb0: {  	v61 =	vadd.f32 v15, v14;
	v62 =	vld [tilespmem:s18+$0x9880];
	[tilespmem:s18+$0x8CD0] =	vst v52  }
0xb1: {  	v56 =	vld [tilespmem:s18+$0x94E0];
	[tilespmem:s18+$0x90E0] =	vst v3;
	v3 =	vadd.f32 v39, v24  }
0xb2: {  	v55 =	vadd.f32 v7, v6;
	[tilespmem:s18+$0x90B0] =	vst v61;
	v52 =	vld [tilespmem:s18+$0x18F0]  }
0xb3: {  	v43 =	vadd.f32 v48, v47;
	v47 =	vld [tilespmem:s18+$0x98E0];
	[tilespmem:s18+$0x9480] =	vst v3;
	v3 =	vadd.f32 v45, v44  }
0xb4: {  	[tilespmem:s18+$0x8CF0] =	vst v55;
	v63 =	vld [tilespmem:s18+$0x1880]  }
0xb5: {  	v59 =	vld [tilespmem:s18+$0x94F0];
	[tilespmem:s18+$0x94A0] =	vst v3;
	v3 =	vadd.f32 v51, v50  }
0xb6: {  	[tilespmem:s18+$0x94B0] =	vst v43;
	v4 =	vadd.f32 v54, v53;
	v39 =	vld [tilespmem:s18+$0x18A0]  }
0xb7: {  	v60 =	vld [tilespmem:s18+$0x14F0];
	[tilespmem:s18+$0x94C0] =	vst v3;
	v3 =	vadd.f32 v57, v56  }
0xb8: {  	v54 =	vadd.f32 v42, v41;
	[tilespmem:s18+$0x94D0] =	vst v4;
	v45 =	vld [tilespmem:s18+$0x98D0]  }
0xb9: {  	v53 =	vld [tilespmem:s18+$0x18C0];
	[tilespmem:s18+$0x94E0] =	vst v3;
	v3 =	vadd.f32 v63, v62  }
0xba: {  	[tilespmem:s18+$0x98B0] =	vst v54;
	v55 =	vadd.f32 v49, v47;
	v50 =	vld [tilespmem:s18+$0x98F0]  }
0xbb: {  	v44 =	vld [tilespmem:s18+$0x98C0];
	[tilespmem:s18+$0x9880] =	vst v3;
	v3 =	vadd.f32 v39, v38  }
0xbc: {  	v48 =	vadd.f32 v60, v59;
	[tilespmem:s18+$0x98E0] =	vst v55  }
0xbd: {  	[tilespmem:s18+$0x98A0] =	vst v3;
	v3 =	vadd.f32 v46, v45  }
0xbe: {  	s19 =	sand.u32 $0x7, s16;
	[tilespmem:s18+$0x94F0] =	vst v48;
	v51 =	vadd.f32 v36, v35  }
0xbf: {  	s9 =	sshll.u32 s19, $0x7;
	[tilespmem:s18+$0x98D0] =	vst v3;
	v3 =	vadd.f32 v52, v50  }
0xc0: {  	s9 =	sadd.s32 s9, s8;
	[tilespmem:s18+$0x9890] =	vst v51;
	v56 =	vadd.f32 v53, v44  }
0xc1: {  	s19 =	sor.u32 $0x1C00, s9;
	[tilespmem:s18+$0x98F0] =	vst v3  }
0xc2: {  	[tilespmem:s18+$0x98C0] =	vst v56;
	v3 =	vld [tilespmem:s19+$0x8080]  }
0xc3: {  	v4 =	vld [tilespmem:s19+$0x80];
	_ =	sdelay $0x4  }
0xc4: {  	v3 =	vadd.f32 v4, v3;
	_ =	sdelay $0x1  }
0xc5: {  	[tilespmem:s19+$0x8080] =	vst v3;
	s19 =	sor.u32 $0x1C10, s9  }
0xc6: {  	v3 =	vld [tilespmem:s19+$0x8080]  }
0xc7: {  	v57 =	vld [tilespmem:s19+$0x80];
	_ =	sdelay $0x4  }
0xc8: {  	v3 =	vadd.f32 v57, v3;
	_ =	sdelay $0x1  }
0xc9: {  	[tilespmem:s19+$0x8080] =	vst v3;
	s19 =	sor.u32 $0x1C20, s9  }
0xca: {  	v3 =	vld [tilespmem:s19+$0x8080]  }
0xcb: {  	v58 =	vld [tilespmem:s19+$0x80];
	_ =	sdelay $0x4  }
0xcc: {  	v3 =	vadd.f32 v58, v3;
	_ =	sdelay $0x1  }
0xcd: {  	[tilespmem:s19+$0x8080] =	vst v3;
	s19 =	sor.u32 $0x1C30, s9  }
0xce: {  	v3 =	vld [tilespmem:s19+$0x8080]  }
0xcf: {  	v59 =	vld [tilespmem:s19+$0x80];
	_ =	sdelay $0x4  }
0xd0: {  	v3 =	vadd.f32 v59, v3;
	_ =	sdelay $0x1  }
0xd1: {  	[tilespmem:s19+$0x8080] =	vst v3;
	s19 =	sor.u32 $0x1C40, s9  }
0xd2: {  	v3 =	vld [tilespmem:s19+$0x8080]  }
0xd3: {  	v60 =	vld [tilespmem:s19+$0x80];
	_ =	sdelay $0x4  }
0xd4: {  	v3 =	vadd.f32 v60, v3;
	_ =	sdelay $0x1  }
0xd5: {  	[tilespmem:s19+$0x8080] =	vst v3;
	s19 =	sor.u32 $0x1C50, s9  }
0xd6: {  	v3 =	vld [tilespmem:s19+$0x8080]  }
0xd7: {  	v61 =	vld [tilespmem:s19+$0x80];
	_ =	sdelay $0x4  }
0xd8: {  	v3 =	vadd.f32 v61, v3;
	_ =	sdelay $0x1  }
0xd9: {  	[tilespmem:s19+$0x8080] =	vst v3;
	s19 =	sor.u32 $0x1C60, s9  }
0xda: {  	v3 =	vld [tilespmem:s19+$0x8080]  }
0xdb: {  	v62 =	vld [tilespmem:s19+$0x80];
	_ =	sdelay $0x4  }
0xdc: {  	v3 =	vadd.f32 v62, v3;
	_ =	sdelay $0x1  }
0xdd: {  	s9 =	sor.u32 $0x1C70, s9;
	[tilespmem:s19+$0x8080] =	vst v3  }
0xde: {  	v3 =	vld [tilespmem:s9+$0x8080]  }
0xdf: {  	v63 =	vld [tilespmem:s9+$0x80];
	_ =	sdelay $0x1  }
0xe0: {  	p0 =	sne.s32 s17, $0xF80  }
.Ltmp0:
0xe1: {  	_ = 	snop;
	(pc) =	sbr.rel @p0 .LBB2_2-.Ltmp0, $4  }
0xe2: {  	_ = 	snop  }
0xe3: {  	v3 =	vadd.f32 v63, v3  }
0xe4: {  	s16 =	sadd.s32 $0x1, s16  }
0xe5: {  	s15 =	sadd.s32 $0x400, s15;
	s17 =	sadd.s32 $0x80, s17;
	s8 =	sadd.s32 $0x400, s8;
	[tilespmem:s9+$0x8080] =	vst v3  }
0xe6: {  	s15 =	simm.s32 $0x0;
	s8 =	rddreg [dreg:$0x5]  }
0xe7: {  	[hbm4b:s8+s15] =	stream.linear.scatter [tilespmem:s1], [sflag:$0x2], $0x8000, $0x38;
	[tilespmem:$0x10080] =	vst v63  }
0xe8: {  	_ =	swait.ge [sflag:s14], $0x8000  }
0xe9: {  	[sflag:s14] =	ssyncset.done $0x0  }
0xea: {  	[sflag:s14] =	ssyncadd.s32 $0xFFFF8000  }
0xeb: {  	[tilespmem:s15], [sflag:$0x2] =	stream.linear.gather [hbm4b:s10+s15], $0x20, $0x38;
	[tilespmem:$0x10080] =	vst v63  }
0xec: {  	_ =	swait.ge [sflag:s14], $0x20  }
0xed: {  	[sflag:s14] =	ssyncset.done $0x0  }
0xee: {  	[sflag:s14] =	ssyncadd.s32 $0xFFFFFFE0  }
0xef: {  	v3 =	vld [tilespmem:$0x0];
	_ =	sdelay $0x4  }
0xf0: {  	v4 =	vshll.u32 v3, $0x3  }
0xf1: {  	v3 =	vand.u32 $0x7, v3;
	v4 =	vand.u32 $0xFFFFFFC0, v4  }
0xf2: {  	v3 =	vor.u32 v3, v4  }
0xf3: {  	v4 =	vperm.xlane v3, v0;
	_ =	sdelay $0x1  }
0xf4: {  	v4 =	vadd.s32 v1, v4;
	_ =	sdelay $0x3  }
0xf5: {  	s9 =	simm.s32 $0x80  }
0xf6: {  	[tilespmem:s9], [sflag:$0x1] =	stream.indirect_vreg.gather [hbm4b:s3+s15], $0x80, v4, vm0, $0xb8;
	[tilespmem:$0x10080] =	vst v63  }
0xf7: {  	s16 =	simm.s32 $0x880;
	v3 =	vperm.xlane v3, v2  }
0xf8: {  	[tilespmem:s16], [sflag:$0x1] =	stream.indirect_vreg.gather [hbm4b:s5+s15], $0x80, v4, vm0, $0xb8;
	[tilespmem:$0x10080] =	vst v63  }
0xf9: {  	s17 =	simm.s32 $0x1080;
	v3 =	vadd.s32 v1, v3  }
0xfa: {  	[tilespmem:s17], [sflag:$0x1] =	stream.indirect_vreg.gather [hbm4b:s6+s15], $0x80, v4, vm0, $0xb8;
	[tilespmem:$0x10080] =	vst v63  }
0xfb: {  	s18 =	simm.s32 $0x1880  }
0xfc: {  	[tilespmem:s18], [sflag:$0x1] =	stream.indirect_vreg.gather [hbm4b:s7+s15], $0x80, v4, vm0, $0xb8;
	[tilespmem:$0x10080] =	vst v63  }
0xfd: {  	s19 =	simm.s32 $0x2080  }
0xfe: {  	[tilespmem:s19], [sflag:$0x1] =	stream.indirect_vreg.gather [hbm4b:s3+s15], $0x80, v3, vm0, $0xb8;
	[tilespmem:$0x10080] =	vst v63  }
0xff: {  	_ = 	snop  }
0x100: {  	[tilespmem:s20], [sflag:$0x1] =	stream.indirect_vreg.gather [hbm4b:s5+s15], $0x80, v3, vm0, $0xb8;
	[tilespmem:$0x10080] =	vst v63  }
0x101: {  	_ = 	snop  }
0x102: {  	[tilespmem:s21], [sflag:$0x1] =	stream.indirect_vreg.gather [hbm4b:s6+s15], $0x80, v3, vm0, $0xb8;
	[tilespmem:$0x10080] =	vst v63  }
0x103: {  	_ = 	snop  }
0x104: {  	[tilespmem:s22], [sflag:$0x1] =	stream.indirect_vreg.gather [hbm4b:s7+s15], $0x80, v3, vm0, $0xb8;
	[tilespmem:$0x10080] =	vst v63  }
0x105: {  	v3 =	vld [tilespmem:$0x10];
	_ =	sdelay $0x4  }
0x106: {  	v63 =	vshll.u32 v3, $0x3  }
0x107: {  	v3 =	vand.u32 $0x7, v3;
	v4 =	vand.u32 $0xFFFFFFC0, v63  }
0x108: {  	v3 =	vor.u32 v3, v4  }
0x109: {  	v4 =	vperm.xlane v3, v0;
	_ =	sdelay $0x1  }
0x10a: {  	v4 =	vadd.s32 v1, v4;
	_ =	sdelay $0x4  }
0x10b: {  	[tilespmem:s23], [sflag:$0x1] =	stream.indirect_vreg.gather [hbm4b:s3+s15], $0x80, v4, vm0, $0xb8;
	[tilespmem:$0x10080] =	vst v63  }
0x10c: {  	v3 =	vperm.xlane v3, v2  }
0x10d: {  	[tilespmem:s24], [sflag:$0x1] =	stream.indirect_vreg.gather [hbm4b:s5+s15], $0x80, v4, vm0, $0xb8;
	[tilespmem:$0x10080] =	vst v63  }
0x10e: {  	v3 =	vadd.s32 v1, v3  }
0x10f: {  	[tilespmem:s25], [sflag:$0x1] =	stream.indirect_vreg.gather [hbm4b:s6+s15], $0x80, v4, vm0, $0xb8;
	[tilespmem:$0x10080] =	vst v63  }
0x110: {  	_ = 	snop  }
0x111: {  	[tilespmem:s26], [sflag:$0x1] =	stream.indirect_vreg.gather [hbm4b:s7+s15], $0x80, v4, vm0, $0xb8;
	[tilespmem:$0x10080] =	vst v63  }
0x112: {  	_ = 	snop  }
0x113: {  	[tilespmem:s28], [sflag:$0x1] =	stream.indirect_vreg.gather [hbm4b:s3+s15], $0x80, v3, vm0, $0xb8;
	[tilespmem:$0x10080] =	vst v63  }
0x114: {  	_ = 	snop  }
0x115: {  	[tilespmem:s29], [sflag:$0x1] =	stream.indirect_vreg.gather [hbm4b:s5+s15], $0x80, v3, vm0, $0xb8;
	[tilespmem:$0x10080] =	vst v63  }
0x116: {  	_ = 	snop  }
0x117: {  	[tilespmem:s30], [sflag:$0x1] =	stream.indirect_vreg.gather [hbm4b:s6+s15], $0x80, v3, vm0, $0xb8;
	[tilespmem:$0x10080] =	vst v63  }
0x118: {  	_ = 	snop  }
0x119: {  	[tilespmem:s31], [sflag:$0x1] =	stream.indirect_vreg.gather [hbm4b:s7+s15], $0x80, v3, vm0, $0xb8;
	[tilespmem:$0x10080] =	vst v63  }
0x11a: {  	_ =	swait.ge [sflag:s0], $0x8000  }
0x11b: {  	[sflag:s0] =	ssyncset.done $0x0  }
0x11c: {  	[sflag:s0] =	ssyncadd.s32 $0xFFFF8000  }
0x11d: {  	[tilespmem:s1], [sflag:$0x2] =	stream.linear.gather [hbm4b:s11+s15], $0x8000, $0x38;
	[tilespmem:$0x10080] =	vst v63  }
0x11e: {  	_ =	swait.ge [sflag:s14], $0x8000  }
0x11f: {  	s8 =	simm.s32 $0x0;
	[sflag:s14] =	ssyncset.done $0x0  }
0x120: {  	s16 =	simm.s32 $0xFFFF8000;
	s17 =	simm.s32 $0x0;
	[sflag:s14] =	ssyncadd.s32 $0xFFFF8000  }
.LBB2_4:
0x121: {  	s9 =	sadd.s32 $0x8000, s16  }
0x122: {  	s18 =	sand.u32 $0x380, s17;
	s9 =	sand.u32 $0x6000, s9  }
0x123: {  	s18 =	sor.u32 s18, s9  }
0x124: {  	v3 =	vld [tilespmem:s18+$0x8080]  }
0x125: {  	v4 =	vld [tilespmem:s18+$0x80]  }
0x126: {  	v5 =	vld [tilespmem:s18+$0x8090]  }
0x127: {  	v6 =	vld [tilespmem:s18+$0x90]  }
0x128: {  	v7 =	vld [tilespmem:s18+$0x80A0]  }
0x129: {  	v8 =	vld [tilespmem:s18+$0xA0]  }
0x12a: {  	v9 =	vld [tilespmem:s18+$0x80B0]  }
0x12b: {  	v10 =	vld [tilespmem:s18+$0xB0]  }
0x12c: {  	v11 =	vld [tilespmem:s18+$0x80C0]  }
0x12d: {  	v12 =	vld [tilespmem:s18+$0xC0]  }
0x12e: {  	v13 =	vld [tilespmem:s18+$0x80D0]  }
0x12f: {  	v14 =	vld [tilespmem:s18+$0xD0]  }
0x130: {  	v15 =	vld [tilespmem:s18+$0x80E0]  }
0x131: {  	v16 =	vld [tilespmem:s18+$0xE0]  }
0x132: {  	v17 =	vld [tilespmem:s18+$0x80F0]  }
0x133: {  	v18 =	vld [tilespmem:s18+$0xF0]  }
0x134: {  	v19 =	vld [tilespmem:s18+$0x8480]  }
0x135: {  	v20 =	vld [tilespmem:s18+$0x480]  }
0x136: {  	v21 =	vld [tilespmem:s18+$0x8490]  }
0x137: {  	v22 =	vld [tilespmem:s18+$0x490]  }
0x138: {  	v23 =	vld [tilespmem:s18+$0x84A0]  }
0x139: {  	v24 =	vld [tilespmem:s18+$0x4A0]  }
0x13a: {  	v25 =	vld [tilespmem:s18+$0x84B0]  }
0x13b: {  	v26 =	vld [tilespmem:s18+$0x4B0]  }
0x13c: {  	v27 =	vld [tilespmem:s18+$0x84C0]  }
0x13d: {  	v28 =	vld [tilespmem:s18+$0x4C0]  }
0x13e: {  	v29 =	vld [tilespmem:s18+$0x84D0]  }
0x13f: {  	v30 =	vld [tilespmem:s18+$0x4D0]  }
0x140: {  	v31 =	vld [tilespmem:s18+$0x84E0]  }
0x141: {  	v32 =	vld [tilespmem:s18+$0x4E0]  }
0x142: {  	v33 =	vld [tilespmem:s18+$0x84F0]  }
0x143: {  	v34 =	vld [tilespmem:s18+$0x4F0]  }
0x144: {  	v35 =	vld [tilespmem:s18+$0x8880]  }
0x145: {  	v36 =	vld [tilespmem:s18+$0x880]  }
0x146: {  	v37 =	vld [tilespmem:s18+$0x8890]  }
0x147: {  	v38 =	vld [tilespmem:s18+$0x890]  }
0x148: {  	v39 =	vld [tilespmem:s18+$0x88A0]  }
0x149: {  	v40 =	vld [tilespmem:s18+$0x8A0]  }
0x14a: {  	v41 =	vld [tilespmem:s18+$0x88B0]  }
0x14b: {  	v42 =	vld [tilespmem:s18+$0x8B0]  }
0x14c: {  	v43 =	vld [tilespmem:s18+$0x88C0]  }
0x14d: {  	v44 =	vld [tilespmem:s18+$0x8C0]  }
0x14e: {  	v45 =	vld [tilespmem:s18+$0x88D0]  }
0x14f: {  	v46 =	vld [tilespmem:s18+$0x8D0]  }
0x150: {  	v47 =	vld [tilespmem:s18+$0x88E0]  }
0x151: {  	v48 =	vld [tilespmem:s18+$0x8E0]  }
0x152: {  	v49 =	vld [tilespmem:s18+$0x88F0]  }
0x153: {  	v50 =	vld [tilespmem:s18+$0x8F0]  }
0x154: {  	v51 =	vld [tilespmem:s18+$0x8C80]  }
0x155: {  	v52 =	vld [tilespmem:s18+$0xC80]  }
0x156: {  	v53 =	vld [tilespmem:s18+$0x8C90]  }
0x157: {  	v54 =	vld [tilespmem:s18+$0xC90]  }
0x158: {  	v55 =	vld [tilespmem:s18+$0x8CA0]  }
0x159: {  	v56 =	vld [tilespmem:s18+$0xCA0]  }
0x15a: {  	v57 =	vld [tilespmem:s18+$0x8CB0]  }
0x15b: {  	v58 =	vld [tilespmem:s18+$0xCB0]  }
0x15c: {  	v59 =	vld [tilespmem:s18+$0x8CC0]  }
0x15d: {  	v60 =	vld [tilespmem:s18+$0xCC0]  }
0x15e: {  	v61 =	vld [tilespmem:s18+$0x8CD0]  }
0x15f: {  	v62 =	vld [tilespmem:s18+$0xCD0]  }
0x160: {  	v63 =	vld [tilespmem:s18+$0x8CE0]  }
0x161: {  	v3 =	vadd.f32 v4, v3;
	v4 =	vld [tilespmem:s18+$0xCE0]  }
0x162: {  	v5 =	vadd.f32 v6, v5;
	v6 =	vld [tilespmem:s18+$0x8CF0]  }
0x163: {  	v14 =	vadd.f32 v14, v13;
	v13 =	vld [tilespmem:s18+$0x10A0];
	[tilespmem:s18+$0x8080] =	vst v3;
	v3 =	vadd.f32 v8, v7  }
0x164: {  	v18 =	vadd.f32 v18, v17;
	v17 =	vld [tilespmem:s18+$0x10C0];
	[tilespmem:s18+$0x8090] =	vst v5  }
0x165: {  	v22 =	vadd.f32 v22, v21;
	v21 =	vld [tilespmem:s18+$0x10E0];
	[tilespmem:s18+$0x80A0] =	vst v3;
	v3 =	vadd.f32 v12, v11  }
0x166: {  	v7 =	vld [tilespmem:s18+$0xCF0];
	[tilespmem:s18+$0x80D0] =	vst v14  }
0x167: {  	v8 =	vld [tilespmem:s18+$0x9080];
	[tilespmem:s18+$0x80C0] =	vst v3;
	v3 =	vadd.f32 v16, v15  }
0x168: {  	v5 =	vadd.f32 v10, v9;
	v9 =	vld [tilespmem:s18+$0x1080];
	[tilespmem:s18+$0x80F0] =	vst v18  }
0x169: {  	v10 =	vld [tilespmem:s18+$0x9090];
	[tilespmem:s18+$0x80E0] =	vst v3;
	v3 =	vadd.f32 v20, v19  }
0x16a: {  	v26 =	vadd.f32 v26, v25;
	v14 =	vld [tilespmem:s18+$0x90B0];
	[tilespmem:s18+$0x8490] =	vst v22  }
0x16b: {  	v18 =	vld [tilespmem:s18+$0x90D0];
	[tilespmem:s18+$0x8480] =	vst v3;
	v3 =	vadd.f32 v24, v23  }
0x16c: {  	v30 =	vadd.f32 v30, v29;
	[tilespmem:s18+$0x84B0] =	vst v26;
	v22 =	vld [tilespmem:s18+$0x90F0]  }
0x16d: {  	v19 =	vld [tilespmem:s18+$0x10D0];
	[tilespmem:s18+$0x84A0] =	vst v3;
	v3 =	vadd.f32 v28, v27  }
0x16e: {  	v34 =	vadd.f32 v34, v33;
	[tilespmem:s18+$0x84D0] =	vst v30;
	v11 =	vld [tilespmem:s18+$0x1090]  }
0x16f: {  	v12 =	vld [tilespmem:s18+$0x90A0];
	[tilespmem:s18+$0x84C0] =	vst v3;
	v3 =	vadd.f32 v32, v31  }
0x170: {  	[tilespmem:s18+$0x84F0] =	vst v34;
	v15 =	vld [tilespmem:s18+$0x10B0]  }
0x171: {  	v16 =	vld [tilespmem:s18+$0x90C0];
	[tilespmem:s18+$0x84E0] =	vst v3;
	v3 =	vadd.f32 v36, v35  }
0x172: {  	[tilespmem:s18+$0x80B0] =	vst v5;
	v20 =	vld [tilespmem:s18+$0x90E0];
	v19 =	vadd.f32 v19, v18  }
0x173: {  	v24 =	vld [tilespmem:s18+$0x9480];
	[tilespmem:s18+$0x8880] =	vst v3;
	v3 =	vadd.f32 v40, v39  }
0x174: {  	[tilespmem:s18+$0x90D0] =	vst v19;
	v36 =	vadd.f32 v38, v37;
	v37 =	vld [tilespmem:s18+$0x10F0]  }
0x175: {  	v38 =	vadd.f32 v42, v41;
	v41 =	vld [tilespmem:s18+$0x9490];
	[tilespmem:s18+$0x88A0] =	vst v3;
	v3 =	vadd.f32 v44, v43  }
0x176: {  	v42 =	vld [tilespmem:s18+$0x1490];
	[tilespmem:s18+$0x8890] =	vst v36  }
0x177: {  	v35 =	vld [tilespmem:s18+$0x9890];
	[tilespmem:s18+$0x88C0] =	vst v3;
	v3 =	vadd.f32 v48, v47  }
0x178: {  	v39 =	vld [tilespmem:s18+$0x1480];
	[tilespmem:s18+$0x88B0] =	vst v38;
	v40 =	vadd.f32 v46, v45  }
0x179: {  	v45 =	vld [tilespmem:s18+$0x14A0];
	[tilespmem:s18+$0x88E0] =	vst v3;
	v3 =	vadd.f32 v52, v51  }
0x17a: {  	v46 =	vadd.f32 v54, v53;
	v53 =	vld [tilespmem:s18+$0x94D0];
	[tilespmem:s18+$0x88D0] =	vst v40  }
0x17b: {  	v54 =	vld [tilespmem:s18+$0x14D0];
	[tilespmem:s18+$0x8C80] =	vst v3;
	v3 =	vadd.f32 v56, v55  }
0x17c: {  	v36 =	vld [tilespmem:s18+$0x1890];
	v43 =	vadd.f32 v50, v49;
	[tilespmem:s18+$0x8C90] =	vst v46  }
0x17d: {  	v38 =	vld [tilespmem:s18+$0x98A0];
	[tilespmem:s18+$0x8CA0] =	vst v3;
	v3 =	vadd.f32 v60, v59  }
0x17e: {  	v44 =	vld [tilespmem:s18+$0x94A0];
	v49 =	vadd.f32 v58, v57;
	[tilespmem:s18+$0x88F0] =	vst v43  }
0x17f: {  	v50 =	vld [tilespmem:s18+$0x94C0];
	[tilespmem:s18+$0x8CC0] =	vst v3;
	v3 =	vadd.f32 v4, v63  }
0x180: {  	v57 =	vld [tilespmem:s18+$0x14E0];
	v58 =	vadd.f32 v11, v10;
	[tilespmem:s18+$0x8CB0] =	vst v49  }
0x181: {  	v46 =	vld [tilespmem:s18+$0x18D0];
	[tilespmem:s18+$0x8CE0] =	vst v3;
	v3 =	vadd.f32 v9, v8  }
0x182: {  	v37 =	vadd.f32 v37, v22;
	v40 =	vadd.f32 v42, v41;
	v41 =	vld [tilespmem:s18+$0x98B0];
	[tilespmem:s18+$0x9090] =	vst v58  }
0x183: {  	v42 =	vld [tilespmem:s18+$0x18B0];
	[tilespmem:s18+$0x9080] =	vst v3;
	v3 =	vadd.f32 v13, v12  }
0x184: {  	v47 =	vld [tilespmem:s18+$0x94B0];
	[tilespmem:s18+$0x90F0] =	vst v37  }
0x185: {  	v48 =	vld [tilespmem:s18+$0x14B0];
	[tilespmem:s18+$0x90A0] =	vst v3;
	v3 =	vadd.f32 v17, v16  }
0x186: {  	v49 =	vld [tilespmem:s18+$0x18E0];
	[tilespmem:s18+$0x9490] =	vst v40;
	v52 =	vadd.f32 v62, v61  }
0x187: {  	v51 =	vld [tilespmem:s18+$0x14C0];
	[tilespmem:s18+$0x90C0] =	vst v3;
	v3 =	vadd.f32 v21, v20  }
0x188: {  	v61 =	vadd.f32 v15, v14;
	v62 =	vld [tilespmem:s18+$0x9880];
	[tilespmem:s18+$0x8CD0] =	vst v52  }
0x189: {  	v56 =	vld [tilespmem:s18+$0x94E0];
	[tilespmem:s18+$0x90E0] =	vst v3;
	v3 =	vadd.f32 v39, v24  }
0x18a: {  	v55 =	vadd.f32 v7, v6;
	[tilespmem:s18+$0x90B0] =	vst v61;
	v52 =	vld [tilespmem:s18+$0x18F0]  }
0x18b: {  	v43 =	vadd.f32 v48, v47;
	v47 =	vld [tilespmem:s18+$0x98E0];
	[tilespmem:s18+$0x9480] =	vst v3;
	v3 =	vadd.f32 v45, v44  }
0x18c: {  	[tilespmem:s18+$0x8CF0] =	vst v55;
	v63 =	vld [tilespmem:s18+$0x1880]  }
0x18d: {  	v59 =	vld [tilespmem:s18+$0x94F0];
	[tilespmem:s18+$0x94A0] =	vst v3;
	v3 =	vadd.f32 v51, v50  }
0x18e: {  	[tilespmem:s18+$0x94B0] =	vst v43;
	v4 =	vadd.f32 v54, v53;
	v39 =	vld [tilespmem:s18+$0x18A0]  }
0x18f: {  	v60 =	vld [tilespmem:s18+$0x14F0];
	[tilespmem:s18+$0x94C0] =	vst v3;
	v3 =	vadd.f32 v57, v56  }
0x190: {  	v54 =	vadd.f32 v42, v41;
	[tilespmem:s18+$0x94D0] =	vst v4;
	v45 =	vld [tilespmem:s18+$0x98D0]  }
0x191: {  	v53 =	vld [tilespmem:s18+$0x18C0];
	[tilespmem:s18+$0x94E0] =	vst v3;
	v3 =	vadd.f32 v63, v62  }
0x192: {  	[tilespmem:s18+$0x98B0] =	vst v54;
	v55 =	vadd.f32 v49, v47;
	v50 =	vld [tilespmem:s18+$0x98F0]  }
0x193: {  	v44 =	vld [tilespmem:s18+$0x98C0];
	[tilespmem:s18+$0x9880] =	vst v3;
	v3 =	vadd.f32 v39, v38  }
0x194: {  	v48 =	vadd.f32 v60, v59;
	[tilespmem:s18+$0x98E0] =	vst v55  }
0x195: {  	[tilespmem:s18+$0x98A0] =	vst v3;
	v3 =	vadd.f32 v46, v45  }
0x196: {  	s19 =	sand.u32 $0x7, s15;
	[tilespmem:s18+$0x94F0] =	vst v48;
	v51 =	vadd.f32 v36, v35  }
0x197: {  	s9 =	sshll.u32 s19, $0x7;
	[tilespmem:s18+$0x98D0] =	vst v3;
	v3 =	vadd.f32 v52, v50  }
0x198: {  	s9 =	sadd.s32 s9, s8;
	[tilespmem:s18+$0x9890] =	vst v51;
	v56 =	vadd.f32 v53, v44  }
0x199: {  	s19 =	sor.u32 $0x1C00, s9;
	[tilespmem:s18+$0x98F0] =	vst v3  }
0x19a: {  	[tilespmem:s18+$0x98C0] =	vst v56;
	v3 =	vld [tilespmem:s19+$0x8080]  }
0x19b: {  	v4 =	vld [tilespmem:s19+$0x80];
	_ =	sdelay $0x4  }
0x19c: {  	v3 =	vadd.f32 v4, v3;
	_ =	sdelay $0x1  }
0x19d: {  	[tilespmem:s19+$0x8080] =	vst v3;
	s19 =	sor.u32 $0x1C10, s9  }
0x19e: {  	v3 =	vld [tilespmem:s19+$0x8080]  }
0x19f: {  	v57 =	vld [tilespmem:s19+$0x80];
	_ =	sdelay $0x4  }
0x1a0: {  	v3 =	vadd.f32 v57, v3;
	_ =	sdelay $0x1  }
0x1a1: {  	[tilespmem:s19+$0x8080] =	vst v3;
	s19 =	sor.u32 $0x1C20, s9  }
0x1a2: {  	v3 =	vld [tilespmem:s19+$0x8080]  }
0x1a3: {  	v58 =	vld [tilespmem:s19+$0x80];
	_ =	sdelay $0x4  }
0x1a4: {  	v3 =	vadd.f32 v58, v3;
	_ =	sdelay $0x1  }
0x1a5: {  	[tilespmem:s19+$0x8080] =	vst v3;
	s19 =	sor.u32 $0x1C30, s9  }
0x1a6: {  	v3 =	vld [tilespmem:s19+$0x8080]  }
0x1a7: {  	v59 =	vld [tilespmem:s19+$0x80];
	_ =	sdelay $0x4  }
0x1a8: {  	v3 =	vadd.f32 v59, v3;
	_ =	sdelay $0x1  }
0x1a9: {  	[tilespmem:s19+$0x8080] =	vst v3;
	s19 =	sor.u32 $0x1C40, s9  }
0x1aa: {  	v3 =	vld [tilespmem:s19+$0x8080]  }
0x1ab: {  	v60 =	vld [tilespmem:s19+$0x80];
	_ =	sdelay $0x4  }
0x1ac: {  	v3 =	vadd.f32 v60, v3;
	_ =	sdelay $0x1  }
0x1ad: {  	[tilespmem:s19+$0x8080] =	vst v3;
	s19 =	sor.u32 $0x1C50, s9  }
0x1ae: {  	v3 =	vld [tilespmem:s19+$0x8080]  }
0x1af: {  	v61 =	vld [tilespmem:s19+$0x80];
	_ =	sdelay $0x4  }
0x1b0: {  	v3 =	vadd.f32 v61, v3;
	_ =	sdelay $0x1  }
0x1b1: {  	[tilespmem:s19+$0x8080] =	vst v3;
	s19 =	sor.u32 $0x1C60, s9  }
0x1b2: {  	v3 =	vld [tilespmem:s19+$0x8080]  }
0x1b3: {  	v62 =	vld [tilespmem:s19+$0x80];
	_ =	sdelay $0x4  }
0x1b4: {  	v3 =	vadd.f32 v62, v3;
	_ =	sdelay $0x1  }
0x1b5: {  	s9 =	sor.u32 $0x1C70, s9;
	[tilespmem:s19+$0x8080] =	vst v3  }
0x1b6: {  	v3 =	vld [tilespmem:s9+$0x8080]  }
0x1b7: {  	v63 =	vld [tilespmem:s9+$0x80];
	_ =	sdelay $0x1  }
0x1b8: {  	p0 =	sne.s32 s17, $0xF80  }
.Ltmp1:
0x1b9: {  	_ = 	snop;
	(pc) =	sbr.rel @p0 .LBB2_4-.Ltmp1, $4  }
0x1ba: {  	_ = 	snop  }
0x1bb: {  	v3 =	vadd.f32 v63, v3  }
0x1bc: {  	s15 =	sadd.s32 $0x1, s15  }
0x1bd: {  	s16 =	sadd.s32 $0x400, s16;
	s17 =	sadd.s32 $0x80, s17;
	s8 =	sadd.s32 $0x400, s8;
	[tilespmem:s9+$0x8080] =	vst v3  }
0x1be: {  	s4 =	sadd.s32 $0x1, s4  }
0x1bf: {  	p0 =	sne.s32 s4, s13  }
.Ltmp2:
0x1c0: {  	_ = 	snop;
	(pc) =	sbr.rel @p0 .LBB2_1-.Ltmp2, $4  }
0x1c1: {  	[hbm4b:s12+s2] =	stream.linear.scatter [tilespmem:s1], [sflag:$0x2], $0x8000, $0x38;
	[tilespmem:$0x10080] =	vst v63  }
0x1c2: {  	_ =	swait.ge [sflag:s14], $0x8000  }
0x1c3: {  	[sflag:s14] =	ssyncset.done $0x0  }
0x1c4: {  	[sflag:s14] =	ssyncadd.s32 $0xFFFF8000  }
0x1c5: {  	_ =	sfence.sel $0x180000  }
0x1c6: {  	[bflag:$0x0] =	sbarrier.arrive $0xFFFF  }
0x1c7: {  	_ =	strace $0x9000004A  }
0x1c8: {  	s0 =	stileid.u32;
	[bflag:$0x2] =	sbarrier.arrive $0xFFFF  }
0x1c9: {  	p0 =	sne.s32 s0, $0x0;
	s0 =	rddreg [dreg:$0x2]  }
0x1ca: {  	s0 =	sadd.s32 @!p0 $0x100000, s0  }
0x1cb: {  	[sflag:s0] =	ssyncadd.tile.s32 @!p0 $0x1;
	_ =	shalt  }
.Lfunc_end2:
_tile_overlayer_lowered:
.L_overlay_start_2:
0x1cc: {  	(tag) =	ssettag $0x2  }
0x1cd: {  	s0 =	rddreg [dreg:$0x0];
	s2 =	stileid.u32  }
0x1ce: {  	s1 =	rddreg [dreg:$0x1];
	p0 =	sne.s32 s2, $0x0  }
0x1cf: {  	s3 =	rddreg [dreg:$0x2];
	[bflag:$0x3] =	sbarrier.arrive $0xFFFF;
	s2 =	simm.s32 @!p0 $0x1C02  }
0x1d0: {  	[timem:s3], [sflag:s2] =	dma.local @!p0 [hbm:s0], s1  }
0x1d1: {  	s0 =	simm.s32 @!p0 $0x2  }
0x1d2: {  	_ =	swait.ge @!p0 [sflag:s0], s1  }
0x1d3: {  	s1 =	ssub.s32 @!p0 $0x0, s1;
	[sflag:s0] =	ssyncset.done @!p0 $0x0  }
0x1d4: {  	[sflag:s0] =	ssyncadd.s32 @!p0 s1  }
0x1d5: {  	[bflag:$0x3] =	sbarrier.arrive $0xFFFF  }
0x1d6: {  	_ =	shalt  }

// kernel: kernel.7.cloned.1.call-start
scs
__scs_entry_jumppad:
0x0: {  	(pc) =	sbr.rel $0x88, $3  }
0x1: {  	(tag) =	ssettag $0x0;
	lr =	simm.s32 $0x1  }
0x2: {  	[smem:$0x3F96] =	sst lr;
	_ =	strace $0xD0000000  }
0x3: {  	_ = 	snop  }
0x4: {  	_ = 	snop  }
0x5: {  	_ = 	snop  }
0x6: {  	_ = 	snop  }
0x7: {  	_ = 	snop  }
__scs_overlays_trampoline_lowered:
0x8: {  	[smem:$0x3FA5] =	sst s0  }
0x9: {  	[smem:$0x3FA6] =	sst s1  }
0xa: {  	[smem:$0x3FA7] =	sst s2  }
0xb: {  	[smem:$0x3FA8] =	sst s3  }
0xc: {  	[smem:$0x3FA9] =	sst s4  }
0xd: {  	[smem:$0x3FAA] =	sst s5  }
0xe: {  	[smem:$0x3FAB] =	sst s6  }
0xf: {  	[smem:$0x3FAC] =	sst s7  }
0x10: {  	[smem:$0x3FAD] =	sst s8  }
0x11: {  	[smem:$0x3FAE] =	sst s9;
	s0 =	simm.s32 @!p0 $0x0  }
0x12: {  	s1 =	sld [smem:$0x3F94];
	s0 =	simm.s32 @p0 $0x1  }
0x13: {  	[smem:$0x3FAF] =	sst s0;
	s0 =	simm.s32 @!p1 $0x0  }
0x14: {  	s2 =	sld [smem:$0x3F93];
	s0 =	simm.s32 @p1 $0x1  }
0x15: {  	[smem:$0x3FB0] =	sst s0;
	s0 =	simm.s32 @!p2 $0x0  }
0x16: {  	s3 =	sld [smem:$0x3FDB];
	s0 =	simm.s32 @p2 $0x1  }
0x17: {  	s4 =	simm.s32 $0x1BF5;
	[smem:$0x3FB2] =	sst s0  }
0x18: {  	s0 =	sld [smem:$0x3F95];
	_ =	swait.ge [sflag:s4], $0x0  }
0x19: {  	s7 =	sld [smem:$0x3F96]  }
0x1a: {  	s8 =	sadd.s32 $0xFFFFE003, lr  }
0x1b: {  	s9 =	sadd.s32 $0xFFFFFEF7, lr;
	s5 =	simm.s32 $0xFFFFFFFF;
	p2 =	slt.u32 s8, $0xFFFFF086  }
0x1c: {  	p1 =	slt.u32 s9, $0xF7A;
	s5 =	simm.s32 @!p2 $0x0  }
0x1d: {  	s5 =	simm.s32 @p1 $0x1;
	p0 =	seq.s32 s7, s2  }
0x1e: {  	s7 =	smul.u32 @!p0 $0xF7A, s2;
	p2 =	seq.s32 @!p0 s5, $0x0  }
0x1f: {  	s9 =	smul.u32 $0xF7A, s1;
	s8 =	simm.s32 @!p0 $0x1BF5;
	p2 =	por !p2, p0  }
0x20: {  	[sflag:s8] =	ssyncset.s32 @!p0 $0xFFFFF086;
	s6 =	sadd.s32 @!p0 s3, s7;
	s7 =	simm.s32 @!p0 $0x108  }
0x21: {  	s3 =	sadd.s32 s3, s9;
	s6 =	sadd.s32 @!p0 $0x88, s6;
	s7 =	simm.s32 @p2 $0x1082  }
0x22: {  	[simem:s7], [sflag:s8] =	dma.local @!p0 [hbm:s6], $0xF7A  }
0x23: {  	s9 =	sor.u32 $0xD0000000, s2;
	s6 =	simm.s32 $0x108;
	_ =	swait.ge @!p0 [sflag:s8], $0x0  }
0x24: {  	s3 =	sadd.s32 $0x88, s3;
	s6 =	simm.s32 @!p1 $0x1082;
	[sflag:s4] =	ssyncset.s32 $0xFFFFF086  }
0x25: {  	[simem:s6], [sflag:s4] =	dma.local [hbm:s3], $0xF7A  }
0x26: {  	[smem:$0x3F96] =	sst s1;
	(tag) =	ssettag s2;
	_ =	strace s9  }
0x27: {  	s1 =	sld [smem:$0x3FA6]  }
0x28: {  	s2 =	sld [smem:$0x3FA7]  }
0x29: {  	s4 =	sld [smem:$0x3FA9]  }
0x2a: {  	p0 =	seq.s32 s5, $0x0;
	s5 =	sld [smem:$0x3FAA]  }
0x2b: {  	s6 =	sld [smem:$0x3FAB]  }
0x2c: {  	s7 =	sld [smem:$0x3FAC]  }
0x2d: {  	s3 =	simm.s32 $0x108;
	s8 =	sld [smem:$0x3FAD]  }
0x2e: {  	s3 =	simm.s32 @!p0 $0x1082;
	s9 =	sld [smem:$0x3FAE]  }
0x2f: {  	lr =	sadd.s32 s0, s3;
	s0 =	sld [smem:$0x3FA5]  }
0x30: {  	s3 =	sld [smem:$0x3FA8]  }
0x31: {  	[smem:$0x3FB1] =	sst s10  }
0x32: {  	s10 =	sld [smem:$0x3FAF];
	_ =	sdelay $0x3  }
0x33: {  	p0 =	seq.s32 s10, $0x1;
	s10 =	sld [smem:$0x3FB1];
	_ =	sdelay $0x3  }
0x34: {  	[smem:$0x3FB1] =	sst s10  }
0x35: {  	s10 =	sld [smem:$0x3FB0];
	_ =	sdelay $0x3  }
0x36: {  	p1 =	seq.s32 s10, $0x1;
	s10 =	sld [smem:$0x3FB1];
	_ =	sdelay $0x3  }
0x37: {  	[smem:$0x3FB1] =	sst s10  }
0x38: {  	s10 =	sld [smem:$0x3FB2]  }
0x39: {  	_ = 	snop;
	(pc) =	sbr.ind lr, $3  }
0x3a: {  	_ = 	snop  }
0x3b: {  	_ = 	snop  }
0x3c: {  	p2 =	seq.s32 s10, $0x1;
	s10 =	sld [smem:$0x3FB1]  }
0x3d: {  	_ =	shalt  }
0x3e: {  	_ =	shalt  }
0x3f: {  	_ =	shalt  }
0x40: {  	_ =	shalt  }
0x41: {  	_ =	shalt  }
0x42: {  	_ =	shalt  }
0x43: {  	_ =	shalt  }
0x44: {  	_ =	shalt  }
0x45: {  	_ =	shalt  }
0x46: {  	_ =	shalt  }
0x47: {  	_ =	shalt  }
0x48: {  	_ =	shalt  }
0x49: {  	_ =	shalt  }
0x4a: {  	_ =	shalt  }
0x4b: {  	_ =	shalt  }
0x4c: {  	_ =	shalt  }
0x4d: {  	_ =	shalt  }
0x4e: {  	_ =	shalt  }
0x4f: {  	_ =	shalt  }
0x50: {  	_ =	shalt  }
0x51: {  	_ =	shalt  }
0x52: {  	_ =	shalt  }
0x53: {  	_ =	shalt  }
0x54: {  	_ =	shalt  }
0x55: {  	_ =	shalt  }
0x56: {  	_ =	shalt  }
0x57: {  	_ =	shalt  }
0x58: {  	_ =	shalt  }
0x59: {  	_ =	shalt  }
0x5a: {  	_ =	shalt  }
0x5b: {  	_ =	shalt  }
0x5c: {  	_ =	shalt  }
0x5d: {  	_ =	shalt  }
0x5e: {  	_ =	shalt  }
0x5f: {  	_ =	shalt  }
0x60: {  	_ =	shalt  }
0x61: {  	_ =	shalt  }
0x62: {  	_ =	shalt  }
0x63: {  	_ =	shalt  }
0x64: {  	_ =	shalt  }
0x65: {  	_ =	shalt  }
0x66: {  	_ =	shalt  }
0x67: {  	_ =	shalt  }
0x68: {  	_ =	shalt  }
0x69: {  	_ =	shalt  }
0x6a: {  	_ =	shalt  }
0x6b: {  	_ =	shalt  }
0x6c: {  	_ =	shalt  }
0x6d: {  	_ =	shalt  }
0x6e: {  	_ =	shalt  }
0x6f: {  	_ =	shalt  }
0x70: {  	_ =	shalt  }
0x71: {  	_ =	shalt  }
0x72: {  	_ =	shalt  }
0x73: {  	_ =	shalt  }
0x74: {  	_ =	shalt  }
0x75: {  	_ =	shalt  }
0x76: {  	_ =	shalt  }
0x77: {  	_ =	shalt  }
0x78: {  	_ =	shalt  }
0x79: {  	_ =	shalt  }
0x7a: {  	_ =	shalt  }
0x7b: {  	_ =	shalt  }
0x7c: {  	_ =	shalt  }
0x7d: {  	_ =	shalt  }
0x7e: {  	_ =	shalt  }
0x7f: {  	_ =	shalt  }
0x80: {  	_ =	shalt  }
0x81: {  	_ =	shalt  }
0x82: {  	_ =	shalt  }
0x83: {  	_ =	shalt  }
0x84: {  	_ =	shalt  }
0x85: {  	_ =	shalt  }
0x86: {  	_ =	shalt  }
0x87: {  	_ =	shalt  }
.Lfunc_end0:
.L_simem_size_0:
called_computation_lowered:
.L_overlay_start_0:
0x88: {  	s2 =	sld [smem:$0x3FD9]  }
0x89: {  	s3 =	sld [smem:$0x3FFE];
	_ =	sdelay $0x1  }
0x8a: {  	s1 =	srdreg.scid  }
0x8b: {  	s0 =	sand.u32 $0x1, s1  }
0x8c: {  	s17 =	sshll.u32 s0, $0xA;
	s2 =	sadd.s32 s3, s2  }
0x8d: {  	s2 =	sadd.s32 s2, s17  }
0x8e: {  	[smem:$0x3FBD] =	sst s2  }
0x8f: {  	_ = 	snop  }
0x90: {  	s2 =	sld [smem:$0x3FC9]  }
0x91: {  	s18 =	sld [smem:$0x3FD0];
	(tm) =	ssettm $0x1  }
0x92: {  	s4 =	sld [smem:$0x3FFB];
	_ =	sdelay $0x3  }
0x93: {  	_ =	strace s4  }
0x94: {  	s4 =	sld [smem:$0x3FFC];
	_ =	sdelay $0x3  }
0x95: {  	_ =	strace s4  }
0x96: {  	s4 =	sld [smem:$0x3FFD];
	_ =	sdelay $0x3  }
0x97: {  	_ =	strace s4  }
0x98: {  	_ =	strace $0x8FFFFFFF  }
0x99: {  	s19 =	sld [smem:$0x3FDB];
	_ =	sdelay $0x1  }
0x9a: {  	s5 =	simm.s32 $_scs_section_size  }
0x9b: {  	s6 =	simm.s32 $_size__tile_overlayer_lowered;
	s7 =	simm.s32 $_tile_overlayer_lowered  }
0x9c: {  	s22 =	simm.s32 $0x1BFF;
	s21 =	sshll.u32 s7, $0x1;
	s4 =	sadd.s32 s5, s19  }
0x9d: {  	s8 =	simm.s32 $0x0;
	s20 =	sshll.u32 s6, $0x1;
	s6 =	sadd.s32 s21, s4  }
0x9e: {  	[timem:s8], [sflag:s22] =	dma.local [hbm:s6], s20  }
0x9f: {  	_ =	swait.ge [sflag:s22], s20  }
0xa0: {  	s5 =	ssub.s32 $0x0, s20;
	[sflag:s22] =	ssyncset.done $0x0  }
0xa1: {  	[sflag:s22] =	ssyncadd.s32 s5;
	_ =	sdelay $0x1  }
0xa2: {  	s23 =	simm.s32 $0x1B8B  }
0xa3: {  	_ =	swait.ge [sflag:s23], $0x1  }
0xa4: {  	[sflag:s23] =	ssyncset.done $0x0  }
0xa5: {  	s25 =	simm.s32 $0x1B8E;
	s24 =	sld [smem:$0x3FFE];
	[sflag:s23] =	ssyncadd.s32 $0xFFFFFFFF  }
0xa6: {  	s26 =	simm.s32 $execute0_lowered;
	[smem:$0x3FD2] =	sst s25  }
0xa7: {  	s6 =	sshll.u32 s26, $0x1;
	_ =	strace $0x80000046;
	[dreg:$0x1] =	wrdreg $0xFFFFFFFF  }
0xa8: {  	s28 =	simm.s32 $_size_execute0_lowered;
	s4 =	sadd.s32 s4, s6;
	[dreg:$0x0] =	wrdreg $0x0  }
0xa9: {  	s6 =	sshll.u32 s28, $0x1;
	[dreg:$0x2] =	wrdreg s4  }
0xaa: {  	[dreg:$0x3] =	wrdreg s6  }
0xab: {  	[dreg:$0x4] =	wrdreg $0xC0  }
0xac: {  	_ =	task [dreg:s8], $0x5FFFF  }
0xad: {  	[dreg:$0x1] =	wrdreg $0xFFFFFFFF  }
0xae: {  	[dreg:$0x0] =	wrdreg $0x60  }
0xaf: {  	[dreg:$0x2] =	wrdreg s2  }
0xb0: {  	[dreg:$0x3] =	wrdreg s24  }
0xb1: {  	[dreg:$0x4] =	wrdreg s18  }
0xb2: {  	[dreg:$0x5] =	wrdreg $0x9  }
0xb3: {  	_ =	task.clear_ibuf [dreg:s8], $0x6FFFF;
	_ =	strace $0x90000046  }
0xb4: {  	s29 =	simm.s32 $0x9;
	_ =	strace $0x80000048  }
0xb5: {  	_ =	swait.ge [sflag:s29], $0x1  }
0xb6: {  	[sflag:s29] =	ssyncadd.s32 $0xFFFFFFFF  }
0xb7: {  	_ =	strace $0x90000048  }
0xb8: {  	_ =	sfence  }
0xb9: {  	s30 =	sld [smem:$0x0];
	_ =	sdelay $0x2  }
0xba: {  	s31 =	sshll.u32 s1, $0xD;
	s1 =	sshrl.u32 s1, $0x2  }
0xbb: {  	s3 =	sand.u32 $0x4000, s31;
	s1 =	sadd.s32 s1, s30  }
0xbc: {  	s0 =	sor.u32 s3, s0;
	s1 =	sshll.u32 s1, $0x11  }
0xbd: {  	s0 =	sor.u32 s1, s0  }
0xbe: {  	s0 =	sadd.s32 $0x8F2B, s0  }
0xbf: {  	[sflag:s0] =	ssyncadd.remote.s32 $0x1  }
0xc0: {  	_ =	sfence.sel $0xFFFF  }
0xc1: {  	[dreg:$0x0] =	wrdreg $0xFFFFFFFF;
	(pc) =	sbr.abs _section_cstart, $3  }
0xc2: {  	[dreg:$0x1] =	wrdreg $0xFFFFFFFF  }
0xc3: {  	_ =	task.clear_ibuf [dreg:s8], $0x2FFFF;
	_ =	strace $0x9FFFFFFF  }
0xc4: {  	(tm) =	ssettm $0x7FFFFFFF  }
0xc5: {  	_ =	shalt  }
tec
execute0_lowered:
.L_overlay_start_1:
0x0: {  	(tag) =	ssettag $0x1  }
0x1: {  	s1 =	rddreg [dreg:$0x0];
	s2 =	srdreg.scid  }
0x2: {  	s4 =	rddreg [dreg:$0x1];
	s0 =	stileid.u32;
	s3 =	simm.s32 $0x0  }
0x3: {  	s15 =	simm.s32 $0x880;
	s16 =	simm.s32 $0x1080;
	s18 =	simm.s32 $0x1880  }
0x4: {  	s19 =	simm.s32 $0x2080;
	s5 =	sand.u32 $0x1, s2;
	s2 =	rddreg [dreg:$0x2]  }
0x5: {  	s21 =	simm.s32 $0x2880;
	s22 =	simm.s32 $0x3080;
	[smem:$0x7FF] =	sst s3  }
0x6: {  	s23 =	simm.s32 $0x3880;
	_ =	strace $0x80000047;
	[dreg:$0x6] =	wrdreg s15  }
0x7: {  	s24 =	simm.s32 $0x4080;
	s25 =	simm.s32 $0x4880;
	[dreg:$0x7] =	wrdreg s16  }
0x8: {  	s8 =	simm.s32 $0x2;
	s26 =	simm.s32 $0x5080;
	[dreg:$0x8] =	wrdreg s18  }
0x9: {  	s9 =	simm.s32 $0x80;
	s11 =	simm.s32 $0x6080;
	[dreg:$0x9] =	wrdreg s19  }
0xa: {  	s12 =	simm.s32 $0x6880;
	s13 =	simm.s32 $0x7080;
	[dreg:$0xa] =	wrdreg s21  }
0xb: {  	s14 =	simm.s32 $0x7880;
	s28 =	simm.s32 $0xE080;
	[dreg:$0xb] =	wrdreg s22  }
0xc: {  	s29 =	simm.s32 $0xE880;
	s30 =	simm.s32 $0xF080;
	[dreg:$0xc] =	wrdreg s23  }
0xd: {  	s31 =	simm.s32 $0xF880;
	s6 =	sshll.u32 s0, $0x7;
	[dreg:$0xd] =	wrdreg s24  }
0xe: {  	s7 =	sshll.u32 s5, $0x6;
	s17 =	ssub.s32 $0x2, s5;
	[dreg:$0xe] =	wrdreg s25  }
0xf: {  	[dreg:$0xf] =	wrdreg s26;
	s15 =	simm.s32 $0x8080;
	s16 =	simm.s32 $0x8880  }
0x10: {  	s18 =	simm.s32 $0x9880;
	s19 =	simm.s32 $0xA080;
	s21 =	simm.s32 $0xB080  }
0x11: {  	s22 =	simm.s32 $0xB880;
	s23 =	simm.s32 $0xC080;
	s24 =	simm.s32 $0xC880  }
0x12: {  	s25 =	simm.s32 $0xD080;
	s26 =	simm.s32 $0xD880;
	s6 =	sor.u32 s7, s6  }
0x13: {  	s5 =	sshrl.u32 s17, $0x1;
	s7 =	sshrl.u32 s6, $0x3;
	s6 =	sshll.u32 s6, $0x7  }
0x14: {  	s20 =	ssub.s32 s17, s5;
	s5 =	sadd.s32 $0x200, s2;
	s17 =	simm.s32 $0x9080  }
0x15: {  	v2 =	vlaneseq.u32;
	s4 =	sadd.s32 s4, s7;
	s1 =	sadd.s32 s1, s6;
	s6 =	sadd.s32 $0x300, s2  }
0x16: {  	vm0 =	vmmov $0xffff;
	v1 =	vshrl.u32 v2, $0x3;
	s7 =	smax.u32 s20, $0x1;
	s20 =	simm.s32 $0xA880;
	[dreg:$0x4] =	wrdreg s4  }
0x17: {  	v0 =	vand.u32 $0x7, v2;
	v2 =	vor.u32 $0x8, v2;
	v1 =	vmul.u32 $0x8, v1;
	[dreg:$0x5] =	wrdreg s1;
	s4 =	sadd.s32 $0x100, s2;
	s1 =	simm.s32 $0x1  }
.LBB2_1:
0x18: {  	s0 =	rddreg [dreg:$0x4]  }
0x19: {  	[tilespmem:s3], [sflag:$0x2] =	stream.linear.gather [hbm4b:s0+s3], $0x40, $0x38;
	[tilespmem:$0x10080] =	vst v63  }
0x1a: {  	_ =	swait.ge [sflag:s8], $0x40  }
0x1b: {  	[sflag:s8] =	ssyncset.done $0x0  }
0x1c: {  	s10 =	rddreg [dreg:$0x5];
	[sflag:s8] =	ssyncadd.s32 $0xFFFFFFC0  }
0x1d: {  	[tilespmem:s9], [sflag:$0x2] =	stream.linear.gather [hbm4b:s10+s3], $0x10000, $0x38;
	[tilespmem:$0x10080] =	vst v63  }
0x1e: {  	_ =	swait.ge [sflag:s8], $0x10000  }
0x1f: {  	[sflag:s8] =	ssyncset.done $0x0  }
0x20: {  	[sflag:s8] =	ssyncadd.s32 $0xFFFF0000  }
0x21: {  	v3 =	vld [tilespmem:$0x0];
	_ =	sdelay $0x4  }
0x22: {  	v4 =	vshll.u32 v3, $0x3  }
0x23: {  	v3 =	vand.u32 $0x7, v3;
	v4 =	vand.u32 $0xFFFFFFC0, v4  }
0x24: {  	v3 =	vor.u32 v3, v4  }
0x25: {  	v4 =	vperm.xlane v3, v0;
	_ =	sdelay $0x1  }
0x26: {  	v4 =	vadd.s32 v1, v4;
	_ =	sdelay $0x4  }
0x27: {  	[hbm4b:s2+s3] =	stream.indirect_vreg.scatter [tilespmem:s9], [sflag:$0x1], $0x80, v4, vm0, $0xb8;
	[tilespmem:$0x10080] =	vst v63  }
0x28: {  	s0 =	rddreg [dreg:$0x6];
	v3 =	vperm.xlane v3, v2  }
0x29: {  	[hbm4b:s4+s3] =	stream.indirect_vreg.scatter [tilespmem:s0], [sflag:$0x1], $0x80, v4, vm0, $0xb8;
	[tilespmem:$0x10080] =	vst v63  }
0x2a: {  	s10 =	rddreg [dreg:$0x7];
	v3 =	vadd.s32 v1, v3  }
0x2b: {  	[hbm4b:s5+s3] =	stream.indirect_vreg.scatter [tilespmem:s10], [sflag:$0x1], $0x80, v4, vm0, $0xb8;
	[tilespmem:$0x10080] =	vst v63  }
0x2c: {  	s0 =	rddreg [dreg:$0x8]  }
0x2d: {  	[hbm4b:s6+s3] =	stream.indirect_vreg.scatter [tilespmem:s0], [sflag:$0x1], $0x80, v4, vm0, $0xb8;
	[tilespmem:$0x10080] =	vst v63  }
0x2e: {  	s10 =	rddreg [dreg:$0x9]  }
0x2f: {  	[hbm4b:s2+s3] =	stream.indirect_vreg.scatter [tilespmem:s10], [sflag:$0x1], $0x80, v3, vm0, $0xb8;
	[tilespmem:$0x10080] =	vst v63  }
0x30: {  	s0 =	rddreg [dreg:$0xa]  }
0x31: {  	[hbm4b:s4+s3] =	stream.indirect_vreg.scatter [tilespmem:s0], [sflag:$0x1], $0x80, v3, vm0, $0xb8;
	[tilespmem:$0x10080] =	vst v63  }
0x32: {  	s10 =	rddreg [dreg:$0xb]  }
0x33: {  	[hbm4b:s5+s3] =	stream.indirect_vreg.scatter [tilespmem:s10], [sflag:$0x1], $0x80, v3, vm0, $0xb8;
	[tilespmem:$0x10080] =	vst v63  }
0x34: {  	s0 =	rddreg [dreg:$0xc]  }
0x35: {  	[hbm4b:s6+s3] =	stream.indirect_vreg.scatter [tilespmem:s0], [sflag:$0x1], $0x80, v3, vm0, $0xb8;
	[tilespmem:$0x10080] =	vst v63  }
0x36: {  	v3 =	vld [tilespmem:$0x10];
	_ =	sdelay $0x4  }
0x37: {  	v61 =	vshll.u32 v3, $0x3  }
0x38: {  	v3 =	vand.u32 $0x7, v3;
	v4 =	vand.u32 $0xFFFFFFC0, v61  }
0x39: {  	v3 =	vor.u32 v3, v4  }
0x3a: {  	v4 =	vperm.xlane v3, v0;
	_ =	sdelay $0x1  }
0x3b: {  	v4 =	vadd.s32 v1, v4;
	_ =	sdelay $0x3  }
0x3c: {  	s0 =	rddreg [dreg:$0xd]  }
0x3d: {  	[hbm4b:s2+s3] =	stream.indirect_vreg.scatter [tilespmem:s0], [sflag:$0x1], $0x80, v4, vm0, $0xb8;
	[tilespmem:$0x10080] =	vst v63  }
0x3e: {  	s10 =	rddreg [dreg:$0xe];
	v3 =	vperm.xlane v3, v2  }
0x3f: {  	[hbm4b:s4+s3] =	stream.indirect_vreg.scatter [tilespmem:s10], [sflag:$0x1], $0x80, v4, vm0, $0xb8;
	[tilespmem:$0x10080] =	vst v63  }
0x40: {  	v3 =	vadd.s32 v1, v3;
	s0 =	rddreg [dreg:$0xf]  }
0x41: {  	[hbm4b:s5+s3] =	stream.indirect_vreg.scatter [tilespmem:s0], [sflag:$0x1], $0x80, v4, vm0, $0xb8;
	[tilespmem:$0x10080] =	vst v63  }
0x42: {  	s10 =	simm.s32 $0x5880  }
0x43: {  	[hbm4b:s6+s3] =	stream.indirect_vreg.scatter [tilespmem:s10], [sflag:$0x1], $0x80, v4, vm0, $0xb8;
	[tilespmem:$0x10080] =	vst v63  }
0x44: {  	_ = 	snop  }
0x45: {  	[hbm4b:s2+s3] =	stream.indirect_vreg.scatter [tilespmem:s11], [sflag:$0x1], $0x80, v3, vm0, $0xb8;
	[tilespmem:$0x10080] =	vst v63  }
0x46: {  	_ = 	snop  }
0x47: {  	[hbm4b:s4+s3] =	stream.indirect_vreg.scatter [tilespmem:s12], [sflag:$0x1], $0x80, v3, vm0, $0xb8;
	[tilespmem:$0x10080] =	vst v63  }
0x48: {  	_ = 	snop  }
0x49: {  	[hbm4b:s5+s3] =	stream.indirect_vreg.scatter [tilespmem:s13], [sflag:$0x1], $0x80, v3, vm0, $0xb8;
	[tilespmem:$0x10080] =	vst v63  }
0x4a: {  	_ = 	snop  }
0x4b: {  	[hbm4b:s6+s3] =	stream.indirect_vreg.scatter [tilespmem:s14], [sflag:$0x1], $0x80, v3, vm0, $0xb8;
	[tilespmem:$0x10080] =	vst v63  }
0x4c: {  	v3 =	vld [tilespmem:$0x20];
	_ =	sdelay $0x4  }
0x4d: {  	v62 =	vshll.u32 v3, $0x3  }
0x4e: {  	v3 =	vand.u32 $0x7, v3;
	v4 =	vand.u32 $0xFFFFFFC0, v62  }
0x4f: {  	v3 =	vor.u32 v3, v4  }
0x50: {  	v4 =	vperm.xlane v3, v0;
	_ =	sdelay $0x1  }
0x51: {  	v4 =	vadd.s32 v1, v4;
	_ =	sdelay $0x4  }
0x52: {  	[hbm4b:s2+s3] =	stream.indirect_vreg.scatter [tilespmem:s15], [sflag:$0x1], $0x80, v4, vm0, $0xb8;
	[tilespmem:$0x10080] =	vst v63  }
0x53: {  	v3 =	vperm.xlane v3, v2  }
0x54: {  	[hbm4b:s4+s3] =	stream.indirect_vreg.scatter [tilespmem:s16], [sflag:$0x1], $0x80, v4, vm0, $0xb8;
	[tilespmem:$0x10080] =	vst v63  }
0x55: {  	v3 =	vadd.s32 v1, v3  }
0x56: {  	[hbm4b:s5+s3] =	stream.indirect_vreg.scatter [tilespmem:s17], [sflag:$0x1], $0x80, v4, vm0, $0xb8;
	[tilespmem:$0x10080] =	vst v63  }
0x57: {  	_ = 	snop  }
0x58: {  	[hbm4b:s6+s3] =	stream.indirect_vreg.scatter [tilespmem:s18], [sflag:$0x1], $0x80, v4, vm0, $0xb8;
	[tilespmem:$0x10080] =	vst v63  }
0x59: {  	_ = 	snop  }
0x5a: {  	[hbm4b:s2+s3] =	stream.indirect_vreg.scatter [tilespmem:s19], [sflag:$0x1], $0x80, v3, vm0, $0xb8;
	[tilespmem:$0x10080] =	vst v63  }
0x5b: {  	_ = 	snop  }
0x5c: {  	[hbm4b:s4+s3] =	stream.indirect_vreg.scatter [tilespmem:s20], [sflag:$0x1], $0x80, v3, vm0, $0xb8;
	[tilespmem:$0x10080] =	vst v63  }
0x5d: {  	_ = 	snop  }
0x5e: {  	[hbm4b:s5+s3] =	stream.indirect_vreg.scatter [tilespmem:s21], [sflag:$0x1], $0x80, v3, vm0, $0xb8;
	[tilespmem:$0x10080] =	vst v63  }
0x5f: {  	_ = 	snop  }
0x60: {  	[hbm4b:s6+s3] =	stream.indirect_vreg.scatter [tilespmem:s22], [sflag:$0x1], $0x80, v3, vm0, $0xb8;
	[tilespmem:$0x10080] =	vst v63  }
0x61: {  	v3 =	vld [tilespmem:$0x30];
	_ =	sdelay $0x4  }
0x62: {  	v63 =	vshll.u32 v3, $0x3  }
0x63: {  	v3 =	vand.u32 $0x7, v3;
	v4 =	vand.u32 $0xFFFFFFC0, v63  }
0x64: {  	v3 =	vor.u32 v3, v4  }
0x65: {  	v4 =	vperm.xlane v3, v0;
	_ =	sdelay $0x1  }
0x66: {  	v4 =	vadd.s32 v1, v4;
	_ =	sdelay $0x4  }
0x67: {  	[hbm4b:s2+s3] =	stream.indirect_vreg.scatter [tilespmem:s23], [sflag:$0x1], $0x80, v4, vm0, $0xb8;
	[tilespmem:$0x10080] =	vst v63  }
0x68: {  	v3 =	vperm.xlane v3, v2  }
0x69: {  	[hbm4b:s4+s3] =	stream.indirect_vreg.scatter [tilespmem:s24], [sflag:$0x1], $0x80, v4, vm0, $0xb8;
	[tilespmem:$0x10080] =	vst v63  }
0x6a: {  	v3 =	vadd.s32 v1, v3  }
0x6b: {  	[hbm4b:s5+s3] =	stream.indirect_vreg.scatter [tilespmem:s25], [sflag:$0x1], $0x80, v4, vm0, $0xb8;
	[tilespmem:$0x10080] =	vst v63  }
0x6c: {  	_ = 	snop  }
0x6d: {  	[hbm4b:s6+s3] =	stream.indirect_vreg.scatter [tilespmem:s26], [sflag:$0x1], $0x80, v4, vm0, $0xb8;
	[tilespmem:$0x10080] =	vst v63  }
0x6e: {  	_ = 	snop  }
0x6f: {  	[hbm4b:s2+s3] =	stream.indirect_vreg.scatter [tilespmem:s28], [sflag:$0x1], $0x80, v3, vm0, $0xb8;
	[tilespmem:$0x10080] =	vst v63  }
0x70: {  	_ = 	snop  }
0x71: {  	[hbm4b:s4+s3] =	stream.indirect_vreg.scatter [tilespmem:s29], [sflag:$0x1], $0x80, v3, vm0, $0xb8;
	[tilespmem:$0x10080] =	vst v63  }
0x72: {  	p0 =	sne.s32 s7, $0x1  }
0x73: {  	[hbm4b:s5+s3] =	stream.indirect_vreg.scatter [tilespmem:s30], [sflag:$0x1], $0x80, v3, vm0, $0xb8;
	[tilespmem:$0x10080] =	vst v63  }
.Ltmp0:
0x74: {  	_ = 	snop;
	(pc) =	sbr.rel @p0 .LBB2_1-.Ltmp0, $4  }
0x75: {  	[hbm4b:s6+s3] =	stream.indirect_vreg.scatter [tilespmem:s31], [sflag:$0x1], $0x80, v3, vm0, $0xb8;
	[tilespmem:$0x10080] =	vst v63  }
0x76: {  	_ =	swait.ge [sflag:s1], $0x10000  }
0x77: {  	[sflag:s1] =	ssyncset.done $0x0  }
0x78: {  	s7 =	sadd.s32 $0xFFFFFFFF, s7;
	[sflag:s1] =	ssyncadd.s32 $0xFFFF0000  }
0x79: {  	_ =	sfence.sel $0x180000  }
0x7a: {  	[bflag:$0x0] =	sbarrier.arrive $0xFFFF  }
0x7b: {  	_ =	strace $0x90000047  }
0x7c: {  	s0 =	stileid.u32;
	[bflag:$0x2] =	sbarrier.arrive $0xFFFF  }
0x7d: {  	p0 =	sne.s32 s0, $0x0;
	s0 =	rddreg [dreg:$0x3]  }
0x7e: {  	s0 =	sadd.s32 @!p0 $0x100000, s0  }
0x7f: {  	[sflag:s0] =	ssyncadd.tile.s32 @!p0 $0x1;
	_ =	shalt  }
.Lfunc_end2:
_tile_overlayer_lowered:
.L_overlay_start_2:
0x80: {  	(tag) =	ssettag $0x2  }
0x81: {  	s0 =	rddreg [dreg:$0x0];
	s2 =	stileid.u32  }
0x82: {  	s1 =	rddreg [dreg:$0x1];
	p0 =	sne.s32 s2, $0x0  }
0x83: {  	s3 =	rddreg [dreg:$0x2];
	[bflag:$0x3] =	sbarrier.arrive $0xFFFF;
	s2 =	simm.s32 @!p0 $0x1C02  }
0x84: {  	[timem:s3], [sflag:s2] =	dma.local @!p0 [hbm:s0], s1  }
0x85: {  	s0 =	simm.s32 @!p0 $0x2  }
0x86: {  	_ =	swait.ge @!p0 [sflag:s0], s1  }
0x87: {  	s1 =	ssub.s32 @!p0 $0x0, s1;
	[sflag:s0] =	ssyncset.done @!p0 $0x0  }
0x88: {  	[sflag:s0] =	ssyncadd.s32 @!p0 s1  }
0x89: {  	[bflag:$0x3] =	sbarrier.arrive $0xFFFF  }
0x8a: {  	_ =	shalt  }

</sc_bundles>
